<compile_context>
chip_gen: v7x
topology: tpu7x:2x2x1
jax: 0.10.2.dev20260603
libtpu: 0.0.44.dev20260713+nightly
codegen_flags: <defaults>
</compile_context>

<pallas_src>
import jax
import jax.numpy as jnp
from jax import lax
from jax.experimental import pallas as pl
from jax.experimental.pallas import tpu as pltpu
from jax.experimental.pallas import tpu_sc as plsc

N = 10000
D = 128
DEG = 32
K = 5
GROUP = 16
NGROUPS = N // GROUP
NWORKERS = 32
ROW_BLK = 2000



def _score_body(f_ref, wat_ref, watat_ref, s_ref):
    fb = f_ref[...].astype(jnp.bfloat16)
    wb = wat_ref[...].astype(jnp.bfloat16)
    zb = lax.dot_general(fb, wb, (((1,), (1,)), ((), ())),
                         preferred_element_type=jnp.float32)
    zbb = zb.astype(jnp.bfloat16)
    w1b = watat_ref[:, :D].astype(jnp.bfloat16)
    s_ref[...] = lax.dot_general(w1b, zbb, (((1,), (1,)), ((), ())),
                                 preferred_element_type=jnp.float32)


def _tc_score(features, W_at, W_atat):
    return pl.pallas_call(
        _score_body,
        out_shape=jax.ShapeDtypeStruct((1, N), jnp.float32),
    )(features, W_at, W_atat)



MAXI = (NGROUPS + NWORKERS - 1) // NWORKERS


def _sc_body(f_hbm, s_hbm, ei_hbm, h_hbm,
             s_v, src_v, svals_v, idx_v, rows_v, hsum_v, sems, sems_w,
             sems_src):
    cid = lax.axis_index("c")
    sid = lax.axis_index("s")
    wid = sid * 2 + cid
    iota = lax.iota(jnp.int32, GROUP)
    ioff = iota * DEG
    minf = jnp.full((GROUP,), -jnp.inf, jnp.float32)

    CH = GROUP * DEG

    def _chunk_copy(b, g):
        return pltpu.make_async_copy(ei_hbm.at[0, pl.ds(g * CH, CH)],
                                     src_v[b], sems_src[b])

    _chunk_copy(0, wid).start()
    pltpu.sync_copy(s_hbm.at[0], s_v)

    def select_and_fire(b, g):
        _chunk_copy(b, g).wait()
        gn = g + NWORKERS

        @pl.when(gn < NGROUPS)
        def _():
            _chunk_copy(1 - b, gn).start()

        zero_ai = jnp.zeros((GROUP,), jnp.int32)

        def fillmax(j, carry):
            m, ai = carry
            srcs = plsc.load_gather(src_v[b], [ioff + j])
            sv = plsc.load_gather(s_v, [srcs])
            svals_v[pl.ds(j * GROUP, GROUP)] = sv
            gt = sv > m
            return jnp.where(gt, sv, m), jnp.where(gt, j, ai)
        m, ai = lax.fori_loop(0, DEG, fillmax, (minf, zero_ai), unroll=8)

        for p in range(K):
            plsc.store_scatter(svals_v, [ai * GROUP + iota], minf)
            srcsel = plsc.load_gather(src_v[b], [ioff + ai])
            idx_v[b][pl.ds(p * GROUP, GROUP)] = srcsel
            if p == K - 1:
                break

            def scanmax(j, carry):
                m, ai = carry
                v = svals_v[pl.ds(j * GROUP, GROUP)]
                gt = v > m
                return jnp.where(gt, v, m), jnp.where(gt, j, ai)
            m, ai = lax.fori_loop(0, DEG, scanmax, (minf, zero_ai),
                                  unroll=8)

        pltpu.make_async_copy(f_hbm.at[idx_v[b]], rows_v[b], sems[b]).start()

    def drain(b, g):
        pltpu.make_async_copy(f_hbm.at[idx_v[b]], rows_v[b], sems[b]).wait()

        @pl.when(g >= 2 * NWORKERS)
        def _():
            pltpu.make_async_copy(
                hsum_v[b], h_hbm.at[pl.ds((g - 2 * NWORKERS) * GROUP, GROUP)],
                sems_w[b]).wait()

        @plsc.parallel_loop(0, GROUP)
        def _(l):
            for d in range(D // 16):
                acc = rows_v[b][l, pl.ds(d * 16, 16)]
                for p in range(1, K):
                    acc = acc + rows_v[b][p * GROUP + l, pl.ds(d * 16, 16)]
                hsum_v[b][l, pl.ds(d * 16, 16)] = acc

        pltpu.make_async_copy(hsum_v[b],
                              h_hbm.at[pl.ds(g * GROUP, GROUP)],
                              sems_w[b]).start()

    def step(k, c):
        for bb in range(2):
            i = k * 2 + bb
            g = wid + i * NWORKERS

            @pl.when(g < NGROUPS)
            def _():
                select_and_fire(bb, g)

            gp = wid + (i - 1) * NWORKERS

            @pl.when(jnp.logical_and(i >= 1, gp < NGROUPS))
            def _():
                drain(1 - bb, gp)
        return c

    lax.fori_loop(0, MAXI // 2, step, 0)
    g_last = wid + (MAXI - 1) * NWORKERS

    @pl.when(g_last < NGROUPS)
    def _():
        drain((MAXI - 1) % 2, g_last)

    for b in range(2):
        pltpu.make_async_copy(hsum_v[b], h_hbm.at[pl.ds(0, GROUP)],
                              sems_w[b]).wait()


def _sc_gather(features, s2d, edge_index):
    mesh = plsc.VectorSubcoreMesh(core_axis_name="c", subcore_axis_name="s")
    run = pl.kernel(
        _sc_body,
        out_type=jax.ShapeDtypeStruct((N, D), jnp.float32),
        mesh=mesh,
        scratch_types=[
            pltpu.VMEM((N,), jnp.float32),
            [pltpu.VMEM((GROUP * DEG,), jnp.int32)] * 2,
            pltpu.VMEM((DEG * GROUP,), jnp.float32),
            [pltpu.VMEM((K * GROUP,), jnp.int32)] * 2,
            [pltpu.VMEM((K * GROUP, D), jnp.float32)] * 2,
            [pltpu.VMEM((GROUP, D), jnp.float32)] * 2,
            [pltpu.SemaphoreType.DMA] * 2,
            [pltpu.SemaphoreType.DMA] * 2,
            [pltpu.SemaphoreType.DMA] * 2,
        ],
        compiler_params=pltpu.CompilerParams(needs_layout_passes=False),
    )
    return run(features, s2d, edge_index)



def _out_body(f_ref, h_ref, w_ref, b_ref, o_ref):
    x = (f_ref[...] + h_ref[...] * (1.0 / K)).astype(jnp.bfloat16)
    wb = w_ref[...].astype(jnp.bfloat16)
    o_ref[...] = lax.dot_general(x, wb, (((1,), (1,)), ((), ())),
                                 preferred_element_type=jnp.float32) + b_ref[...]


def _tc_out(features, h, W_self, b_row):
    return pl.pallas_call(
        _out_body,
        grid=(N // ROW_BLK,),
        in_specs=[
            pl.BlockSpec((ROW_BLK, D), lambda i: (i, 0)),
            pl.BlockSpec((ROW_BLK, D), lambda i: (i, 0)),
            pl.BlockSpec((D, D), lambda i: (0, 0)),
            pl.BlockSpec((1, D), lambda i: (0, 0)),
        ],
        out_specs=pl.BlockSpec((ROW_BLK, D), lambda i: (i, 0)),
        out_shape=jax.ShapeDtypeStruct((N, D), jnp.float32),
    )(features, h, W_self, b_row)



@jax.jit
def _run(features, edge_index, W_at, W_atat, W_self, b_self):
    s = _tc_score(features, W_at, W_atat)
    h = _sc_gather(features, s, edge_index)
    return _tc_out(features, h, W_self, b_self.reshape(1, D))


def kernel(features, edge_index, PERSON_NUM, JOINT_NUM,
           W_at, W_atat, W_self, b_self):
    return _run(features, edge_index.astype(jnp.int32),
                W_at, W_atat, W_self, b_self)

# --- scband reference (transcript-rebuilt; emitter-appended) ---
"""Pipeline reference for scband-gcn-8495445311789 (READ-ONLY COPY).

The authoritative reference and input builder live on the scoring server;
editing this copy changes nothing except your own understanding.
"""

import jax, jax.numpy as jnp
import numpy as np

N_NODES = 10000
DEG = 32
D = 128
SAMPLE_K = 5


def _xavier(key, shape, gain=1.0):
    fan_out, fan_in = shape
    limit = gain * np.sqrt(6.0 / (fan_in + fan_out))
    return jax.random.uniform(key, shape, minval=-limit, maxval=limit, dtype=jnp.float32)


def setup_inputs(seed: int = 0) -> dict:
    key = jax.random.key(seed)
    k1, k2, k3, k4, k5 = jax.random.split(key, 5)
    features = jax.random.normal(k1, (N_NODES, D), dtype=jnp.float32)
    # fixed-degree graph: each dst node has exactly DEG incoming edges
    src = jax.random.randint(k2, (N_NODES * DEG,), 0, N_NODES)
    dst = jnp.repeat(jnp.arange(N_NODES), DEG)
    edge_index = jnp.stack([src, dst]).astype(jnp.int64)
    gain = np.sqrt(2.0)  # relu gain
    W_at = _xavier(k3, (D, D))            # at_fc (no bias)
    W_atat = _xavier(k4, (1, 2 * D))      # atat_fc (no bias)
    W_self = _xavier(k5, (D, D), gain)    # fc_self
    b_self = jnp.zeros((D,), dtype=jnp.float32)
    return {"features": features, "edge_index": edge_index, "PERSON_NUM": 100,
            "JOINT_NUM": 100, "W_at": W_at, "W_atat": W_atat,
            "W_self": W_self, "b_self": b_self}


def reference(features, edge_index, PERSON_NUM, JOINT_NUM, W_at, W_atat, W_self, b_self):
    src = edge_index[0]
    # edge attention: z = at_fc(features); e = softmax(leaky_relu(atat_fc([z_src, z_dst])), dim=0)
    z = features @ W_at.T
    z_src = z[src]
    z_dst = z[edge_index[1]]
    a = jnp.concatenate([z_src, z_dst], axis=-1) @ W_atat.T  # [E, 1]
    e = jax.nn.softmax(jax.nn.leaky_relu(a, 0.01), axis=0)   # softmax over all edges
    n_nodes = features.shape[0]
    deg = src.shape[0] // n_nodes
    # deterministic surrogate for dgl.sampling.sample_neighbors(k=5, prob='e'):
    # pick the 5 highest-attention in-edges per destination node
    e_mat = e[:, 0].reshape(n_nodes, deg)
    _, sel = jax.lax.top_k(e_mat, SAMPLE_K)                  # [n_nodes, 5]
    src_mat = src.reshape(n_nodes, deg)
    sel_src = jnp.take_along_axis(src_mat, sel, axis=1)      # [n_nodes, 5]
    # feat_drop is identity in eval mode
    h_neigh = jnp.mean(features[sel_src], axis=1)            # mean aggregation
    rst = (features + h_neigh) @ W_self.T + b_self           # fc_self(h_self + h_neigh)
    rst = rst + 0.0 * (PERSON_NUM * JOINT_NUM - n_nodes)
    return rst

if __name__ == "__main__":
    import jax
    _d = setup_inputs()
    print(jax.jit(kernel)(*tuple(_d.values())))

</pallas_src>

<mosaic_0001>
#map = affine_map<(d0, d1) -> (0, 0)>
module attributes {stable_mosaic.version = 14 : i64} {
  func.func @_sc_body(%arg0: i32, %arg1: i32, %arg2: memref<10000x128xf32, #tpu.memory_space<hbm>>, %arg3: memref<1x10000xf32, #tpu.memory_space<hbm>>, %arg4: memref<2x320000xi32, #tpu.memory_space<hbm>>, %arg5: memref<10000x128xf32, #tpu.memory_space<hbm>>, %arg6: memref<10000xf32, #tpu.memory_space<vmem>>, %arg7: memref<512xi32, #tpu.memory_space<vmem>>, %arg8: memref<512xi32, #tpu.memory_space<vmem>>, %arg9: memref<512xf32, #tpu.memory_space<vmem>>, %arg10: memref<80xi32, #tpu.memory_space<vmem>>, %arg11: memref<80xi32, #tpu.memory_space<vmem>>, %arg12: memref<80x128xf32, #tpu.memory_space<vmem>>, %arg13: memref<80x128xf32, #tpu.memory_space<vmem>>, %arg14: memref<16x128xf32, #tpu.memory_space<vmem>>, %arg15: memref<16x128xf32, #tpu.memory_space<vmem>>, %arg16: memref<!tpu.dma_semaphore, #tpu.memory_space<semaphore_mem>>, %arg17: memref<!tpu.dma_semaphore, #tpu.memory_space<semaphore_mem>>, %arg18: memref<!tpu.dma_semaphore, #tpu.memory_space<semaphore_mem>>, %arg19: memref<!tpu.dma_semaphore, #tpu.memory_space<semaphore_mem>>, %arg20: memref<!tpu.dma_semaphore, #tpu.memory_space<semaphore_mem>>, %arg21: memref<!tpu.dma_semaphore, #tpu.memory_space<semaphore_mem>>) attributes {dimension_semantics = [#tpu.dimension_semantics<core_parallel>, #tpu.dimension_semantics<subcore_parallel>], iteration_bounds = array<i64: 2, 16>, scalar_prefetch = 0 : i64, scratch_operands = 16 : i64, tpu.core_type = #tpu.core_type<sc_vector_subcore>, window_params = [{transform_indices = #map}, {transform_indices = #map}, {transform_indices = #map}, {transform_indices = #map}]} {
    %mul3A = arith.constant 2 : i32
    %mul3A_0 = arith.muli %arg1, %mul3A : i32
    %add3A = arith.addi %mul3A_0, %arg0 : i32
    %iota3A = tpu.iota {dimensions = array<i32: 0>} : vector<16xi32>
    %mul3A_1 = arith.constant 32 : i32
    %mul3A_2 = vector.broadcast %mul3A_1 : i32 to vector<16xi32>
    %mul3A_3 = arith.muli %iota3A, %mul3A_2 : vector<16xi32>
    %broadcast_in_dim3A = arith.constant 0xFF800000 : f32
    %broadcast_in_dim3A_4 = vector.broadcast %broadcast_in_dim3A : f32 to vector<16xf32>
    %mul3A_5 = arith.constant 512 : i32
    %mul3A_6 = arith.muli %add3A, %mul3A_5 : i32
    %dma_start3A = arith.constant 0 : i32
    %dma_start3A_7 = tpu.memref_slice %arg4[%dma_start3A, %mul3A_6] : memref<2x320000xi32, #tpu.memory_space<hbm>> -> memref<1x512xi32, #tpu.memory_space<hbm>>
    %dma_start3A_8 = tpu.memref_squeeze %dma_start3A_7 : memref<1x512xi32, #tpu.memory_space<hbm>> -> memref<512xi32, #tpu.memory_space<hbm>>
    %dma_start3A_9 = tpu.memref_slice %arg4[%dma_start3A, %mul3A_6] : memref<2x320000xi32, #tpu.memory_space<hbm>> -> memref<1x512xi32, #tpu.memory_space<hbm>>
    %dma_start3A_10 = tpu.memref_squeeze %dma_start3A_9 : memref<1x512xi32, #tpu.memory_space<hbm>> -> memref<512xi32, #tpu.memory_space<hbm>>
    tpu.enqueue_dma source(%dma_start3A_10 : memref<512xi32, #tpu.memory_space<hbm>>) target(%arg7 : memref<512xi32, #tpu.memory_space<vmem>>) target_semaphore(%arg20 : memref<!tpu.dma_semaphore, #tpu.memory_space<semaphore_mem>>)
    %run_scoped3A = arith.constant 0 : i32
    "tpu.region"() ({
      %run_scoped3A_31 = tpu.sem_alloc : memref<!tpu.dma_semaphore, #tpu.memory_space<semaphore_mem>>
      %dma_start3A_32 = arith.constant 0 : i32
      %dma_start3A_33 = tpu.memref_slice %arg3[%run_scoped3A, %dma_start3A_32] : memref<1x10000xf32, #tpu.memory_space<hbm>> -> memref<1x10000xf32, #tpu.memory_space<hbm>>
      %dma_start3A_34 = tpu.memref_squeeze %dma_start3A_33 : memref<1x10000xf32, #tpu.memory_space<hbm>> -> memref<10000xf32, #tpu.memory_space<hbm>>
      %dma_start3A_35 = arith.constant 0 : i32
      %dma_start3A_36 = tpu.memref_slice %arg3[%run_scoped3A, %dma_start3A_35] : memref<1x10000xf32, #tpu.memory_space<hbm>> -> memref<1x10000xf32, #tpu.memory_space<hbm>>
      %dma_start3A_37 = tpu.memref_squeeze %dma_start3A_36 : memref<1x10000xf32, #tpu.memory_space<hbm>> -> memref<10000xf32, #tpu.memory_space<hbm>>
      tpu.enqueue_dma source(%dma_start3A_37 : memref<10000xf32, #tpu.memory_space<hbm>>) target(%arg6 : memref<10000xf32, #tpu.memory_space<vmem>>) target_semaphore(%run_scoped3A_31 : memref<!tpu.dma_semaphore, #tpu.memory_space<semaphore_mem>>)
      %dma_wait3A_38 = arith.constant 0 : i32
      %dma_wait3A_39 = tpu.memref_slice %arg3[%run_scoped3A, %dma_wait3A_38] : memref<1x10000xf32, #tpu.memory_space<hbm>> -> memref<1x10000xf32, #tpu.memory_space<hbm>>
      %dma_wait3A_40 = tpu.memref_squeeze %dma_wait3A_39 : memref<1x10000xf32, #tpu.memory_space<hbm>> -> memref<10000xf32, #tpu.memory_space<hbm>>
      %dma_wait3A_41 = arith.constant 0 : i32
      %dma_wait3A_42 = tpu.memref_slice %arg3[%run_scoped3A, %dma_wait3A_41] : memref<1x10000xf32, #tpu.memory_space<hbm>> -> memref<1x10000xf32, #tpu.memory_space<hbm>>
      %dma_wait3A_43 = tpu.memref_squeeze %dma_wait3A_42 : memref<1x10000xf32, #tpu.memory_space<hbm>> -> memref<10000xf32, #tpu.memory_space<hbm>>
      tpu.wait_dma2 semaphore(%run_scoped3A_31 : memref<!tpu.dma_semaphore, #tpu.memory_space<semaphore_mem>>) src(%dma_wait3A_43 : memref<10000xf32, #tpu.memory_space<hbm>>) dst(%arg6 : memref<10000xf32, #tpu.memory_space<vmem>>)
      tpu.yield
    }) : () -> ()
    %scan3A = arith.constant 0 : i32
    %scan3A_11 = arith.constant 0 : i32
    %scan3A_12 = arith.constant 10 : i32
    %scan3A_13 = arith.addi %scan3A_11, %scan3A_12 : i32
    %scan3A_14 = arith.constant 1 : i32
    scf.for %scan3A_31 = %scan3A_11 to %scan3A_13 step %scan3A_14  : i32 {
      %mul3A_32 = arith.constant 2 : i32
      %mul3A_33 = arith.muli %scan3A_31, %mul3A_32 : i32
      %add3A_34 = arith.constant 0 : i32
      %add3A_35 = arith.addi %mul3A_33, %add3A_34 : i32
      %mul3A_36 = arith.constant 32 : i32
      %mul3A_37 = arith.muli %add3A_35, %mul3A_36 : i32
      %add3A_38 = arith.addi %add3A, %mul3A_37 : i32
      %lt3A_39 = arith.constant 625 : i32
      %lt3A_40 = arith.cmpi slt, %add3A_38, %lt3A_39 : i32
      %convert_element_type3A_41 = arith.extui %lt3A_40 : i1 to i32
      %cond3A_42 = arith.constant 0 : i32
      %cond3A_43 = arith.cmpi ne, %convert_element_type3A_41, %cond3A_42 : i32
      scf.if %cond3A_43 {
        %mul3A_79 = arith.constant 512 : i32
        %mul3A_80 = arith.muli %add3A_38, %mul3A_79 : i32
        %dma_wait3A_81 = arith.constant 0 : i32
        %dma_wait3A_82 = tpu.memref_slice %arg4[%dma_wait3A_81, %mul3A_80] : memref<2x320000xi32, #tpu.memory_space<hbm>> -> memref<1x512xi32, #tpu.memory_space<hbm>>
        %dma_wait3A_83 = tpu.memref_squeeze %dma_wait3A_82 : memref<1x512xi32, #tpu.memory_space<hbm>> -> memref<512xi32, #tpu.memory_space<hbm>>
        %dma_wait3A_84 = tpu.memref_slice %arg4[%dma_wait3A_81, %mul3A_80] : memref<2x320000xi32, #tpu.memory_space<hbm>> -> memref<1x512xi32, #tpu.memory_space<hbm>>
        %dma_wait3A_85 = tpu.memref_squeeze %dma_wait3A_84 : memref<1x512xi32, #tpu.memory_space<hbm>> -> memref<512xi32, #tpu.memory_space<hbm>>
        tpu.wait_dma2 semaphore(%arg20 : memref<!tpu.dma_semaphore, #tpu.memory_space<semaphore_mem>>) src(%dma_wait3A_85 : memref<512xi32, #tpu.memory_space<hbm>>) dst(%arg7 : memref<512xi32, #tpu.memory_space<vmem>>)
        %add3A_86 = arith.constant 32 : i32
        %add3A_87 = arith.addi %add3A_38, %add3A_86 : i32
        %lt3A_88 = arith.constant 625 : i32
        %lt3A_89 = arith.cmpi slt, %add3A_87, %lt3A_88 : i32
        %convert_element_type3A_90 = arith.extui %lt3A_89 : i1 to i32
        %cond3A_91 = arith.constant 0 : i32
        %cond3A_92 = arith.cmpi ne, %convert_element_type3A_90, %cond3A_91 : i32
        scf.if %cond3A_92 {
          %mul3A_166 = arith.constant 512 : i32
          %mul3A_167 = arith.muli %add3A_87, %mul3A_166 : i32
          %dma_start3A_168 = arith.constant 0 : i32
          %dma_start3A_169 = tpu.memref_slice %arg4[%dma_start3A_168, %mul3A_167] : memref<2x320000xi32, #tpu.memory_space<hbm>> -> memref<1x512xi32, #tpu.memory_space<hbm>>
          %dma_start3A_170 = tpu.memref_squeeze %dma_start3A_169 : memref<1x512xi32, #tpu.memory_space<hbm>> -> memref<512xi32, #tpu.memory_space<hbm>>
          %dma_start3A_171 = tpu.memref_slice %arg4[%dma_start3A_168, %mul3A_167] : memref<2x320000xi32, #tpu.memory_space<hbm>> -> memref<1x512xi32, #tpu.memory_space<hbm>>
          %dma_start3A_172 = tpu.memref_squeeze %dma_start3A_171 : memref<1x512xi32, #tpu.memory_space<hbm>> -> memref<512xi32, #tpu.memory_space<hbm>>
          tpu.enqueue_dma source(%dma_start3A_172 : memref<512xi32, #tpu.memory_space<hbm>>) target(%arg8 : memref<512xi32, #tpu.memory_space<vmem>>) target_semaphore(%arg21 : memref<!tpu.dma_semaphore, #tpu.memory_space<semaphore_mem>>)
        } else {
        }
        %broadcast_in_dim3A_93 = arith.constant 0 : i32
        %broadcast_in_dim3A_94 = vector.broadcast %broadcast_in_dim3A_93 : i32 to vector<16xi32>
        %scan3A_95 = arith.constant 0 : i32
        %scan3A_96 = arith.constant 32 : i32
        %scan3A_97 = arith.addi %scan3A_95, %scan3A_96 : i32
        %scan3A_98 = arith.constant 8 : i32
        %scan3A_99:2 = scf.for %scan3A_166 = %scan3A_95 to %scan3A_97 step %scan3A_98 iter_args(%scan3A_167 = %broadcast_in_dim3A_4, %scan3A_168 = %broadcast_in_dim3A_94) -> (vector<16xf32>, vector<16xi32>)  : i32 {
          %add3A_169 = vector.broadcast %scan3A_166 : i32 to vector<16xi32>
          %add3A_170 = arith.addi %mul3A_3, %add3A_169 : vector<16xi32>
          %gather3A_171 = tpu.vector_load_idx %arg7[%add3A_170] : memref<512xi32, #tpu.memory_space<vmem>>[vector<16xi32>], vector<16xi32>,
          %gather3A_172 = tpu.vector_load_idx %arg6[%gather3A_171] : memref<10000xf32, #tpu.memory_space<vmem>>[vector<16xi32>], vector<16xf32>,
          %mul3A_173 = arith.constant 16 : i32
          %mul3A_174 = arith.muli %scan3A_166, %mul3A_173 : i32
          %swap3A_175 = arith.index_cast %mul3A_174 : i32 to index
          %swap3A_176 = tpu.vector_load %arg9[%swap3A_175] {strides = array<i32>} : memref<512xf32, #tpu.memory_space<vmem>>, vector<16xf32>,
          tpu.vector_store %arg9[%swap3A_175], %gather3A_172 {strides = array<i32>} : memref<512xf32, #tpu.memory_space<vmem>>, vector<16xf32>,
          %gt3A = arith.cmpf ogt, %gather3A_172, %scan3A_167 : vector<16xf32>
          %select_n3A = arith.select %gt3A, %gather3A_172, %scan3A_167 : vector<16xi1>, vector<16xf32>
          %broadcast_in_dim3A_177 = vector.broadcast %scan3A_166 : i32 to vector<16xi32>
          %select_n3A_178 = arith.select %gt3A, %broadcast_in_dim3A_177, %scan3A_168 : vector<16xi1>, vector<16xi32>
          %scan3A_179 = arith.constant 1 : i32
          %scan3A_180 = arith.addi %scan3A_166, %scan3A_179 : i32
          %add3A_181 = vector.broadcast %scan3A_180 : i32 to vector<16xi32>
          %add3A_182 = arith.addi %mul3A_3, %add3A_181 : vector<16xi32>
          %gather3A_183 = tpu.vector_load_idx %arg7[%add3A_182] : memref<512xi32, #tpu.memory_space<vmem>>[vector<16xi32>], vector<16xi32>,
          %gather3A_184 = tpu.vector_load_idx %arg6[%gather3A_183] : memref<10000xf32, #tpu.memory_space<vmem>>[vector<16xi32>], vector<16xf32>,
          %mul3A_185 = arith.constant 16 : i32
          %mul3A_186 = arith.muli %scan3A_180, %mul3A_185 : i32
          %swap3A_187 = arith.index_cast %mul3A_186 : i32 to index
          %swap3A_188 = tpu.vector_load %arg9[%swap3A_187] {strides = array<i32>} : memref<512xf32, #tpu.memory_space<vmem>>, vector<16xf32>,
          tpu.vector_store %arg9[%swap3A_187], %gather3A_184 {strides = array<i32>} : memref<512xf32, #tpu.memory_space<vmem>>, vector<16xf32>,
          %gt3A_189 = arith.cmpf ogt, %gather3A_184, %select_n3A : vector<16xf32>
          %select_n3A_190 = arith.select %gt3A_189, %gather3A_184, %select_n3A : vector<16xi1>, vector<16xf32>
          %broadcast_in_dim3A_191 = vector.broadcast %scan3A_180 : i32 to vector<16xi32>
          %select_n3A_192 = arith.select %gt3A_189, %broadcast_in_dim3A_191, %select_n3A_178 : vector<16xi1>, vector<16xi32>
          %scan3A_193 = arith.constant 2 : i32
          %scan3A_194 = arith.addi %scan3A_166, %scan3A_193 : i32
          %add3A_195 = vector.broadcast %scan3A_194 : i32 to vector<16xi32>
          %add3A_196 = arith.addi %mul3A_3, %add3A_195 : vector<16xi32>
          %gather3A_197 = tpu.vector_load_idx %arg7[%add3A_196] : memref<512xi32, #tpu.memory_space<vmem>>[vector<16xi32>], vector<16xi32>,
          %gather3A_198 = tpu.vector_load_idx %arg6[%gather3A_197] : memref<10000xf32, #tpu.memory_space<vmem>>[vector<16xi32>], vector<16xf32>,
          %mul3A_199 = arith.constant 16 : i32
          %mul3A_200 = arith.muli %scan3A_194, %mul3A_199 : i32
          %swap3A_201 = arith.index_cast %mul3A_200 : i32 to index
          %swap3A_202 = tpu.vector_load %arg9[%swap3A_201] {strides = array<i32>} : memref<512xf32, #tpu.memory_space<vmem>>, vector<16xf32>,
          tpu.vector_store %arg9[%swap3A_201], %gather3A_198 {strides = array<i32>} : memref<512xf32, #tpu.memory_space<vmem>>, vector<16xf32>,
          %gt3A_203 = arith.cmpf ogt, %gather3A_198, %select_n3A_190 : vector<16xf32>
          %select_n3A_204 = arith.select %gt3A_203, %gather3A_198, %select_n3A_190 : vector<16xi1>, vector<16xf32>
          %broadcast_in_dim3A_205 = vector.broadcast %scan3A_194 : i32 to vector<16xi32>
          %select_n3A_206 = arith.select %gt3A_203, %broadcast_in_dim3A_205, %select_n3A_192 : vector<16xi1>, vector<16xi32>
          %scan3A_207 = arith.constant 3 : i32
          %scan3A_208 = arith.addi %scan3A_166, %scan3A_207 : i32
          %add3A_209 = vector.broadcast %scan3A_208 : i32 to vector<16xi32>
          %add3A_210 = arith.addi %mul3A_3, %add3A_209 : vector<16xi32>
          %gather3A_211 = tpu.vector_load_idx %arg7[%add3A_210] : memref<512xi32, #tpu.memory_space<vmem>>[vector<16xi32>], vector<16xi32>,
          %gather3A_212 = tpu.vector_load_idx %arg6[%gather3A_211] : memref<10000xf32, #tpu.memory_space<vmem>>[vector<16xi32>], vector<16xf32>,
          %mul3A_213 = arith.constant 16 : i32
          %mul3A_214 = arith.muli %scan3A_208, %mul3A_213 : i32
          %swap3A_215 = arith.index_cast %mul3A_214 : i32 to index
          %swap3A_216 = tpu.vector_load %arg9[%swap3A_215] {strides = array<i32>} : memref<512xf32, #tpu.memory_space<vmem>>, vector<16xf32>,
          tpu.vector_store %arg9[%swap3A_215], %gather3A_212 {strides = array<i32>} : memref<512xf32, #tpu.memory_space<vmem>>, vector<16xf32>,
          %gt3A_217 = arith.cmpf ogt, %gather3A_212, %select_n3A_204 : vector<16xf32>
          %select_n3A_218 = arith.select %gt3A_217, %gather3A_212, %select_n3A_204 : vector<16xi1>, vector<16xf32>
          %broadcast_in_dim3A_219 = vector.broadcast %scan3A_208 : i32 to vector<16xi32>
          %select_n3A_220 = arith.select %gt3A_217, %broadcast_in_dim3A_219, %select_n3A_206 : vector<16xi1>, vector<16xi32>
          %scan3A_221 = arith.constant 4 : i32
          %scan3A_222 = arith.addi %scan3A_166, %scan3A_221 : i32
          %add3A_223 = vector.broadcast %scan3A_222 : i32 to vector<16xi32>
          %add3A_224 = arith.addi %mul3A_3, %add3A_223 : vector<16xi32>
          %gather3A_225 = tpu.vector_load_idx %arg7[%add3A_224] : memref<512xi32, #tpu.memory_space<vmem>>[vector<16xi32>], vector<16xi32>,
          %gather3A_226 = tpu.vector_load_idx %arg6[%gather3A_225] : memref<10000xf32, #tpu.memory_space<vmem>>[vector<16xi32>], vector<16xf32>,
          %mul3A_227 = arith.constant 16 : i32
          %mul3A_228 = arith.muli %scan3A_222, %mul3A_227 : i32
          %swap3A_229 = arith.index_cast %mul3A_228 : i32 to index
          %swap3A_230 = tpu.vector_load %arg9[%swap3A_229] {strides = array<i32>} : memref<512xf32, #tpu.memory_space<vmem>>, vector<16xf32>,
          tpu.vector_store %arg9[%swap3A_229], %gather3A_226 {strides = array<i32>} : memref<512xf32, #tpu.memory_space<vmem>>, vector<16xf32>,
          %gt3A_231 = arith.cmpf ogt, %gather3A_226, %select_n3A_218 : vector<16xf32>
          %select_n3A_232 = arith.select %gt3A_231, %gather3A_226, %select_n3A_218 : vector<16xi1>, vector<16xf32>
          %broadcast_in_dim3A_233 = vector.broadcast %scan3A_222 : i32 to vector<16xi32>
          %select_n3A_234 = arith.select %gt3A_231, %broadcast_in_dim3A_233, %select_n3A_220 : vector<16xi1>, vector<16xi32>
          %scan3A_235 = arith.constant 5 : i32
          %scan3A_236 = arith.addi %scan3A_166, %scan3A_235 : i32
          %add3A_237 = vector.broadcast %scan3A_236 : i32 to vector<16xi32>
          %add3A_238 = arith.addi %mul3A_3, %add3A_237 : vector<16xi32>
          %gather3A_239 = tpu.vector_load_idx %arg7[%add3A_238] : memref<512xi32, #tpu.memory_space<vmem>>[vector<16xi32>], vector<16xi32>,
          %gather3A_240 = tpu.vector_load_idx %arg6[%gather3A_239] : memref<10000xf32, #tpu.memory_space<vmem>>[vector<16xi32>], vector<16xf32>,
          %mul3A_241 = arith.constant 16 : i32
          %mul3A_242 = arith.muli %scan3A_236, %mul3A_241 : i32
          %swap3A_243 = arith.index_cast %mul3A_242 : i32 to index
          %swap3A_244 = tpu.vector_load %arg9[%swap3A_243] {strides = array<i32>} : memref<512xf32, #tpu.memory_space<vmem>>, vector<16xf32>,
          tpu.vector_store %arg9[%swap3A_243], %gather3A_240 {strides = array<i32>} : memref<512xf32, #tpu.memory_space<vmem>>, vector<16xf32>,
          %gt3A_245 = arith.cmpf ogt, %gather3A_240, %select_n3A_232 : vector<16xf32>
          %select_n3A_246 = arith.select %gt3A_245, %gather3A_240, %select_n3A_232 : vector<16xi1>, vector<16xf32>
          %broadcast_in_dim3A_247 = vector.broadcast %scan3A_236 : i32 to vector<16xi32>
          %select_n3A_248 = arith.select %gt3A_245, %broadcast_in_dim3A_247, %select_n3A_234 : vector<16xi1>, vector<16xi32>
          %scan3A_249 = arith.constant 6 : i32
          %scan3A_250 = arith.addi %scan3A_166, %scan3A_249 : i32
          %add3A_251 = vector.broadcast %scan3A_250 : i32 to vector<16xi32>
          %add3A_252 = arith.addi %mul3A_3, %add3A_251 : vector<16xi32>
          %gather3A_253 = tpu.vector_load_idx %arg7[%add3A_252] : memref<512xi32, #tpu.memory_space<vmem>>[vector<16xi32>], vector<16xi32>,
          %gather3A_254 = tpu.vector_load_idx %arg6[%gather3A_253] : memref<10000xf32, #tpu.memory_space<vmem>>[vector<16xi32>], vector<16xf32>,
          %mul3A_255 = arith.constant 16 : i32
          %mul3A_256 = arith.muli %scan3A_250, %mul3A_255 : i32
          %swap3A_257 = arith.index_cast %mul3A_256 : i32 to index
          %swap3A_258 = tpu.vector_load %arg9[%swap3A_257] {strides = array<i32>} : memref<512xf32, #tpu.memory_space<vmem>>, vector<16xf32>,
          tpu.vector_store %arg9[%swap3A_257], %gather3A_254 {strides = array<i32>} : memref<512xf32, #tpu.memory_space<vmem>>, vector<16xf32>,
          %gt3A_259 = arith.cmpf ogt, %gather3A_254, %select_n3A_246 : vector<16xf32>
          %select_n3A_260 = arith.select %gt3A_259, %gather3A_254, %select_n3A_246 : vector<16xi1>, vector<16xf32>
          %broadcast_in_dim3A_261 = vector.broadcast %scan3A_250 : i32 to vector<16xi32>
          %select_n3A_262 = arith.select %gt3A_259, %broadcast_in_dim3A_261, %select_n3A_248 : vector<16xi1>, vector<16xi32>
          %scan3A_263 = arith.constant 7 : i32
          %scan3A_264 = arith.addi %scan3A_166, %scan3A_263 : i32
          %add3A_265 = vector.broadcast %scan3A_264 : i32 to vector<16xi32>
          %add3A_266 = arith.addi %mul3A_3, %add3A_265 : vector<16xi32>
          %gather3A_267 = tpu.vector_load_idx %arg7[%add3A_266] : memref<512xi32, #tpu.memory_space<vmem>>[vector<16xi32>], vector<16xi32>,
          %gather3A_268 = tpu.vector_load_idx %arg6[%gather3A_267] : memref<10000xf32, #tpu.memory_space<vmem>>[vector<16xi32>], vector<16xf32>,
          %mul3A_269 = arith.constant 16 : i32
          %mul3A_270 = arith.muli %scan3A_264, %mul3A_269 : i32
          %swap3A_271 = arith.index_cast %mul3A_270 : i32 to index
          %swap3A_272 = tpu.vector_load %arg9[%swap3A_271] {strides = array<i32>} : memref<512xf32, #tpu.memory_space<vmem>>, vector<16xf32>,
          tpu.vector_store %arg9[%swap3A_271], %gather3A_268 {strides = array<i32>} : memref<512xf32, #tpu.memory_space<vmem>>, vector<16xf32>,
          %gt3A_273 = arith.cmpf ogt, %gather3A_268, %select_n3A_260 : vector<16xf32>
          %select_n3A_274 = arith.select %gt3A_273, %gather3A_268, %select_n3A_260 : vector<16xi1>, vector<16xf32>
          %broadcast_in_dim3A_275 = vector.broadcast %scan3A_264 : i32 to vector<16xi32>
          %select_n3A_276 = arith.select %gt3A_273, %broadcast_in_dim3A_275, %select_n3A_262 : vector<16xi1>, vector<16xi32>
          scf.yield %select_n3A_274, %select_n3A_276 : vector<16xf32>, vector<16xi32>
        }
        %scan3A_100 = arith.constant 32 : i32
        %mul3A_101 = arith.constant 16 : i32
        %mul3A_102 = vector.broadcast %mul3A_101 : i32 to vector<16xi32>
        %mul3A_103 = arith.muli %scan3A_99#1, %mul3A_102 : vector<16xi32>
        %add3A_104 = arith.addi %mul3A_103, %iota3A : vector<16xi32>
        tpu.vector_store_idx %arg9[%add3A_104], %broadcast_in_dim3A_4 : memref<512xf32, #tpu.memory_space<vmem>>[vector<16xi32>], vector<16xf32>,
        %add3A_105 = arith.addi %mul3A_3, %scan3A_99#1 : vector<16xi32>
        %gather3A = tpu.vector_load_idx %arg7[%add3A_105] : memref<512xi32, #tpu.memory_space<vmem>>[vector<16xi32>], vector<16xi32>,
        %swap3A = arith.constant 0 : index
        %swap3A_106 = tpu.vector_load %arg10[%swap3A] {strides = array<i32>} : memref<80xi32, #tpu.memory_space<vmem>>, vector<16xi32>,
        tpu.vector_store %arg10[%swap3A], %gather3A {strides = array<i32>} : memref<80xi32, #tpu.memory_space<vmem>>, vector<16xi32>,
        %scan3A_107 = arith.constant 0 : i32
        %scan3A_108 = arith.constant 32 : i32
        %scan3A_109 = arith.addi %scan3A_107, %scan3A_108 : i32
        %scan3A_110 = arith.constant 8 : i32
        %scan3A_111:2 = scf.for %scan3A_166 = %scan3A_107 to %scan3A_109 step %scan3A_110 iter_args(%scan3A_167 = %broadcast_in_dim3A_4, %scan3A_168 = %broadcast_in_dim3A_94) -> (vector<16xf32>, vector<16xi32>)  : i32 {
          %mul3A_169 = arith.constant 16 : i32
          %mul3A_170 = arith.muli %scan3A_166, %mul3A_169 : i32
          %get3A = arith.index_cast %mul3A_170 : i32 to index
          %get3A_171 = tpu.vector_load %arg9[%get3A] {strides = array<i32>} : memref<512xf32, #tpu.memory_space<vmem>>, vector<16xf32>,
          %gt3A = arith.cmpf ogt, %get3A_171, %scan3A_167 : vector<16xf32>
          %select_n3A = arith.select %gt3A, %get3A_171, %scan3A_167 : vector<16xi1>, vector<16xf32>
          %broadcast_in_dim3A_172 = vector.broadcast %scan3A_166 : i32 to vector<16xi32>
          %select_n3A_173 = arith.select %gt3A, %broadcast_in_dim3A_172, %scan3A_168 : vector<16xi1>, vector<16xi32>
          %scan3A_174 = arith.constant 1 : i32
          %scan3A_175 = arith.addi %scan3A_166, %scan3A_174 : i32
          %mul3A_176 = arith.constant 16 : i32
          %mul3A_177 = arith.muli %scan3A_175, %mul3A_176 : i32
          %get3A_178 = arith.index_cast %mul3A_177 : i32 to index
          %get3A_179 = tpu.vector_load %arg9[%get3A_178] {strides = array<i32>} : memref<512xf32, #tpu.memory_space<vmem>>, vector<16xf32>,
          %gt3A_180 = arith.cmpf ogt, %get3A_179, %select_n3A : vector<16xf32>
          %select_n3A_181 = arith.select %gt3A_180, %get3A_179, %select_n3A : vector<16xi1>, vector<16xf32>
          %broadcast_in_dim3A_182 = vector.broadcast %scan3A_175 : i32 to vector<16xi32>
          %select_n3A_183 = arith.select %gt3A_180, %broadcast_in_dim3A_182, %select_n3A_173 : vector<16xi1>, vector<16xi32>
          %scan3A_184 = arith.constant 2 : i32
          %scan3A_185 = arith.addi %scan3A_166, %scan3A_184 : i32
          %mul3A_186 = arith.constant 16 : i32
          %mul3A_187 = arith.muli %scan3A_185, %mul3A_186 : i32
          %get3A_188 = arith.index_cast %mul3A_187 : i32 to index
          %get3A_189 = tpu.vector_load %arg9[%get3A_188] {strides = array<i32>} : memref<512xf32, #tpu.memory_space<vmem>>, vector<16xf32>,
          %gt3A_190 = arith.cmpf ogt, %get3A_189, %select_n3A_181 : vector<16xf32>
          %select_n3A_191 = arith.select %gt3A_190, %get3A_189, %select_n3A_181 : vector<16xi1>, vector<16xf32>
          %broadcast_in_dim3A_192 = vector.broadcast %scan3A_185 : i32 to vector<16xi32>
          %select_n3A_193 = arith.select %gt3A_190, %broadcast_in_dim3A_192, %select_n3A_183 : vector<16xi1>, vector<16xi32>
          %scan3A_194 = arith.constant 3 : i32
          %scan3A_195 = arith.addi %scan3A_166, %scan3A_194 : i32
          %mul3A_196 = arith.constant 16 : i32
          %mul3A_197 = arith.muli %scan3A_195, %mul3A_196 : i32
          %get3A_198 = arith.index_cast %mul3A_197 : i32 to index
          %get3A_199 = tpu.vector_load %arg9[%get3A_198] {strides = array<i32>} : memref<512xf32, #tpu.memory_space<vmem>>, vector<16xf32>,
          %gt3A_200 = arith.cmpf ogt, %get3A_199, %select_n3A_191 : vector<16xf32>
          %select_n3A_201 = arith.select %gt3A_200, %get3A_199, %select_n3A_191 : vector<16xi1>, vector<16xf32>
          %broadcast_in_dim3A_202 = vector.broadcast %scan3A_195 : i32 to vector<16xi32>
          %select_n3A_203 = arith.select %gt3A_200, %broadcast_in_dim3A_202, %select_n3A_193 : vector<16xi1>, vector<16xi32>
          %scan3A_204 = arith.constant 4 : i32
          %scan3A_205 = arith.addi %scan3A_166, %scan3A_204 : i32
          %mul3A_206 = arith.constant 16 : i32
          %mul3A_207 = arith.muli %scan3A_205, %mul3A_206 : i32
          %get3A_208 = arith.index_cast %mul3A_207 : i32 to index
          %get3A_209 = tpu.vector_load %arg9[%get3A_208] {strides = array<i32>} : memref<512xf32, #tpu.memory_space<vmem>>, vector<16xf32>,
          %gt3A_210 = arith.cmpf ogt, %get3A_209, %select_n3A_201 : vector<16xf32>
          %select_n3A_211 = arith.select %gt3A_210, %get3A_209, %select_n3A_201 : vector<16xi1>, vector<16xf32>
          %broadcast_in_dim3A_212 = vector.broadcast %scan3A_205 : i32 to vector<16xi32>
          %select_n3A_213 = arith.select %gt3A_210, %broadcast_in_dim3A_212, %select_n3A_203 : vector<16xi1>, vector<16xi32>
          %scan3A_214 = arith.constant 5 : i32
          %scan3A_215 = arith.addi %scan3A_166, %scan3A_214 : i32
          %mul3A_216 = arith.constant 16 : i32
          %mul3A_217 = arith.muli %scan3A_215, %mul3A_216 : i32
          %get3A_218 = arith.index_cast %mul3A_217 : i32 to index
          %get3A_219 = tpu.vector_load %arg9[%get3A_218] {strides = array<i32>} : memref<512xf32, #tpu.memory_space<vmem>>, vector<16xf32>,
          %gt3A_220 = arith.cmpf ogt, %get3A_219, %select_n3A_211 : vector<16xf32>
          %select_n3A_221 = arith.select %gt3A_220, %get3A_219, %select_n3A_211 : vector<16xi1>, vector<16xf32>
          %broadcast_in_dim3A_222 = vector.broadcast %scan3A_215 : i32 to vector<16xi32>
          %select_n3A_223 = arith.select %gt3A_220, %broadcast_in_dim3A_222, %select_n3A_213 : vector<16xi1>, vector<16xi32>
          %scan3A_224 = arith.constant 6 : i32
          %scan3A_225 = arith.addi %scan3A_166, %scan3A_224 : i32
          %mul3A_226 = arith.constant 16 : i32
          %mul3A_227 = arith.muli %scan3A_225, %mul3A_226 : i32
          %get3A_228 = arith.index_cast %mul3A_227 : i32 to index
          %get3A_229 = tpu.vector_load %arg9[%get3A_228] {strides = array<i32>} : memref<512xf32, #tpu.memory_space<vmem>>, vector<16xf32>,
          %gt3A_230 = arith.cmpf ogt, %get3A_229, %select_n3A_221 : vector<16xf32>
          %select_n3A_231 = arith.select %gt3A_230, %get3A_229, %select_n3A_221 : vector<16xi1>, vector<16xf32>
          %broadcast_in_dim3A_232 = vector.broadcast %scan3A_225 : i32 to vector<16xi32>
          %select_n3A_233 = arith.select %gt3A_230, %broadcast_in_dim3A_232, %select_n3A_223 : vector<16xi1>, vector<16xi32>
          %scan3A_234 = arith.constant 7 : i32
          %scan3A_235 = arith.addi %scan3A_166, %scan3A_234 : i32
          %mul3A_236 = arith.constant 16 : i32
          %mul3A_237 = arith.muli %scan3A_235, %mul3A_236 : i32
          %get3A_238 = arith.index_cast %mul3A_237 : i32 to index
          %get3A_239 = tpu.vector_load %arg9[%get3A_238] {strides = array<i32>} : memref<512xf32, #tpu.memory_space<vmem>>, vector<16xf32>,
          %gt3A_240 = arith.cmpf ogt, %get3A_239, %select_n3A_231 : vector<16xf32>
          %select_n3A_241 = arith.select %gt3A_240, %get3A_239, %select_n3A_231 : vector<16xi1>, vector<16xf32>
          %broadcast_in_dim3A_242 = vector.broadcast %scan3A_235 : i32 to vector<16xi32>
          %select_n3A_243 = arith.select %gt3A_240, %broadcast_in_dim3A_242, %select_n3A_233 : vector<16xi1>, vector<16xi32>
          scf.yield %select_n3A_241, %select_n3A_243 : vector<16xf32>, vector<16xi32>
        }
        %scan3A_112 = arith.constant 32 : i32
        %mul3A_113 = arith.constant 16 : i32
        %mul3A_114 = vector.broadcast %mul3A_113 : i32 to vector<16xi32>
        %mul3A_115 = arith.muli %scan3A_111#1, %mul3A_114 : vector<16xi32>
        %add3A_116 = arith.addi %mul3A_115, %iota3A : vector<16xi32>
        tpu.vector_store_idx %arg9[%add3A_116], %broadcast_in_dim3A_4 : memref<512xf32, #tpu.memory_space<vmem>>[vector<16xi32>], vector<16xf32>,
        %add3A_117 = arith.addi %mul3A_3, %scan3A_111#1 : vector<16xi32>
        %gather3A_118 = tpu.vector_load_idx %arg7[%add3A_117] : memref<512xi32, #tpu.memory_space<vmem>>[vector<16xi32>], vector<16xi32>,
        %swap3A_119 = arith.constant 16 : index
        %swap3A_120 = tpu.vector_load %arg10[%swap3A_119] {strides = array<i32>} : memref<80xi32, #tpu.memory_space<vmem>>, vector<16xi32>,
        tpu.vector_store %arg10[%swap3A_119], %gather3A_118 {strides = array<i32>} : memref<80xi32, #tpu.memory_space<vmem>>, vector<16xi32>,
        %scan3A_121 = arith.constant 0 : i32
        %scan3A_122 = arith.constant 32 : i32
        %scan3A_123 = arith.addi %scan3A_121, %scan3A_122 : i32
        %scan3A_124 = arith.constant 8 : i32
        %scan3A_125:2 = scf.for %scan3A_166 = %scan3A_121 to %scan3A_123 step %scan3A_124 iter_args(%scan3A_167 = %broadcast_in_dim3A_4, %scan3A_168 = %broadcast_in_dim3A_94) -> (vector<16xf32>, vector<16xi32>)  : i32 {
          %mul3A_169 = arith.constant 16 : i32
          %mul3A_170 = arith.muli %scan3A_166, %mul3A_169 : i32
          %get3A = arith.index_cast %mul3A_170 : i32 to index
          %get3A_171 = tpu.vector_load %arg9[%get3A] {strides = array<i32>} : memref<512xf32, #tpu.memory_space<vmem>>, vector<16xf32>,
          %gt3A = arith.cmpf ogt, %get3A_171, %scan3A_167 : vector<16xf32>
          %select_n3A = arith.select %gt3A, %get3A_171, %scan3A_167 : vector<16xi1>, vector<16xf32>
          %broadcast_in_dim3A_172 = vector.broadcast %scan3A_166 : i32 to vector<16xi32>
          %select_n3A_173 = arith.select %gt3A, %broadcast_in_dim3A_172, %scan3A_168 : vector<16xi1>, vector<16xi32>
          %scan3A_174 = arith.constant 1 : i32
          %scan3A_175 = arith.addi %scan3A_166, %scan3A_174 : i32
          %mul3A_176 = arith.constant 16 : i32
          %mul3A_177 = arith.muli %scan3A_175, %mul3A_176 : i32
          %get3A_178 = arith.index_cast %mul3A_177 : i32 to index
          %get3A_179 = tpu.vector_load %arg9[%get3A_178] {strides = array<i32>} : memref<512xf32, #tpu.memory_space<vmem>>, vector<16xf32>,
          %gt3A_180 = arith.cmpf ogt, %get3A_179, %select_n3A : vector<16xf32>
          %select_n3A_181 = arith.select %gt3A_180, %get3A_179, %select_n3A : vector<16xi1>, vector<16xf32>
          %broadcast_in_dim3A_182 = vector.broadcast %scan3A_175 : i32 to vector<16xi32>
          %select_n3A_183 = arith.select %gt3A_180, %broadcast_in_dim3A_182, %select_n3A_173 : vector<16xi1>, vector<16xi32>
          %scan3A_184 = arith.constant 2 : i32
          %scan3A_185 = arith.addi %scan3A_166, %scan3A_184 : i32
          %mul3A_186 = arith.constant 16 : i32
          %mul3A_187 = arith.muli %scan3A_185, %mul3A_186 : i32
          %get3A_188 = arith.index_cast %mul3A_187 : i32 to index
          %get3A_189 = tpu.vector_load %arg9[%get3A_188] {strides = array<i32>} : memref<512xf32, #tpu.memory_space<vmem>>, vector<16xf32>,
          %gt3A_190 = arith.cmpf ogt, %get3A_189, %select_n3A_181 : vector<16xf32>
          %select_n3A_191 = arith.select %gt3A_190, %get3A_189, %select_n3A_181 : vector<16xi1>, vector<16xf32>
          %broadcast_in_dim3A_192 = vector.broadcast %scan3A_185 : i32 to vector<16xi32>
          %select_n3A_193 = arith.select %gt3A_190, %broadcast_in_dim3A_192, %select_n3A_183 : vector<16xi1>, vector<16xi32>
          %scan3A_194 = arith.constant 3 : i32
          %scan3A_195 = arith.addi %scan3A_166, %scan3A_194 : i32
          %mul3A_196 = arith.constant 16 : i32
          %mul3A_197 = arith.muli %scan3A_195, %mul3A_196 : i32
          %get3A_198 = arith.index_cast %mul3A_197 : i32 to index
          %get3A_199 = tpu.vector_load %arg9[%get3A_198] {strides = array<i32>} : memref<512xf32, #tpu.memory_space<vmem>>, vector<16xf32>,
          %gt3A_200 = arith.cmpf ogt, %get3A_199, %select_n3A_191 : vector<16xf32>
          %select_n3A_201 = arith.select %gt3A_200, %get3A_199, %select_n3A_191 : vector<16xi1>, vector<16xf32>
          %broadcast_in_dim3A_202 = vector.broadcast %scan3A_195 : i32 to vector<16xi32>
          %select_n3A_203 = arith.select %gt3A_200, %broadcast_in_dim3A_202, %select_n3A_193 : vector<16xi1>, vector<16xi32>
          %scan3A_204 = arith.constant 4 : i32
          %scan3A_205 = arith.addi %scan3A_166, %scan3A_204 : i32
          %mul3A_206 = arith.constant 16 : i32
          %mul3A_207 = arith.muli %scan3A_205, %mul3A_206 : i32
          %get3A_208 = arith.index_cast %mul3A_207 : i32 to index
          %get3A_209 = tpu.vector_load %arg9[%get3A_208] {strides = array<i32>} : memref<512xf32, #tpu.memory_space<vmem>>, vector<16xf32>,
          %gt3A_210 = arith.cmpf ogt, %get3A_209, %select_n3A_201 : vector<16xf32>
          %select_n3A_211 = arith.select %gt3A_210, %get3A_209, %select_n3A_201 : vector<16xi1>, vector<16xf32>
          %broadcast_in_dim3A_212 = vector.broadcast %scan3A_205 : i32 to vector<16xi32>
          %select_n3A_213 = arith.select %gt3A_210, %broadcast_in_dim3A_212, %select_n3A_203 : vector<16xi1>, vector<16xi32>
          %scan3A_214 = arith.constant 5 : i32
          %scan3A_215 = arith.addi %scan3A_166, %scan3A_214 : i32
          %mul3A_216 = arith.constant 16 : i32
          %mul3A_217 = arith.muli %scan3A_215, %mul3A_216 : i32
          %get3A_218 = arith.index_cast %mul3A_217 : i32 to index
          %get3A_219 = tpu.vector_load %arg9[%get3A_218] {strides = array<i32>} : memref<512xf32, #tpu.memory_space<vmem>>, vector<16xf32>,
          %gt3A_220 = arith.cmpf ogt, %get3A_219, %select_n3A_211 : vector<16xf32>
          %select_n3A_221 = arith.select %gt3A_220, %get3A_219, %select_n3A_211 : vector<16xi1>, vector<16xf32>
          %broadcast_in_dim3A_222 = vector.broadcast %scan3A_215 : i32 to vector<16xi32>
          %select_n3A_223 = arith.select %gt3A_220, %broadcast_in_dim3A_222, %select_n3A_213 : vector<16xi1>, vector<16xi32>
          %scan3A_224 = arith.constant 6 : i32
          %scan3A_225 = arith.addi %scan3A_166, %scan3A_224 : i32
          %mul3A_226 = arith.constant 16 : i32
          %mul3A_227 = arith.muli %scan3A_225, %mul3A_226 : i32
          %get3A_228 = arith.index_cast %mul3A_227 : i32 to index
          %get3A_229 = tpu.vector_load %arg9[%get3A_228] {strides = array<i32>} : memref<512xf32, #tpu.memory_space<vmem>>, vector<16xf32>,
          %gt3A_230 = arith.cmpf ogt, %get3A_229, %select_n3A_221 : vector<16xf32>
          %select_n3A_231 = arith.select %gt3A_230, %get3A_229, %select_n3A_221 : vector<16xi1>, vector<16xf32>
          %broadcast_in_dim3A_232 = vector.broadcast %scan3A_225 : i32 to vector<16xi32>
          %select_n3A_233 = arith.select %gt3A_230, %broadcast_in_dim3A_232, %select_n3A_223 : vector<16xi1>, vector<16xi32>
          %scan3A_234 = arith.constant 7 : i32
          %scan3A_235 = arith.addi %scan3A_166, %scan3A_234 : i32
          %mul3A_236 = arith.constant 16 : i32
          %mul3A_237 = arith.muli %scan3A_235, %mul3A_236 : i32
          %get3A_238 = arith.index_cast %mul3A_237 : i32 to index
          %get3A_239 = tpu.vector_load %arg9[%get3A_238] {strides = array<i32>} : memref<512xf32, #tpu.memory_space<vmem>>, vector<16xf32>,
          %gt3A_240 = arith.cmpf ogt, %get3A_239, %select_n3A_231 : vector<16xf32>
          %select_n3A_241 = arith.select %gt3A_240, %get3A_239, %select_n3A_231 : vector<16xi1>, vector<16xf32>
          %broadcast_in_dim3A_242 = vector.broadcast %scan3A_235 : i32 to vector<16xi32>
          %select_n3A_243 = arith.select %gt3A_240, %broadcast_in_dim3A_242, %select_n3A_233 : vector<16xi1>, vector<16xi32>
          scf.yield %select_n3A_241, %select_n3A_243 : vector<16xf32>, vector<16xi32>
        }
        %scan3A_126 = arith.constant 32 : i32
        %mul3A_127 = arith.constant 16 : i32
        %mul3A_128 = vector.broadcast %mul3A_127 : i32 to vector<16xi32>
        %mul3A_129 = arith.muli %scan3A_125#1, %mul3A_128 : vector<16xi32>
        %add3A_130 = arith.addi %mul3A_129, %iota3A : vector<16xi32>
        tpu.vector_store_idx %arg9[%add3A_130], %broadcast_in_dim3A_4 : memref<512xf32, #tpu.memory_space<vmem>>[vector<16xi32>], vector<16xf32>,
        %add3A_131 = arith.addi %mul3A_3, %scan3A_125#1 : vector<16xi32>
        %gather3A_132 = tpu.vector_load_idx %arg7[%add3A_131] : memref<512xi32, #tpu.memory_space<vmem>>[vector<16xi32>], vector<16xi32>,
        %swap3A_133 = arith.constant 32 : index
        %swap3A_134 = tpu.vector_load %arg10[%swap3A_133] {strides = array<i32>} : memref<80xi32, #tpu.memory_space<vmem>>, vector<16xi32>,
        tpu.vector_store %arg10[%swap3A_133], %gather3A_132 {strides = array<i32>} : memref<80xi32, #tpu.memory_space<vmem>>, vector<16xi32>,
        %scan3A_135 = arith.constant 0 : i32
        %scan3A_136 = arith.constant 32 : i32
        %scan3A_137 = arith.addi %scan3A_135, %scan3A_136 : i32
        %scan3A_138 = arith.constant 8 : i32
        %scan3A_139:2 = scf.for %scan3A_166 = %scan3A_135 to %scan3A_137 step %scan3A_138 iter_args(%scan3A_167 = %broadcast_in_dim3A_4, %scan3A_168 = %broadcast_in_dim3A_94) -> (vector<16xf32>, vector<16xi32>)  : i32 {
          %mul3A_169 = arith.constant 16 : i32
          %mul3A_170 = arith.muli %scan3A_166, %mul3A_169 : i32
          %get3A = arith.index_cast %mul3A_170 : i32 to index
          %get3A_171 = tpu.vector_load %arg9[%get3A] {strides = array<i32>} : memref<512xf32, #tpu.memory_space<vmem>>, vector<16xf32>,
          %gt3A = arith.cmpf ogt, %get3A_171, %scan3A_167 : vector<16xf32>
          %select_n3A = arith.select %gt3A, %get3A_171, %scan3A_167 : vector<16xi1>, vector<16xf32>
          %broadcast_in_dim3A_172 = vector.broadcast %scan3A_166 : i32 to vector<16xi32>
          %select_n3A_173 = arith.select %gt3A, %broadcast_in_dim3A_172, %scan3A_168 : vector<16xi1>, vector<16xi32>
          %scan3A_174 = arith.constant 1 : i32
          %scan3A_175 = arith.addi %scan3A_166, %scan3A_174 : i32
          %mul3A_176 = arith.constant 16 : i32
          %mul3A_177 = arith.muli %scan3A_175, %mul3A_176 : i32
          %get3A_178 = arith.index_cast %mul3A_177 : i32 to index
          %get3A_179 = tpu.vector_load %arg9[%get3A_178] {strides = array<i32>} : memref<512xf32, #tpu.memory_space<vmem>>, vector<16xf32>,
          %gt3A_180 = arith.cmpf ogt, %get3A_179, %select_n3A : vector<16xf32>
          %select_n3A_181 = arith.select %gt3A_180, %get3A_179, %select_n3A : vector<16xi1>, vector<16xf32>
          %broadcast_in_dim3A_182 = vector.broadcast %scan3A_175 : i32 to vector<16xi32>
          %select_n3A_183 = arith.select %gt3A_180, %broadcast_in_dim3A_182, %select_n3A_173 : vector<16xi1>, vector<16xi32>
          %scan3A_184 = arith.constant 2 : i32
          %scan3A_185 = arith.addi %scan3A_166, %scan3A_184 : i32
          %mul3A_186 = arith.constant 16 : i32
          %mul3A_187 = arith.muli %scan3A_185, %mul3A_186 : i32
          %get3A_188 = arith.index_cast %mul3A_187 : i32 to index
          %get3A_189 = tpu.vector_load %arg9[%get3A_188] {strides = array<i32>} : memref<512xf32, #tpu.memory_space<vmem>>, vector<16xf32>,
          %gt3A_190 = arith.cmpf ogt, %get3A_189, %select_n3A_181 : vector<16xf32>
          %select_n3A_191 = arith.select %gt3A_190, %get3A_189, %select_n3A_181 : vector<16xi1>, vector<16xf32>
          %broadcast_in_dim3A_192 = vector.broadcast %scan3A_185 : i32 to vector<16xi32>
          %select_n3A_193 = arith.select %gt3A_190, %broadcast_in_dim3A_192, %select_n3A_183 : vector<16xi1>, vector<16xi32>
          %scan3A_194 = arith.constant 3 : i32
          %scan3A_195 = arith.addi %scan3A_166, %scan3A_194 : i32
          %mul3A_196 = arith.constant 16 : i32
          %mul3A_197 = arith.muli %scan3A_195, %mul3A_196 : i32
          %get3A_198 = arith.index_cast %mul3A_197 : i32 to index
          %get3A_199 = tpu.vector_load %arg9[%get3A_198] {strides = array<i32>} : memref<512xf32, #tpu.memory_space<vmem>>, vector<16xf32>,
          %gt3A_200 = arith.cmpf ogt, %get3A_199, %select_n3A_191 : vector<16xf32>
          %select_n3A_201 = arith.select %gt3A_200, %get3A_199, %select_n3A_191 : vector<16xi1>, vector<16xf32>
          %broadcast_in_dim3A_202 = vector.broadcast %scan3A_195 : i32 to vector<16xi32>
          %select_n3A_203 = arith.select %gt3A_200, %broadcast_in_dim3A_202, %select_n3A_193 : vector<16xi1>, vector<16xi32>
          %scan3A_204 = arith.constant 4 : i32
          %scan3A_205 = arith.addi %scan3A_166, %scan3A_204 : i32
          %mul3A_206 = arith.constant 16 : i32
          %mul3A_207 = arith.muli %scan3A_205, %mul3A_206 : i32
          %get3A_208 = arith.index_cast %mul3A_207 : i32 to index
          %get3A_209 = tpu.vector_load %arg9[%get3A_208] {strides = array<i32>} : memref<512xf32, #tpu.memory_space<vmem>>, vector<16xf32>,
          %gt3A_210 = arith.cmpf ogt, %get3A_209, %select_n3A_201 : vector<16xf32>
          %select_n3A_211 = arith.select %gt3A_210, %get3A_209, %select_n3A_201 : vector<16xi1>, vector<16xf32>
          %broadcast_in_dim3A_212 = vector.broadcast %scan3A_205 : i32 to vector<16xi32>
          %select_n3A_213 = arith.select %gt3A_210, %broadcast_in_dim3A_212, %select_n3A_203 : vector<16xi1>, vector<16xi32>
          %scan3A_214 = arith.constant 5 : i32
          %scan3A_215 = arith.addi %scan3A_166, %scan3A_214 : i32
          %mul3A_216 = arith.constant 16 : i32
          %mul3A_217 = arith.muli %scan3A_215, %mul3A_216 : i32
          %get3A_218 = arith.index_cast %mul3A_217 : i32 to index
          %get3A_219 = tpu.vector_load %arg9[%get3A_218] {strides = array<i32>} : memref<512xf32, #tpu.memory_space<vmem>>, vector<16xf32>,
          %gt3A_220 = arith.cmpf ogt, %get3A_219, %select_n3A_211 : vector<16xf32>
          %select_n3A_221 = arith.select %gt3A_220, %get3A_219, %select_n3A_211 : vector<16xi1>, vector<16xf32>
          %broadcast_in_dim3A_222 = vector.broadcast %scan3A_215 : i32 to vector<16xi32>
          %select_n3A_223 = arith.select %gt3A_220, %broadcast_in_dim3A_222, %select_n3A_213 : vector<16xi1>, vector<16xi32>
          %scan3A_224 = arith.constant 6 : i32
          %scan3A_225 = arith.addi %scan3A_166, %scan3A_224 : i32
          %mul3A_226 = arith.constant 16 : i32
          %mul3A_227 = arith.muli %scan3A_225, %mul3A_226 : i32
          %get3A_228 = arith.index_cast %mul3A_227 : i32 to index
          %get3A_229 = tpu.vector_load %arg9[%get3A_228] {strides = array<i32>} : memref<512xf32, #tpu.memory_space<vmem>>, vector<16xf32>,
          %gt3A_230 = arith.cmpf ogt, %get3A_229, %select_n3A_221 : vector<16xf32>
          %select_n3A_231 = arith.select %gt3A_230, %get3A_229, %select_n3A_221 : vector<16xi1>, vector<16xf32>
          %broadcast_in_dim3A_232 = vector.broadcast %scan3A_225 : i32 to vector<16xi32>
          %select_n3A_233 = arith.select %gt3A_230, %broadcast_in_dim3A_232, %select_n3A_223 : vector<16xi1>, vector<16xi32>
          %scan3A_234 = arith.constant 7 : i32
          %scan3A_235 = arith.addi %scan3A_166, %scan3A_234 : i32
          %mul3A_236 = arith.constant 16 : i32
          %mul3A_237 = arith.muli %scan3A_235, %mul3A_236 : i32
          %get3A_238 = arith.index_cast %mul3A_237 : i32 to index
          %get3A_239 = tpu.vector_load %arg9[%get3A_238] {strides = array<i32>} : memref<512xf32, #tpu.memory_space<vmem>>, vector<16xf32>,
          %gt3A_240 = arith.cmpf ogt, %get3A_239, %select_n3A_231 : vector<16xf32>
          %select_n3A_241 = arith.select %gt3A_240, %get3A_239, %select_n3A_231 : vector<16xi1>, vector<16xf32>
          %broadcast_in_dim3A_242 = vector.broadcast %scan3A_235 : i32 to vector<16xi32>
          %select_n3A_243 = arith.select %gt3A_240, %broadcast_in_dim3A_242, %select_n3A_233 : vector<16xi1>, vector<16xi32>
          scf.yield %select_n3A_241, %select_n3A_243 : vector<16xf32>, vector<16xi32>
        }
        %scan3A_140 = arith.constant 32 : i32
        %mul3A_141 = arith.constant 16 : i32
        %mul3A_142 = vector.broadcast %mul3A_141 : i32 to vector<16xi32>
        %mul3A_143 = arith.muli %scan3A_139#1, %mul3A_142 : vector<16xi32>
        %add3A_144 = arith.addi %mul3A_143, %iota3A : vector<16xi32>
        tpu.vector_store_idx %arg9[%add3A_144], %broadcast_in_dim3A_4 : memref<512xf32, #tpu.memory_space<vmem>>[vector<16xi32>], vector<16xf32>,
        %add3A_145 = arith.addi %mul3A_3, %scan3A_139#1 : vector<16xi32>
        %gather3A_146 = tpu.vector_load_idx %arg7[%add3A_145] : memref<512xi32, #tpu.memory_space<vmem>>[vector<16xi32>], vector<16xi32>,
        %swap3A_147 = arith.constant 48 : index
        %swap3A_148 = tpu.vector_load %arg10[%swap3A_147] {strides = array<i32>} : memref<80xi32, #tpu.memory_space<vmem>>, vector<16xi32>,
        tpu.vector_store %arg10[%swap3A_147], %gather3A_146 {strides = array<i32>} : memref<80xi32, #tpu.memory_space<vmem>>, vector<16xi32>,
        %scan3A_149 = arith.constant 0 : i32
        %scan3A_150 = arith.constant 32 : i32
        %scan3A_151 = arith.addi %scan3A_149, %scan3A_150 : i32
        %scan3A_152 = arith.constant 8 : i32
        %scan3A_153:2 = scf.for %scan3A_166 = %scan3A_149 to %scan3A_151 step %scan3A_152 iter_args(%scan3A_167 = %broadcast_in_dim3A_4, %scan3A_168 = %broadcast_in_dim3A_94) -> (vector<16xf32>, vector<16xi32>)  : i32 {
          %mul3A_169 = arith.constant 16 : i32
          %mul3A_170 = arith.muli %scan3A_166, %mul3A_169 : i32
          %get3A = arith.index_cast %mul3A_170 : i32 to index
          %get3A_171 = tpu.vector_load %arg9[%get3A] {strides = array<i32>} : memref<512xf32, #tpu.memory_space<vmem>>, vector<16xf32>,
          %gt3A = arith.cmpf ogt, %get3A_171, %scan3A_167 : vector<16xf32>
          %select_n3A = arith.select %gt3A, %get3A_171, %scan3A_167 : vector<16xi1>, vector<16xf32>
          %broadcast_in_dim3A_172 = vector.broadcast %scan3A_166 : i32 to vector<16xi32>
          %select_n3A_173 = arith.select %gt3A, %broadcast_in_dim3A_172, %scan3A_168 : vector<16xi1>, vector<16xi32>
          %scan3A_174 = arith.constant 1 : i32
          %scan3A_175 = arith.addi %scan3A_166, %scan3A_174 : i32
          %mul3A_176 = arith.constant 16 : i32
          %mul3A_177 = arith.muli %scan3A_175, %mul3A_176 : i32
          %get3A_178 = arith.index_cast %mul3A_177 : i32 to index
          %get3A_179 = tpu.vector_load %arg9[%get3A_178] {strides = array<i32>} : memref<512xf32, #tpu.memory_space<vmem>>, vector<16xf32>,
          %gt3A_180 = arith.cmpf ogt, %get3A_179, %select_n3A : vector<16xf32>
          %select_n3A_181 = arith.select %gt3A_180, %get3A_179, %select_n3A : vector<16xi1>, vector<16xf32>
          %broadcast_in_dim3A_182 = vector.broadcast %scan3A_175 : i32 to vector<16xi32>
          %select_n3A_183 = arith.select %gt3A_180, %broadcast_in_dim3A_182, %select_n3A_173 : vector<16xi1>, vector<16xi32>
          %scan3A_184 = arith.constant 2 : i32
          %scan3A_185 = arith.addi %scan3A_166, %scan3A_184 : i32
          %mul3A_186 = arith.constant 16 : i32
          %mul3A_187 = arith.muli %scan3A_185, %mul3A_186 : i32
          %get3A_188 = arith.index_cast %mul3A_187 : i32 to index
          %get3A_189 = tpu.vector_load %arg9[%get3A_188] {strides = array<i32>} : memref<512xf32, #tpu.memory_space<vmem>>, vector<16xf32>,
          %gt3A_190 = arith.cmpf ogt, %get3A_189, %select_n3A_181 : vector<16xf32>
          %select_n3A_191 = arith.select %gt3A_190, %get3A_189, %select_n3A_181 : vector<16xi1>, vector<16xf32>
          %broadcast_in_dim3A_192 = vector.broadcast %scan3A_185 : i32 to vector<16xi32>
          %select_n3A_193 = arith.select %gt3A_190, %broadcast_in_dim3A_192, %select_n3A_183 : vector<16xi1>, vector<16xi32>
          %scan3A_194 = arith.constant 3 : i32
          %scan3A_195 = arith.addi %scan3A_166, %scan3A_194 : i32
          %mul3A_196 = arith.constant 16 : i32
          %mul3A_197 = arith.muli %scan3A_195, %mul3A_196 : i32
          %get3A_198 = arith.index_cast %mul3A_197 : i32 to index
          %get3A_199 = tpu.vector_load %arg9[%get3A_198] {strides = array<i32>} : memref<512xf32, #tpu.memory_space<vmem>>, vector<16xf32>,
          %gt3A_200 = arith.cmpf ogt, %get3A_199, %select_n3A_191 : vector<16xf32>
          %select_n3A_201 = arith.select %gt3A_200, %get3A_199, %select_n3A_191 : vector<16xi1>, vector<16xf32>
          %broadcast_in_dim3A_202 = vector.broadcast %scan3A_195 : i32 to vector<16xi32>
          %select_n3A_203 = arith.select %gt3A_200, %broadcast_in_dim3A_202, %select_n3A_193 : vector<16xi1>, vector<16xi32>
          %scan3A_204 = arith.constant 4 : i32
          %scan3A_205 = arith.addi %scan3A_166, %scan3A_204 : i32
          %mul3A_206 = arith.constant 16 : i32
          %mul3A_207 = arith.muli %scan3A_205, %mul3A_206 : i32
          %get3A_208 = arith.index_cast %mul3A_207 : i32 to index
          %get3A_209 = tpu.vector_load %arg9[%get3A_208] {strides = array<i32>} : memref<512xf32, #tpu.memory_space<vmem>>, vector<16xf32>,
          %gt3A_210 = arith.cmpf ogt, %get3A_209, %select_n3A_201 : vector<16xf32>
          %select_n3A_211 = arith.select %gt3A_210, %get3A_209, %select_n3A_201 : vector<16xi1>, vector<16xf32>
          %broadcast_in_dim3A_212 = vector.broadcast %scan3A_205 : i32 to vector<16xi32>
          %select_n3A_213 = arith.select %gt3A_210, %broadcast_in_dim3A_212, %select_n3A_203 : vector<16xi1>, vector<16xi32>
          %scan3A_214 = arith.constant 5 : i32
          %scan3A_215 = arith.addi %scan3A_166, %scan3A_214 : i32
          %mul3A_216 = arith.constant 16 : i32
          %mul3A_217 = arith.muli %scan3A_215, %mul3A_216 : i32
          %get3A_218 = arith.index_cast %mul3A_217 : i32 to index
          %get3A_219 = tpu.vector_load %arg9[%get3A_218] {strides = array<i32>} : memref<512xf32, #tpu.memory_space<vmem>>, vector<16xf32>,
          %gt3A_220 = arith.cmpf ogt, %get3A_219, %select_n3A_211 : vector<16xf32>
          %select_n3A_221 = arith.select %gt3A_220, %get3A_219, %select_n3A_211 : vector<16xi1>, vector<16xf32>
          %broadcast_in_dim3A_222 = vector.broadcast %scan3A_215 : i32 to vector<16xi32>
          %select_n3A_223 = arith.select %gt3A_220, %broadcast_in_dim3A_222, %select_n3A_213 : vector<16xi1>, vector<16xi32>
          %scan3A_224 = arith.constant 6 : i32
          %scan3A_225 = arith.addi %scan3A_166, %scan3A_224 : i32
          %mul3A_226 = arith.constant 16 : i32
          %mul3A_227 = arith.muli %scan3A_225, %mul3A_226 : i32
          %get3A_228 = arith.index_cast %mul3A_227 : i32 to index
          %get3A_229 = tpu.vector_load %arg9[%get3A_228] {strides = array<i32>} : memref<512xf32, #tpu.memory_space<vmem>>, vector<16xf32>,
          %gt3A_230 = arith.cmpf ogt, %get3A_229, %select_n3A_221 : vector<16xf32>
          %select_n3A_231 = arith.select %gt3A_230, %get3A_229, %select_n3A_221 : vector<16xi1>, vector<16xf32>
          %broadcast_in_dim3A_232 = vector.broadcast %scan3A_225 : i32 to vector<16xi32>
          %select_n3A_233 = arith.select %gt3A_230, %broadcast_in_dim3A_232, %select_n3A_223 : vector<16xi1>, vector<16xi32>
          %scan3A_234 = arith.constant 7 : i32
          %scan3A_235 = arith.addi %scan3A_166, %scan3A_234 : i32
          %mul3A_236 = arith.constant 16 : i32
          %mul3A_237 = arith.muli %scan3A_235, %mul3A_236 : i32
          %get3A_238 = arith.index_cast %mul3A_237 : i32 to index
          %get3A_239 = tpu.vector_load %arg9[%get3A_238] {strides = array<i32>} : memref<512xf32, #tpu.memory_space<vmem>>, vector<16xf32>,
          %gt3A_240 = arith.cmpf ogt, %get3A_239, %select_n3A_231 : vector<16xf32>
          %select_n3A_241 = arith.select %gt3A_240, %get3A_239, %select_n3A_231 : vector<16xi1>, vector<16xf32>
          %broadcast_in_dim3A_242 = vector.broadcast %scan3A_235 : i32 to vector<16xi32>
          %select_n3A_243 = arith.select %gt3A_240, %broadcast_in_dim3A_242, %select_n3A_233 : vector<16xi1>, vector<16xi32>
          scf.yield %select_n3A_241, %select_n3A_243 : vector<16xf32>, vector<16xi32>
        }
        %scan3A_154 = arith.constant 32 : i32
        %mul3A_155 = arith.constant 16 : i32
        %mul3A_156 = vector.broadcast %mul3A_155 : i32 to vector<16xi32>
        %mul3A_157 = arith.muli %scan3A_153#1, %mul3A_156 : vector<16xi32>
        %add3A_158 = arith.addi %mul3A_157, %iota3A : vector<16xi32>
        tpu.vector_store_idx %arg9[%add3A_158], %broadcast_in_dim3A_4 : memref<512xf32, #tpu.memory_space<vmem>>[vector<16xi32>], vector<16xf32>,
        %add3A_159 = arith.addi %mul3A_3, %scan3A_153#1 : vector<16xi32>
        %gather3A_160 = tpu.vector_load_idx %arg7[%add3A_159] : memref<512xi32, #tpu.memory_space<vmem>>[vector<16xi32>], vector<16xi32>,
        %swap3A_161 = arith.constant 64 : index
        %swap3A_162 = tpu.vector_load %arg10[%swap3A_161] {strides = array<i32>} : memref<80xi32, #tpu.memory_space<vmem>>, vector<16xi32>,
        tpu.vector_store %arg10[%swap3A_161], %gather3A_160 {strides = array<i32>} : memref<80xi32, #tpu.memory_space<vmem>>, vector<16xi32>,
        %dma_start3A_163 = arith.constant 0 : i32
        %dma_start3A_164 = arith.constant 0 : i32
        %dma_start3A_165 = tpu.memref_slice %arg2[%dma_start3A_163, %dma_start3A_164] : memref<10000x128xf32, #tpu.memory_space<hbm>> -> memref<10000x128xf32, #tpu.memory_space<hbm>>
        tpu.enqueue_indirect_dma source(%dma_start3A_165 : memref<10000x128xf32, #tpu.memory_space<hbm>>) target(%arg12 : memref<80x128xf32, #tpu.memory_space<vmem>>) offsets(%arg10 : memref<80xi32, #tpu.memory_space<vmem>>) semaphore(%arg16 : memref<!tpu.dma_semaphore, #tpu.memory_space<semaphore_mem>>)
      } else {
      }
      %sub3A = arith.constant 1 : i32
      %sub3A_44 = arith.subi %add3A_35, %sub3A : i32
      %mul3A_45 = arith.constant 32 : i32
      %mul3A_46 = arith.muli %sub3A_44, %mul3A_45 : i32
      %add3A_47 = arith.addi %add3A, %mul3A_46 : i32
      %ge3A = arith.constant 1 : i32
      %ge3A_48 = arith.cmpi sge, %add3A_35, %ge3A : i32
      %lt3A_49 = arith.constant 625 : i32
      %lt3A_50 = arith.cmpi slt, %add3A_47, %lt3A_49 : i32
      %and3A = arith.andi %ge3A_48, %lt3A_50 : i1
      %convert_element_type3A_51 = arith.extui %and3A : i1 to i32
      %cond3A_52 = arith.constant 0 : i32
      %cond3A_53 = arith.cmpi ne, %convert_element_type3A_51, %cond3A_52 : i32
      scf.if %cond3A_53 {
        %dma_wait3A_79 = arith.constant 0 : i32
        %dma_wait3A_80 = arith.constant 0 : i32
        %dma_wait3A_81 = tpu.memref_slice %arg2[%dma_wait3A_79, %dma_wait3A_80] : memref<10000x128xf32, #tpu.memory_space<hbm>> -> memref<10000x128xf32, #tpu.memory_space<hbm>>
        tpu.wait_indirect_dma semaphore(%arg17 : memref<!tpu.dma_semaphore, #tpu.memory_space<semaphore_mem>>) src(%dma_wait3A_81 : memref<10000x128xf32, #tpu.memory_space<hbm>>) dst(%arg13 : memref<80x128xf32, #tpu.memory_space<vmem>>)
        %ge3A_82 = arith.constant 64 : i32
        %ge3A_83 = arith.cmpi sge, %add3A_47, %ge3A_82 : i32
        %convert_element_type3A_84 = arith.extui %ge3A_83 : i1 to i32
        %cond3A_85 = arith.constant 0 : i32
        %cond3A_86 = arith.cmpi ne, %convert_element_type3A_84, %cond3A_85 : i32
        scf.if %cond3A_86 {
          %sub3A_95 = arith.constant 64 : i32
          %sub3A_96 = arith.subi %add3A_47, %sub3A_95 : i32
          %mul3A_97 = arith.constant 16 : i32
          %mul3A_98 = arith.muli %sub3A_96, %mul3A_97 : i32
          %dma_wait3A_99 = arith.constant 0 : i32
          %dma_wait3A_100 = tpu.memref_slice %arg5[%mul3A_98, %dma_wait3A_99] : memref<10000x128xf32, #tpu.memory_space<hbm>> -> memref<16x128xf32, #tpu.memory_space<hbm>>
          %dma_wait3A_101 = arith.constant 0 : i32
          %dma_wait3A_102 = tpu.memref_slice %arg5[%mul3A_98, %dma_wait3A_101] : memref<10000x128xf32, #tpu.memory_space<hbm>> -> memref<16x128xf32, #tpu.memory_space<hbm>>
          tpu.wait_dma2 semaphore(%arg19 : memref<!tpu.dma_semaphore, #tpu.memory_space<semaphore_mem>>) src(%arg15 : memref<16x128xf32, #tpu.memory_space<vmem>>) dst(%dma_wait3A_102 : memref<16x128xf32, #tpu.memory_space<hbm>>)
        } else {
        }
        %parallel_loop3A = arith.constant 0 : i32
        %parallel_loop3A_87 = arith.constant 16 : i32
        %parallel_loop3A_88 = arith.constant 1 : i32
        scf.for %parallel_loop3A_95 = %parallel_loop3A to %parallel_loop3A_87 step %parallel_loop3A_88  : i32 {
          %parallel_loop3A_96 = arith.index_cast %parallel_loop3A_95 : i32 to index
          %parallel_loop3A_97 = arith.constant 0 : index
          %parallel_loop3A_98 = tpu.vector_load %arg13[%parallel_loop3A_96, %parallel_loop3A_97] {strides = array<i32>} : memref<80x128xf32, #tpu.memory_space<vmem>>, vector<16xf32>,
          %parallel_loop3A_99 = arith.constant 16 : i32
          %parallel_loop3A_100 = arith.addi %parallel_loop3A_99, %parallel_loop3A_95 : i32
          %parallel_loop3A_101 = arith.index_cast %parallel_loop3A_100 : i32 to index
          %parallel_loop3A_102 = arith.constant 0 : index
          %parallel_loop3A_103 = tpu.vector_load %arg13[%parallel_loop3A_101, %parallel_loop3A_102] {strides = array<i32>} : memref<80x128xf32, #tpu.memory_space<vmem>>, vector<16xf32>,
          %parallel_loop3A_104 = arith.addf %parallel_loop3A_98, %parallel_loop3A_103 : vector<16xf32>
          %parallel_loop3A_105 = arith.constant 32 : i32
          %parallel_loop3A_106 = arith.addi %parallel_loop3A_105, %parallel_loop3A_95 : i32
          %parallel_loop3A_107 = arith.index_cast %parallel_loop3A_106 : i32 to index
          %parallel_loop3A_108 = arith.constant 0 : index
          %parallel_loop3A_109 = tpu.vector_load %arg13[%parallel_loop3A_107, %parallel_loop3A_108] {strides = array<i32>} : memref<80x128xf32, #tpu.memory_space<vmem>>, vector<16xf32>,
          %parallel_loop3A_110 = arith.addf %parallel_loop3A_104, %parallel_loop3A_109 : vector<16xf32>
          %parallel_loop3A_111 = arith.constant 48 : i32
          %parallel_loop3A_112 = arith.addi %parallel_loop3A_111, %parallel_loop3A_95 : i32
          %parallel_loop3A_113 = arith.index_cast %parallel_loop3A_112 : i32 to index
          %parallel_loop3A_114 = arith.constant 0 : index
          %parallel_loop3A_115 = tpu.vector_load %arg13[%parallel_loop3A_113, %parallel_loop3A_114] {strides = array<i32>} : memref<80x128xf32, #tpu.memory_space<vmem>>, vector<16xf32>,
          %parallel_loop3A_116 = arith.addf %parallel_loop3A_110, %parallel_loop3A_115 : vector<16xf32>
          %parallel_loop3A_117 = arith.constant 64 : i32
          %parallel_loop3A_118 = arith.addi %parallel_loop3A_117, %parallel_loop3A_95 : i32
          %parallel_loop3A_119 = arith.index_cast %parallel_loop3A_118 : i32 to index
          %parallel_loop3A_120 = arith.constant 0 : index
          %parallel_loop3A_121 = tpu.vector_load %arg13[%parallel_loop3A_119, %parallel_loop3A_120] {strides = array<i32>} : memref<80x128xf32, #tpu.memory_space<vmem>>, vector<16xf32>,
          %parallel_loop3A_122 = arith.addf %parallel_loop3A_116, %parallel_loop3A_121 : vector<16xf32>
          %parallel_loop3A_123 = arith.index_cast %parallel_loop3A_95 : i32 to index
          %parallel_loop3A_124 = arith.constant 0 : index
          %parallel_loop3A_125 = tpu.vector_load %arg15[%parallel_loop3A_123, %parallel_loop3A_124] {strides = array<i32>} : memref<16x128xf32, #tpu.memory_space<vmem>>, vector<16xf32>,
          tpu.vector_store %arg15[%parallel_loop3A_123, %parallel_loop3A_124], %parallel_loop3A_122 {strides = array<i32>} : memref<16x128xf32, #tpu.memory_space<vmem>>, vector<16xf32>,
          %parallel_loop3A_126 = arith.index_cast %parallel_loop3A_95 : i32 to index
          %parallel_loop3A_127 = arith.constant 16 : index
          %parallel_loop3A_128 = tpu.vector_load %arg13[%parallel_loop3A_126, %parallel_loop3A_127] {strides = array<i32>} : memref<80x128xf32, #tpu.memory_space<vmem>>, vector<16xf32>,
          %parallel_loop3A_129 = arith.constant 16 : i32
          %parallel_loop3A_130 = arith.addi %parallel_loop3A_129, %parallel_loop3A_95 : i32
          %parallel_loop3A_131 = arith.index_cast %parallel_loop3A_130 : i32 to index
          %parallel_loop3A_132 = arith.constant 16 : index
          %parallel_loop3A_133 = tpu.vector_load %arg13[%parallel_loop3A_131, %parallel_loop3A_132] {strides = array<i32>} : memref<80x128xf32, #tpu.memory_space<vmem>>, vector<16xf32>,
          %parallel_loop3A_134 = arith.addf %parallel_loop3A_128, %parallel_loop3A_133 : vector<16xf32>
          %parallel_loop3A_135 = arith.constant 32 : i32
          %parallel_loop3A_136 = arith.addi %parallel_loop3A_135, %parallel_loop3A_95 : i32
          %parallel_loop3A_137 = arith.index_cast %parallel_loop3A_136 : i32 to index
          %parallel_loop3A_138 = arith.constant 16 : index
          %parallel_loop3A_139 = tpu.vector_load %arg13[%parallel_loop3A_137, %parallel_loop3A_138] {strides = array<i32>} : memref<80x128xf32, #tpu.memory_space<vmem>>, vector<16xf32>,
          %parallel_loop3A_140 = arith.addf %parallel_loop3A_134, %parallel_loop3A_139 : vector<16xf32>
          %parallel_loop3A_141 = arith.constant 48 : i32
          %parallel_loop3A_142 = arith.addi %parallel_loop3A_141, %parallel_loop3A_95 : i32
          %parallel_loop3A_143 = arith.index_cast %parallel_loop3A_142 : i32 to index
          %parallel_loop3A_144 = arith.constant 16 : index
          %parallel_loop3A_145 = tpu.vector_load %arg13[%parallel_loop3A_143, %parallel_loop3A_144] {strides = array<i32>} : memref<80x128xf32, #tpu.memory_space<vmem>>, vector<16xf32>,
          %parallel_loop3A_146 = arith.addf %parallel_loop3A_140, %parallel_loop3A_145 : vector<16xf32>
          %parallel_loop3A_147 = arith.constant 64 : i32
          %parallel_loop3A_148 = arith.addi %parallel_loop3A_147, %parallel_loop3A_95 : i32
          %parallel_loop3A_149 = arith.index_cast %parallel_loop3A_148 : i32 to index
          %parallel_loop3A_150 = arith.constant 16 : index
          %parallel_loop3A_151 = tpu.vector_load %arg13[%parallel_loop3A_149, %parallel_loop3A_150] {strides = array<i32>} : memref<80x128xf32, #tpu.memory_space<vmem>>, vector<16xf32>,
          %parallel_loop3A_152 = arith.addf %parallel_loop3A_146, %parallel_loop3A_151 : vector<16xf32>
          %parallel_loop3A_153 = arith.index_cast %parallel_loop3A_95 : i32 to index
          %parallel_loop3A_154 = arith.constant 16 : index
          %parallel_loop3A_155 = tpu.vector_load %arg15[%parallel_loop3A_153, %parallel_loop3A_154] {strides = array<i32>} : memref<16x128xf32, #tpu.memory_space<vmem>>, vector<16xf32>,
          tpu.vector_store %arg15[%parallel_loop3A_153, %parallel_loop3A_154], %parallel_loop3A_152 {strides = array<i32>} : memref<16x128xf32, #tpu.memory_space<vmem>>, vector<16xf32>,
          %parallel_loop3A_156 = arith.index_cast %parallel_loop3A_95 : i32 to index
          %parallel_loop3A_157 = arith.constant 32 : index
          %parallel_loop3A_158 = tpu.vector_load %arg13[%parallel_loop3A_156, %parallel_loop3A_157] {strides = array<i32>} : memref<80x128xf32, #tpu.memory_space<vmem>>, vector<16xf32>,
          %parallel_loop3A_159 = arith.constant 16 : i32
          %parallel_loop3A_160 = arith.addi %parallel_loop3A_159, %parallel_loop3A_95 : i32
          %parallel_loop3A_161 = arith.index_cast %parallel_loop3A_160 : i32 to index
          %parallel_loop3A_162 = arith.constant 32 : index
          %parallel_loop3A_163 = tpu.vector_load %arg13[%parallel_loop3A_161, %parallel_loop3A_162] {strides = array<i32>} : memref<80x128xf32, #tpu.memory_space<vmem>>, vector<16xf32>,
          %parallel_loop3A_164 = arith.addf %parallel_loop3A_158, %parallel_loop3A_163 : vector<16xf32>
          %parallel_loop3A_165 = arith.constant 32 : i32
          %parallel_loop3A_166 = arith.addi %parallel_loop3A_165, %parallel_loop3A_95 : i32
          %parallel_loop3A_167 = arith.index_cast %parallel_loop3A_166 : i32 to index
          %parallel_loop3A_168 = arith.constant 32 : index
          %parallel_loop3A_169 = tpu.vector_load %arg13[%parallel_loop3A_167, %parallel_loop3A_168] {strides = array<i32>} : memref<80x128xf32, #tpu.memory_space<vmem>>, vector<16xf32>,
          %parallel_loop3A_170 = arith.addf %parallel_loop3A_164, %parallel_loop3A_169 : vector<16xf32>
          %parallel_loop3A_171 = arith.constant 48 : i32
          %parallel_loop3A_172 = arith.addi %parallel_loop3A_171, %parallel_loop3A_95 : i32
          %parallel_loop3A_173 = arith.index_cast %parallel_loop3A_172 : i32 to index
          %parallel_loop3A_174 = arith.constant 32 : index
          %parallel_loop3A_175 = tpu.vector_load %arg13[%parallel_loop3A_173, %parallel_loop3A_174] {strides = array<i32>} : memref<80x128xf32, #tpu.memory_space<vmem>>, vector<16xf32>,
          %parallel_loop3A_176 = arith.addf %parallel_loop3A_170, %parallel_loop3A_175 : vector<16xf32>
          %parallel_loop3A_177 = arith.constant 64 : i32
          %parallel_loop3A_178 = arith.addi %parallel_loop3A_177, %parallel_loop3A_95 : i32
          %parallel_loop3A_179 = arith.index_cast %parallel_loop3A_178 : i32 to index
          %parallel_loop3A_180 = arith.constant 32 : index
          %parallel_loop3A_181 = tpu.vector_load %arg13[%parallel_loop3A_179, %parallel_loop3A_180] {strides = array<i32>} : memref<80x128xf32, #tpu.memory_space<vmem>>, vector<16xf32>,
          %parallel_loop3A_182 = arith.addf %parallel_loop3A_176, %parallel_loop3A_181 : vector<16xf32>
          %parallel_loop3A_183 = arith.index_cast %parallel_loop3A_95 : i32 to index
          %parallel_loop3A_184 = arith.constant 32 : index
          %parallel_loop3A_185 = tpu.vector_load %arg15[%parallel_loop3A_183, %parallel_loop3A_184] {strides = array<i32>} : memref<16x128xf32, #tpu.memory_space<vmem>>, vector<16xf32>,
          tpu.vector_store %arg15[%parallel_loop3A_183, %parallel_loop3A_184], %parallel_loop3A_182 {strides = array<i32>} : memref<16x128xf32, #tpu.memory_space<vmem>>, vector<16xf32>,
          %parallel_loop3A_186 = arith.index_cast %parallel_loop3A_95 : i32 to index
          %parallel_loop3A_187 = arith.constant 48 : index
          %parallel_loop3A_188 = tpu.vector_load %arg13[%parallel_loop3A_186, %parallel_loop3A_187] {strides = array<i32>} : memref<80x128xf32, #tpu.memory_space<vmem>>, vector<16xf32>,
          %parallel_loop3A_189 = arith.constant 16 : i32
          %parallel_loop3A_190 = arith.addi %parallel_loop3A_189, %parallel_loop3A_95 : i32
          %parallel_loop3A_191 = arith.index_cast %parallel_loop3A_190 : i32 to index
          %parallel_loop3A_192 = arith.constant 48 : index
          %parallel_loop3A_193 = tpu.vector_load %arg13[%parallel_loop3A_191, %parallel_loop3A_192] {strides = array<i32>} : memref<80x128xf32, #tpu.memory_space<vmem>>, vector<16xf32>,
          %parallel_loop3A_194 = arith.addf %parallel_loop3A_188, %parallel_loop3A_193 : vector<16xf32>
          %parallel_loop3A_195 = arith.constant 32 : i32
          %parallel_loop3A_196 = arith.addi %parallel_loop3A_195, %parallel_loop3A_95 : i32
          %parallel_loop3A_197 = arith.index_cast %parallel_loop3A_196 : i32 to index
          %parallel_loop3A_198 = arith.constant 48 : index
          %parallel_loop3A_199 = tpu.vector_load %arg13[%parallel_loop3A_197, %parallel_loop3A_198] {strides = array<i32>} : memref<80x128xf32, #tpu.memory_space<vmem>>, vector<16xf32>,
          %parallel_loop3A_200 = arith.addf %parallel_loop3A_194, %parallel_loop3A_199 : vector<16xf32>
          %parallel_loop3A_201 = arith.constant 48 : i32
          %parallel_loop3A_202 = arith.addi %parallel_loop3A_201, %parallel_loop3A_95 : i32
          %parallel_loop3A_203 = arith.index_cast %parallel_loop3A_202 : i32 to index
          %parallel_loop3A_204 = arith.constant 48 : index
          %parallel_loop3A_205 = tpu.vector_load %arg13[%parallel_loop3A_203, %parallel_loop3A_204] {strides = array<i32>} : memref<80x128xf32, #tpu.memory_space<vmem>>, vector<16xf32>,
          %parallel_loop3A_206 = arith.addf %parallel_loop3A_200, %parallel_loop3A_205 : vector<16xf32>
          %parallel_loop3A_207 = arith.constant 64 : i32
          %parallel_loop3A_208 = arith.addi %parallel_loop3A_207, %parallel_loop3A_95 : i32
          %parallel_loop3A_209 = arith.index_cast %parallel_loop3A_208 : i32 to index
          %parallel_loop3A_210 = arith.constant 48 : index
          %parallel_loop3A_211 = tpu.vector_load %arg13[%parallel_loop3A_209, %parallel_loop3A_210] {strides = array<i32>} : memref<80x128xf32, #tpu.memory_space<vmem>>, vector<16xf32>,
          %parallel_loop3A_212 = arith.addf %parallel_loop3A_206, %parallel_loop3A_211 : vector<16xf32>
          %parallel_loop3A_213 = arith.index_cast %parallel_loop3A_95 : i32 to index
          %parallel_loop3A_214 = arith.constant 48 : index
          %parallel_loop3A_215 = tpu.vector_load %arg15[%parallel_loop3A_213, %parallel_loop3A_214] {strides = array<i32>} : memref<16x128xf32, #tpu.memory_space<vmem>>, vector<16xf32>,
          tpu.vector_store %arg15[%parallel_loop3A_213, %parallel_loop3A_214], %parallel_loop3A_212 {strides = array<i32>} : memref<16x128xf32, #tpu.memory_space<vmem>>, vector<16xf32>,
          %parallel_loop3A_216 = arith.index_cast %parallel_loop3A_95 : i32 to index
          %parallel_loop3A_217 = arith.constant 64 : index
          %parallel_loop3A_218 = tpu.vector_load %arg13[%parallel_loop3A_216, %parallel_loop3A_217] {strides = array<i32>} : memref<80x128xf32, #tpu.memory_space<vmem>>, vector<16xf32>,
          %parallel_loop3A_219 = arith.constant 16 : i32
          %parallel_loop3A_220 = arith.addi %parallel_loop3A_219, %parallel_loop3A_95 : i32
          %parallel_loop3A_221 = arith.index_cast %parallel_loop3A_220 : i32 to index
          %parallel_loop3A_222 = arith.constant 64 : index
          %parallel_loop3A_223 = tpu.vector_load %arg13[%parallel_loop3A_221, %parallel_loop3A_222] {strides = array<i32>} : memref<80x128xf32, #tpu.memory_space<vmem>>, vector<16xf32>,
          %parallel_loop3A_224 = arith.addf %parallel_loop3A_218, %parallel_loop3A_223 : vector<16xf32>
          %parallel_loop3A_225 = arith.constant 32 : i32
          %parallel_loop3A_226 = arith.addi %parallel_loop3A_225, %parallel_loop3A_95 : i32
          %parallel_loop3A_227 = arith.index_cast %parallel_loop3A_226 : i32 to index
          %parallel_loop3A_228 = arith.constant 64 : index
          %parallel_loop3A_229 = tpu.vector_load %arg13[%parallel_loop3A_227, %parallel_loop3A_228] {strides = array<i32>} : memref<80x128xf32, #tpu.memory_space<vmem>>, vector<16xf32>,
          %parallel_loop3A_230 = arith.addf %parallel_loop3A_224, %parallel_loop3A_229 : vector<16xf32>
          %parallel_loop3A_231 = arith.constant 48 : i32
          %parallel_loop3A_232 = arith.addi %parallel_loop3A_231, %parallel_loop3A_95 : i32
          %parallel_loop3A_233 = arith.index_cast %parallel_loop3A_232 : i32 to index
          %parallel_loop3A_234 = arith.constant 64 : index
          %parallel_loop3A_235 = tpu.vector_load %arg13[%parallel_loop3A_233, %parallel_loop3A_234] {strides = array<i32>} : memref<80x128xf32, #tpu.memory_space<vmem>>, vector<16xf32>,
          %parallel_loop3A_236 = arith.addf %parallel_loop3A_230, %parallel_loop3A_235 : vector<16xf32>
          %parallel_loop3A_237 = arith.constant 64 : i32
          %parallel_loop3A_238 = arith.addi %parallel_loop3A_237, %parallel_loop3A_95 : i32
          %parallel_loop3A_239 = arith.index_cast %parallel_loop3A_238 : i32 to index
          %parallel_loop3A_240 = arith.constant 64 : index
          %parallel_loop3A_241 = tpu.vector_load %arg13[%parallel_loop3A_239, %parallel_loop3A_240] {strides = array<i32>} : memref<80x128xf32, #tpu.memory_space<vmem>>, vector<16xf32>,
          %parallel_loop3A_242 = arith.addf %parallel_loop3A_236, %parallel_loop3A_241 : vector<16xf32>
          %parallel_loop3A_243 = arith.index_cast %parallel_loop3A_95 : i32 to index
          %parallel_loop3A_244 = arith.constant 64 : index
          %parallel_loop3A_245 = tpu.vector_load %arg15[%parallel_loop3A_243, %parallel_loop3A_244] {strides = array<i32>} : memref<16x128xf32, #tpu.memory_space<vmem>>, vector<16xf32>,
          tpu.vector_store %arg15[%parallel_loop3A_243, %parallel_loop3A_244], %parallel_loop3A_242 {strides = array<i32>} : memref<16x128xf32, #tpu.memory_space<vmem>>, vector<16xf32>,
          %parallel_loop3A_246 = arith.index_cast %parallel_loop3A_95 : i32 to index
          %parallel_loop3A_247 = arith.constant 80 : index
          %parallel_loop3A_248 = tpu.vector_load %arg13[%parallel_loop3A_246, %parallel_loop3A_247] {strides = array<i32>} : memref<80x128xf32, #tpu.memory_space<vmem>>, vector<16xf32>,
          %parallel_loop3A_249 = arith.constant 16 : i32
          %parallel_loop3A_250 = arith.addi %parallel_loop3A_249, %parallel_loop3A_95 : i32
          %parallel_loop3A_251 = arith.index_cast %parallel_loop3A_250 : i32 to index
          %parallel_loop3A_252 = arith.constant 80 : index
          %parallel_loop3A_253 = tpu.vector_load %arg13[%parallel_loop3A_251, %parallel_loop3A_252] {strides = array<i32>} : memref<80x128xf32, #tpu.memory_space<vmem>>, vector<16xf32>,
          %parallel_loop3A_254 = arith.addf %parallel_loop3A_248, %parallel_loop3A_253 : vector<16xf32>
          %parallel_loop3A_255 = arith.constant 32 : i32
          %parallel_loop3A_256 = arith.addi %parallel_loop3A_255, %parallel_loop3A_95 : i32
          %parallel_loop3A_257 = arith.index_cast %parallel_loop3A_256 : i32 to index
          %parallel_loop3A_258 = arith.constant 80 : index
          %parallel_loop3A_259 = tpu.vector_load %arg13[%parallel_loop3A_257, %parallel_loop3A_258] {strides = array<i32>} : memref<80x128xf32, #tpu.memory_space<vmem>>, vector<16xf32>,
          %parallel_loop3A_260 = arith.addf %parallel_loop3A_254, %parallel_loop3A_259 : vector<16xf32>
          %parallel_loop3A_261 = arith.constant 48 : i32
          %parallel_loop3A_262 = arith.addi %parallel_loop3A_261, %parallel_loop3A_95 : i32
          %parallel_loop3A_263 = arith.index_cast %parallel_loop3A_262 : i32 to index
          %parallel_loop3A_264 = arith.constant 80 : index
          %parallel_loop3A_265 = tpu.vector_load %arg13[%parallel_loop3A_263, %parallel_loop3A_264] {strides = array<i32>} : memref<80x128xf32, #tpu.memory_space<vmem>>, vector<16xf32>,
          %parallel_loop3A_266 = arith.addf %parallel_loop3A_260, %parallel_loop3A_265 : vector<16xf32>
          %parallel_loop3A_267 = arith.constant 64 : i32
          %parallel_loop3A_268 = arith.addi %parallel_loop3A_267, %parallel_loop3A_95 : i32
          %parallel_loop3A_269 = arith.index_cast %parallel_loop3A_268 : i32 to index
          %parallel_loop3A_270 = arith.constant 80 : index
          %parallel_loop3A_271 = tpu.vector_load %arg13[%parallel_loop3A_269, %parallel_loop3A_270] {strides = array<i32>} : memref<80x128xf32, #tpu.memory_space<vmem>>, vector<16xf32>,
          %parallel_loop3A_272 = arith.addf %parallel_loop3A_266, %parallel_loop3A_271 : vector<16xf32>
          %parallel_loop3A_273 = arith.index_cast %parallel_loop3A_95 : i32 to index
          %parallel_loop3A_274 = arith.constant 80 : index
          %parallel_loop3A_275 = tpu.vector_load %arg15[%parallel_loop3A_273, %parallel_loop3A_274] {strides = array<i32>} : memref<16x128xf32, #tpu.memory_space<vmem>>, vector<16xf32>,
          tpu.vector_store %arg15[%parallel_loop3A_273, %parallel_loop3A_274], %parallel_loop3A_272 {strides = array<i32>} : memref<16x128xf32, #tpu.memory_space<vmem>>, vector<16xf32>,
          %parallel_loop3A_276 = arith.index_cast %parallel_loop3A_95 : i32 to index
          %parallel_loop3A_277 = arith.constant 96 : index
          %parallel_loop3A_278 = tpu.vector_load %arg13[%parallel_loop3A_276, %parallel_loop3A_277] {strides = array<i32>} : memref<80x128xf32, #tpu.memory_space<vmem>>, vector<16xf32>,
          %parallel_loop3A_279 = arith.constant 16 : i32
          %parallel_loop3A_280 = arith.addi %parallel_loop3A_279, %parallel_loop3A_95 : i32
          %parallel_loop3A_281 = arith.index_cast %parallel_loop3A_280 : i32 to index
          %parallel_loop3A_282 = arith.constant 96 : index
          %parallel_loop3A_283 = tpu.vector_load %arg13[%parallel_loop3A_281, %parallel_loop3A_282] {strides = array<i32>} : memref<80x128xf32, #tpu.memory_space<vmem>>, vector<16xf32>,
          %parallel_loop3A_284 = arith.addf %parallel_loop3A_278, %parallel_loop3A_283 : vector<16xf32>
          %parallel_loop3A_285 = arith.constant 32 : i32
          %parallel_loop3A_286 = arith.addi %parallel_loop3A_285, %parallel_loop3A_95 : i32
          %parallel_loop3A_287 = arith.index_cast %parallel_loop3A_286 : i32 to index
          %parallel_loop3A_288 = arith.constant 96 : index
          %parallel_loop3A_289 = tpu.vector_load %arg13[%parallel_loop3A_287, %parallel_loop3A_288] {strides = array<i32>} : memref<80x128xf32, #tpu.memory_space<vmem>>, vector<16xf32>,
          %parallel_loop3A_290 = arith.addf %parallel_loop3A_284, %parallel_loop3A_289 : vector<16xf32>
          %parallel_loop3A_291 = arith.constant 48 : i32
          %parallel_loop3A_292 = arith.addi %parallel_loop3A_291, %parallel_loop3A_95 : i32
          %parallel_loop3A_293 = arith.index_cast %parallel_loop3A_292 : i32 to index
          %parallel_loop3A_294 = arith.constant 96 : index
          %parallel_loop3A_295 = tpu.vector_load %arg13[%parallel_loop3A_293, %parallel_loop3A_294] {strides = array<i32>} : memref<80x128xf32, #tpu.memory_space<vmem>>, vector<16xf32>,
          %parallel_loop3A_296 = arith.addf %parallel_loop3A_290, %parallel_loop3A_295 : vector<16xf32>
          %parallel_loop3A_297 = arith.constant 64 : i32
          %parallel_loop3A_298 = arith.addi %parallel_loop3A_297, %parallel_loop3A_95 : i32
          %parallel_loop3A_299 = arith.index_cast %parallel_loop3A_298 : i32 to index
          %parallel_loop3A_300 = arith.constant 96 : index
          %parallel_loop3A_301 = tpu.vector_load %arg13[%parallel_loop3A_299, %parallel_loop3A_300] {strides = array<i32>} : memref<80x128xf32, #tpu.memory_space<vmem>>, vector<16xf32>,
          %parallel_loop3A_302 = arith.addf %parallel_loop3A_296, %parallel_loop3A_301 : vector<16xf32>
          %parallel_loop3A_303 = arith.index_cast %parallel_loop3A_95 : i32 to index
          %parallel_loop3A_304 = arith.constant 96 : index
          %parallel_loop3A_305 = tpu.vector_load %arg15[%parallel_loop3A_303, %parallel_loop3A_304] {strides = array<i32>} : memref<16x128xf32, #tpu.memory_space<vmem>>, vector<16xf32>,
          tpu.vector_store %arg15[%parallel_loop3A_303, %parallel_loop3A_304], %parallel_loop3A_302 {strides = array<i32>} : memref<16x128xf32, #tpu.memory_space<vmem>>, vector<16xf32>,
          %parallel_loop3A_306 = arith.index_cast %parallel_loop3A_95 : i32 to index
          %parallel_loop3A_307 = arith.constant 112 : index
          %parallel_loop3A_308 = tpu.vector_load %arg13[%parallel_loop3A_306, %parallel_loop3A_307] {strides = array<i32>} : memref<80x128xf32, #tpu.memory_space<vmem>>, vector<16xf32>,
          %parallel_loop3A_309 = arith.constant 16 : i32
          %parallel_loop3A_310 = arith.addi %parallel_loop3A_309, %parallel_loop3A_95 : i32
          %parallel_loop3A_311 = arith.index_cast %parallel_loop3A_310 : i32 to index
          %parallel_loop3A_312 = arith.constant 112 : index
          %parallel_loop3A_313 = tpu.vector_load %arg13[%parallel_loop3A_311, %parallel_loop3A_312] {strides = array<i32>} : memref<80x128xf32, #tpu.memory_space<vmem>>, vector<16xf32>,
          %parallel_loop3A_314 = arith.addf %parallel_loop3A_308, %parallel_loop3A_313 : vector<16xf32>
          %parallel_loop3A_315 = arith.constant 32 : i32
          %parallel_loop3A_316 = arith.addi %parallel_loop3A_315, %parallel_loop3A_95 : i32
          %parallel_loop3A_317 = arith.index_cast %parallel_loop3A_316 : i32 to index
          %parallel_loop3A_318 = arith.constant 112 : index
          %parallel_loop3A_319 = tpu.vector_load %arg13[%parallel_loop3A_317, %parallel_loop3A_318] {strides = array<i32>} : memref<80x128xf32, #tpu.memory_space<vmem>>, vector<16xf32>,
          %parallel_loop3A_320 = arith.addf %parallel_loop3A_314, %parallel_loop3A_319 : vector<16xf32>
          %parallel_loop3A_321 = arith.constant 48 : i32
          %parallel_loop3A_322 = arith.addi %parallel_loop3A_321, %parallel_loop3A_95 : i32
          %parallel_loop3A_323 = arith.index_cast %parallel_loop3A_322 : i32 to index
          %parallel_loop3A_324 = arith.constant 112 : index
          %parallel_loop3A_325 = tpu.vector_load %arg13[%parallel_loop3A_323, %parallel_loop3A_324] {strides = array<i32>} : memref<80x128xf32, #tpu.memory_space<vmem>>, vector<16xf32>,
          %parallel_loop3A_326 = arith.addf %parallel_loop3A_320, %parallel_loop3A_325 : vector<16xf32>
          %parallel_loop3A_327 = arith.constant 64 : i32
          %parallel_loop3A_328 = arith.addi %parallel_loop3A_327, %parallel_loop3A_95 : i32
          %parallel_loop3A_329 = arith.index_cast %parallel_loop3A_328 : i32 to index
          %parallel_loop3A_330 = arith.constant 112 : index
          %parallel_loop3A_331 = tpu.vector_load %arg13[%parallel_loop3A_329, %parallel_loop3A_330] {strides = array<i32>} : memref<80x128xf32, #tpu.memory_space<vmem>>, vector<16xf32>,
          %parallel_loop3A_332 = arith.addf %parallel_loop3A_326, %parallel_loop3A_331 : vector<16xf32>
          %parallel_loop3A_333 = arith.index_cast %parallel_loop3A_95 : i32 to index
          %parallel_loop3A_334 = arith.constant 112 : index
          %parallel_loop3A_335 = tpu.vector_load %arg15[%parallel_loop3A_333, %parallel_loop3A_334] {strides = array<i32>} : memref<16x128xf32, #tpu.memory_space<vmem>>, vector<16xf32>,
          tpu.vector_store %arg15[%parallel_loop3A_333, %parallel_loop3A_334], %parallel_loop3A_332 {strides = array<i32>} : memref<16x128xf32, #tpu.memory_space<vmem>>, vector<16xf32>,
        } {sc.loop_unroll_factor = 1 : i64, sc.parallel_access}
        %mul3A_89 = arith.constant 16 : i32
        %mul3A_90 = arith.muli %add3A_47, %mul3A_89 : i32
        %dma_start3A_91 = arith.constant 0 : i32
        %dma_start3A_92 = tpu.memref_slice %arg5[%mul3A_90, %dma_start3A_91] : memref<10000x128xf32, #tpu.memory_space<hbm>> -> memref<16x128xf32, #tpu.memory_space<hbm>>
        %dma_start3A_93 = arith.constant 0 : i32
        %dma_start3A_94 = tpu.memref_slice %arg5[%mul3A_90, %dma_start3A_93] : memref<10000x128xf32, #tpu.memory_space<hbm>> -> memref<16x128xf32, #tpu.memory_space<hbm>>
        tpu.enqueue_dma source(%arg15 : memref<16x128xf32, #tpu.memory_space<vmem>>) target(%dma_start3A_94 : memref<16x128xf32, #tpu.memory_space<hbm>>) target_semaphore(%arg19 : memref<!tpu.dma_semaphore, #tpu.memory_space<semaphore_mem>>)
      } else {
      }
      %mul3A_54 = arith.constant 2 : i32
      %mul3A_55 = arith.muli %scan3A_31, %mul3A_54 : i32
      %add3A_56 = arith.constant 1 : i32
      %add3A_57 = arith.addi %mul3A_55, %add3A_56 : i32
      %mul3A_58 = arith.constant 32 : i32
      %mul3A_59 = arith.muli %add3A_57, %mul3A_58 : i32
      %add3A_60 = arith.addi %add3A, %mul3A_59 : i32
      %lt3A_61 = arith.constant 625 : i32
      %lt3A_62 = arith.cmpi slt, %add3A_60, %lt3A_61 : i32
      %convert_element_type3A_63 = arith.extui %lt3A_62 : i1 to i32
      %cond3A_64 = arith.constant 0 : i32
      %cond3A_65 = arith.cmpi ne, %convert_element_type3A_63, %cond3A_64 : i32
      scf.if %cond3A_65 {
        %mul3A_79 = arith.constant 512 : i32
        %mul3A_80 = arith.muli %add3A_60, %mul3A_79 : i32
        %dma_wait3A_81 = arith.constant 0 : i32
        %dma_wait3A_82 = tpu.memref_slice %arg4[%dma_wait3A_81, %mul3A_80] : memref<2x320000xi32, #tpu.memory_space<hbm>> -> memref<1x512xi32, #tpu.memory_space<hbm>>
        %dma_wait3A_83 = tpu.memref_squeeze %dma_wait3A_82 : memref<1x512xi32, #tpu.memory_space<hbm>> -> memref<512xi32, #tpu.memory_space<hbm>>
        %dma_wait3A_84 = tpu.memref_slice %arg4[%dma_wait3A_81, %mul3A_80] : memref<2x320000xi32, #tpu.memory_space<hbm>> -> memref<1x512xi32, #tpu.memory_space<hbm>>
        %dma_wait3A_85 = tpu.memref_squeeze %dma_wait3A_84 : memref<1x512xi32, #tpu.memory_space<hbm>> -> memref<512xi32, #tpu.memory_space<hbm>>
        tpu.wait_dma2 semaphore(%arg21 : memref<!tpu.dma_semaphore, #tpu.memory_space<semaphore_mem>>) src(%dma_wait3A_85 : memref<512xi32, #tpu.memory_space<hbm>>) dst(%arg8 : memref<512xi32, #tpu.memory_space<vmem>>)
        %add3A_86 = arith.constant 32 : i32
        %add3A_87 = arith.addi %add3A_60, %add3A_86 : i32
        %lt3A_88 = arith.constant 625 : i32
        %lt3A_89 = arith.cmpi slt, %add3A_87, %lt3A_88 : i32
        %convert_element_type3A_90 = arith.extui %lt3A_89 : i1 to i32
        %cond3A_91 = arith.constant 0 : i32
        %cond3A_92 = arith.cmpi ne, %convert_element_type3A_90, %cond3A_91 : i32
        scf.if %cond3A_92 {
          %mul3A_166 = arith.constant 512 : i32
          %mul3A_167 = arith.muli %add3A_87, %mul3A_166 : i32
          %dma_start3A_168 = arith.constant 0 : i32
          %dma_start3A_169 = tpu.memref_slice %arg4[%dma_start3A_168, %mul3A_167] : memref<2x320000xi32, #tpu.memory_space<hbm>> -> memref<1x512xi32, #tpu.memory_space<hbm>>
          %dma_start3A_170 = tpu.memref_squeeze %dma_start3A_169 : memref<1x512xi32, #tpu.memory_space<hbm>> -> memref<512xi32, #tpu.memory_space<hbm>>
          %dma_start3A_171 = tpu.memref_slice %arg4[%dma_start3A_168, %mul3A_167] : memref<2x320000xi32, #tpu.memory_space<hbm>> -> memref<1x512xi32, #tpu.memory_space<hbm>>
          %dma_start3A_172 = tpu.memref_squeeze %dma_start3A_171 : memref<1x512xi32, #tpu.memory_space<hbm>> -> memref<512xi32, #tpu.memory_space<hbm>>
          tpu.enqueue_dma source(%dma_start3A_172 : memref<512xi32, #tpu.memory_space<hbm>>) target(%arg7 : memref<512xi32, #tpu.memory_space<vmem>>) target_semaphore(%arg20 : memref<!tpu.dma_semaphore, #tpu.memory_space<semaphore_mem>>)
        } else {
        }
        %broadcast_in_dim3A_93 = arith.constant 0 : i32
        %broadcast_in_dim3A_94 = vector.broadcast %broadcast_in_dim3A_93 : i32 to vector<16xi32>
        %scan3A_95 = arith.constant 0 : i32
        %scan3A_96 = arith.constant 32 : i32
        %scan3A_97 = arith.addi %scan3A_95, %scan3A_96 : i32
        %scan3A_98 = arith.constant 8 : i32
        %scan3A_99:2 = scf.for %scan3A_166 = %scan3A_95 to %scan3A_97 step %scan3A_98 iter_args(%scan3A_167 = %broadcast_in_dim3A_4, %scan3A_168 = %broadcast_in_dim3A_94) -> (vector<16xf32>, vector<16xi32>)  : i32 {
          %add3A_169 = vector.broadcast %scan3A_166 : i32 to vector<16xi32>
          %add3A_170 = arith.addi %mul3A_3, %add3A_169 : vector<16xi32>
          %gather3A_171 = tpu.vector_load_idx %arg8[%add3A_170] : memref<512xi32, #tpu.memory_space<vmem>>[vector<16xi32>], vector<16xi32>,
          %gather3A_172 = tpu.vector_load_idx %arg6[%gather3A_171] : memref<10000xf32, #tpu.memory_space<vmem>>[vector<16xi32>], vector<16xf32>,
          %mul3A_173 = arith.constant 16 : i32
          %mul3A_174 = arith.muli %scan3A_166, %mul3A_173 : i32
          %swap3A_175 = arith.index_cast %mul3A_174 : i32 to index
          %swap3A_176 = tpu.vector_load %arg9[%swap3A_175] {strides = array<i32>} : memref<512xf32, #tpu.memory_space<vmem>>, vector<16xf32>,
          tpu.vector_store %arg9[%swap3A_175], %gather3A_172 {strides = array<i32>} : memref<512xf32, #tpu.memory_space<vmem>>, vector<16xf32>,
          %gt3A = arith.cmpf ogt, %gather3A_172, %scan3A_167 : vector<16xf32>
          %select_n3A = arith.select %gt3A, %gather3A_172, %scan3A_167 : vector<16xi1>, vector<16xf32>
          %broadcast_in_dim3A_177 = vector.broadcast %scan3A_166 : i32 to vector<16xi32>
          %select_n3A_178 = arith.select %gt3A, %broadcast_in_dim3A_177, %scan3A_168 : vector<16xi1>, vector<16xi32>
          %scan3A_179 = arith.constant 1 : i32
          %scan3A_180 = arith.addi %scan3A_166, %scan3A_179 : i32
          %add3A_181 = vector.broadcast %scan3A_180 : i32 to vector<16xi32>
          %add3A_182 = arith.addi %mul3A_3, %add3A_181 : vector<16xi32>
          %gather3A_183 = tpu.vector_load_idx %arg8[%add3A_182] : memref<512xi32, #tpu.memory_space<vmem>>[vector<16xi32>], vector<16xi32>,
          %gather3A_184 = tpu.vector_load_idx %arg6[%gather3A_183] : memref<10000xf32, #tpu.memory_space<vmem>>[vector<16xi32>], vector<16xf32>,
          %mul3A_185 = arith.constant 16 : i32
          %mul3A_186 = arith.muli %scan3A_180, %mul3A_185 : i32
          %swap3A_187 = arith.index_cast %mul3A_186 : i32 to index
          %swap3A_188 = tpu.vector_load %arg9[%swap3A_187] {strides = array<i32>} : memref<512xf32, #tpu.memory_space<vmem>>, vector<16xf32>,
          tpu.vector_store %arg9[%swap3A_187], %gather3A_184 {strides = array<i32>} : memref<512xf32, #tpu.memory_space<vmem>>, vector<16xf32>,
          %gt3A_189 = arith.cmpf ogt, %gather3A_184, %select_n3A : vector<16xf32>
          %select_n3A_190 = arith.select %gt3A_189, %gather3A_184, %select_n3A : vector<16xi1>, vector<16xf32>
          %broadcast_in_dim3A_191 = vector.broadcast %scan3A_180 : i32 to vector<16xi32>
          %select_n3A_192 = arith.select %gt3A_189, %broadcast_in_dim3A_191, %select_n3A_178 : vector<16xi1>, vector<16xi32>
          %scan3A_193 = arith.constant 2 : i32
          %scan3A_194 = arith.addi %scan3A_166, %scan3A_193 : i32
          %add3A_195 = vector.broadcast %scan3A_194 : i32 to vector<16xi32>
          %add3A_196 = arith.addi %mul3A_3, %add3A_195 : vector<16xi32>
          %gather3A_197 = tpu.vector_load_idx %arg8[%add3A_196] : memref<512xi32, #tpu.memory_space<vmem>>[vector<16xi32>], vector<16xi32>,
          %gather3A_198 = tpu.vector_load_idx %arg6[%gather3A_197] : memref<10000xf32, #tpu.memory_space<vmem>>[vector<16xi32>], vector<16xf32>,
          %mul3A_199 = arith.constant 16 : i32
          %mul3A_200 = arith.muli %scan3A_194, %mul3A_199 : i32
          %swap3A_201 = arith.index_cast %mul3A_200 : i32 to index
          %swap3A_202 = tpu.vector_load %arg9[%swap3A_201] {strides = array<i32>} : memref<512xf32, #tpu.memory_space<vmem>>, vector<16xf32>,
          tpu.vector_store %arg9[%swap3A_201], %gather3A_198 {strides = array<i32>} : memref<512xf32, #tpu.memory_space<vmem>>, vector<16xf32>,
          %gt3A_203 = arith.cmpf ogt, %gather3A_198, %select_n3A_190 : vector<16xf32>
          %select_n3A_204 = arith.select %gt3A_203, %gather3A_198, %select_n3A_190 : vector<16xi1>, vector<16xf32>
          %broadcast_in_dim3A_205 = vector.broadcast %scan3A_194 : i32 to vector<16xi32>
          %select_n3A_206 = arith.select %gt3A_203, %broadcast_in_dim3A_205, %select_n3A_192 : vector<16xi1>, vector<16xi32>
          %scan3A_207 = arith.constant 3 : i32
          %scan3A_208 = arith.addi %scan3A_166, %scan3A_207 : i32
          %add3A_209 = vector.broadcast %scan3A_208 : i32 to vector<16xi32>
          %add3A_210 = arith.addi %mul3A_3, %add3A_209 : vector<16xi32>
          %gather3A_211 = tpu.vector_load_idx %arg8[%add3A_210] : memref<512xi32, #tpu.memory_space<vmem>>[vector<16xi32>], vector<16xi32>,
          %gather3A_212 = tpu.vector_load_idx %arg6[%gather3A_211] : memref<10000xf32, #tpu.memory_space<vmem>>[vector<16xi32>], vector<16xf32>,
          %mul3A_213 = arith.constant 16 : i32
          %mul3A_214 = arith.muli %scan3A_208, %mul3A_213 : i32
          %swap3A_215 = arith.index_cast %mul3A_214 : i32 to index
          %swap3A_216 = tpu.vector_load %arg9[%swap3A_215] {strides = array<i32>} : memref<512xf32, #tpu.memory_space<vmem>>, vector<16xf32>,
          tpu.vector_store %arg9[%swap3A_215], %gather3A_212 {strides = array<i32>} : memref<512xf32, #tpu.memory_space<vmem>>, vector<16xf32>,
          %gt3A_217 = arith.cmpf ogt, %gather3A_212, %select_n3A_204 : vector<16xf32>
          %select_n3A_218 = arith.select %gt3A_217, %gather3A_212, %select_n3A_204 : vector<16xi1>, vector<16xf32>
          %broadcast_in_dim3A_219 = vector.broadcast %scan3A_208 : i32 to vector<16xi32>
          %select_n3A_220 = arith.select %gt3A_217, %broadcast_in_dim3A_219, %select_n3A_206 : vector<16xi1>, vector<16xi32>
          %scan3A_221 = arith.constant 4 : i32
          %scan3A_222 = arith.addi %scan3A_166, %scan3A_221 : i32
          %add3A_223 = vector.broadcast %scan3A_222 : i32 to vector<16xi32>
          %add3A_224 = arith.addi %mul3A_3, %add3A_223 : vector<16xi32>
          %gather3A_225 = tpu.vector_load_idx %arg8[%add3A_224] : memref<512xi32, #tpu.memory_space<vmem>>[vector<16xi32>], vector<16xi32>,
          %gather3A_226 = tpu.vector_load_idx %arg6[%gather3A_225] : memref<10000xf32, #tpu.memory_space<vmem>>[vector<16xi32>], vector<16xf32>,
          %mul3A_227 = arith.constant 16 : i32
          %mul3A_228 = arith.muli %scan3A_222, %mul3A_227 : i32
          %swap3A_229 = arith.index_cast %mul3A_228 : i32 to index
          %swap3A_230 = tpu.vector_load %arg9[%swap3A_229] {strides = array<i32>} : memref<512xf32, #tpu.memory_space<vmem>>, vector<16xf32>,
          tpu.vector_store %arg9[%swap3A_229], %gather3A_226 {strides = array<i32>} : memref<512xf32, #tpu.memory_space<vmem>>, vector<16xf32>,
          %gt3A_231 = arith.cmpf ogt, %gather3A_226, %select_n3A_218 : vector<16xf32>
          %select_n3A_232 = arith.select %gt3A_231, %gather3A_226, %select_n3A_218 : vector<16xi1>, vector<16xf32>
          %broadcast_in_dim3A_233 = vector.broadcast %scan3A_222 : i32 to vector<16xi32>
          %select_n3A_234 = arith.select %gt3A_231, %broadcast_in_dim3A_233, %select_n3A_220 : vector<16xi1>, vector<16xi32>
          %scan3A_235 = arith.constant 5 : i32
          %scan3A_236 = arith.addi %scan3A_166, %scan3A_235 : i32
          %add3A_237 = vector.broadcast %scan3A_236 : i32 to vector<16xi32>
          %add3A_238 = arith.addi %mul3A_3, %add3A_237 : vector<16xi32>
          %gather3A_239 = tpu.vector_load_idx %arg8[%add3A_238] : memref<512xi32, #tpu.memory_space<vmem>>[vector<16xi32>], vector<16xi32>,
          %gather3A_240 = tpu.vector_load_idx %arg6[%gather3A_239] : memref<10000xf32, #tpu.memory_space<vmem>>[vector<16xi32>], vector<16xf32>,
          %mul3A_241 = arith.constant 16 : i32
          %mul3A_242 = arith.muli %scan3A_236, %mul3A_241 : i32
          %swap3A_243 = arith.index_cast %mul3A_242 : i32 to index
          %swap3A_244 = tpu.vector_load %arg9[%swap3A_243] {strides = array<i32>} : memref<512xf32, #tpu.memory_space<vmem>>, vector<16xf32>,
          tpu.vector_store %arg9[%swap3A_243], %gather3A_240 {strides = array<i32>} : memref<512xf32, #tpu.memory_space<vmem>>, vector<16xf32>,
          %gt3A_245 = arith.cmpf ogt, %gather3A_240, %select_n3A_232 : vector<16xf32>
          %select_n3A_246 = arith.select %gt3A_245, %gather3A_240, %select_n3A_232 : vector<16xi1>, vector<16xf32>
          %broadcast_in_dim3A_247 = vector.broadcast %scan3A_236 : i32 to vector<16xi32>
          %select_n3A_248 = arith.select %gt3A_245, %broadcast_in_dim3A_247, %select_n3A_234 : vector<16xi1>, vector<16xi32>
          %scan3A_249 = arith.constant 6 : i32
          %scan3A_250 = arith.addi %scan3A_166, %scan3A_249 : i32
          %add3A_251 = vector.broadcast %scan3A_250 : i32 to vector<16xi32>
          %add3A_252 = arith.addi %mul3A_3, %add3A_251 : vector<16xi32>
          %gather3A_253 = tpu.vector_load_idx %arg8[%add3A_252] : memref<512xi32, #tpu.memory_space<vmem>>[vector<16xi32>], vector<16xi32>,
          %gather3A_254 = tpu.vector_load_idx %arg6[%gather3A_253] : memref<10000xf32, #tpu.memory_space<vmem>>[vector<16xi32>], vector<16xf32>,
          %mul3A_255 = arith.constant 16 : i32
          %mul3A_256 = arith.muli %scan3A_250, %mul3A_255 : i32
          %swap3A_257 = arith.index_cast %mul3A_256 : i32 to index
          %swap3A_258 = tpu.vector_load %arg9[%swap3A_257] {strides = array<i32>} : memref<512xf32, #tpu.memory_space<vmem>>, vector<16xf32>,
          tpu.vector_store %arg9[%swap3A_257], %gather3A_254 {strides = array<i32>} : memref<512xf32, #tpu.memory_space<vmem>>, vector<16xf32>,
          %gt3A_259 = arith.cmpf ogt, %gather3A_254, %select_n3A_246 : vector<16xf32>
          %select_n3A_260 = arith.select %gt3A_259, %gather3A_254, %select_n3A_246 : vector<16xi1>, vector<16xf32>
          %broadcast_in_dim3A_261 = vector.broadcast %scan3A_250 : i32 to vector<16xi32>
          %select_n3A_262 = arith.select %gt3A_259, %broadcast_in_dim3A_261, %select_n3A_248 : vector<16xi1>, vector<16xi32>
          %scan3A_263 = arith.constant 7 : i32
          %scan3A_264 = arith.addi %scan3A_166, %scan3A_263 : i32
          %add3A_265 = vector.broadcast %scan3A_264 : i32 to vector<16xi32>
          %add3A_266 = arith.addi %mul3A_3, %add3A_265 : vector<16xi32>
          %gather3A_267 = tpu.vector_load_idx %arg8[%add3A_266] : memref<512xi32, #tpu.memory_space<vmem>>[vector<16xi32>], vector<16xi32>,
          %gather3A_268 = tpu.vector_load_idx %arg6[%gather3A_267] : memref<10000xf32, #tpu.memory_space<vmem>>[vector<16xi32>], vector<16xf32>,
          %mul3A_269 = arith.constant 16 : i32
          %mul3A_270 = arith.muli %scan3A_264, %mul3A_269 : i32
          %swap3A_271 = arith.index_cast %mul3A_270 : i32 to index
          %swap3A_272 = tpu.vector_load %arg9[%swap3A_271] {strides = array<i32>} : memref<512xf32, #tpu.memory_space<vmem>>, vector<16xf32>,
          tpu.vector_store %arg9[%swap3A_271], %gather3A_268 {strides = array<i32>} : memref<512xf32, #tpu.memory_space<vmem>>, vector<16xf32>,
          %gt3A_273 = arith.cmpf ogt, %gather3A_268, %select_n3A_260 : vector<16xf32>
          %select_n3A_274 = arith.select %gt3A_273, %gather3A_268, %select_n3A_260 : vector<16xi1>, vector<16xf32>
          %broadcast_in_dim3A_275 = vector.broadcast %scan3A_264 : i32 to vector<16xi32>
          %select_n3A_276 = arith.select %gt3A_273, %broadcast_in_dim3A_275, %select_n3A_262 : vector<16xi1>, vector<16xi32>
          scf.yield %select_n3A_274, %select_n3A_276 : vector<16xf32>, vector<16xi32>
        }
        %scan3A_100 = arith.constant 32 : i32
        %mul3A_101 = arith.constant 16 : i32
        %mul3A_102 = vector.broadcast %mul3A_101 : i32 to vector<16xi32>
        %mul3A_103 = arith.muli %scan3A_99#1, %mul3A_102 : vector<16xi32>
        %add3A_104 = arith.addi %mul3A_103, %iota3A : vector<16xi32>
        tpu.vector_store_idx %arg9[%add3A_104], %broadcast_in_dim3A_4 : memref<512xf32, #tpu.memory_space<vmem>>[vector<16xi32>], vector<16xf32>,
        %add3A_105 = arith.addi %mul3A_3, %scan3A_99#1 : vector<16xi32>
        %gather3A = tpu.vector_load_idx %arg8[%add3A_105] : memref<512xi32, #tpu.memory_space<vmem>>[vector<16xi32>], vector<16xi32>,
        %swap3A = arith.constant 0 : index
        %swap3A_106 = tpu.vector_load %arg11[%swap3A] {strides = array<i32>} : memref<80xi32, #tpu.memory_space<vmem>>, vector<16xi32>,
        tpu.vector_store %arg11[%swap3A], %gather3A {strides = array<i32>} : memref<80xi32, #tpu.memory_space<vmem>>, vector<16xi32>,
        %scan3A_107 = arith.constant 0 : i32
        %scan3A_108 = arith.constant 32 : i32
        %scan3A_109 = arith.addi %scan3A_107, %scan3A_108 : i32
        %scan3A_110 = arith.constant 8 : i32
        %scan3A_111:2 = scf.for %scan3A_166 = %scan3A_107 to %scan3A_109 step %scan3A_110 iter_args(%scan3A_167 = %broadcast_in_dim3A_4, %scan3A_168 = %broadcast_in_dim3A_94) -> (vector<16xf32>, vector<16xi32>)  : i32 {
          %mul3A_169 = arith.constant 16 : i32
          %mul3A_170 = arith.muli %scan3A_166, %mul3A_169 : i32
          %get3A = arith.index_cast %mul3A_170 : i32 to index
          %get3A_171 = tpu.vector_load %arg9[%get3A] {strides = array<i32>} : memref<512xf32, #tpu.memory_space<vmem>>, vector<16xf32>,
          %gt3A = arith.cmpf ogt, %get3A_171, %scan3A_167 : vector<16xf32>
          %select_n3A = arith.select %gt3A, %get3A_171, %scan3A_167 : vector<16xi1>, vector<16xf32>
          %broadcast_in_dim3A_172 = vector.broadcast %scan3A_166 : i32 to vector<16xi32>
          %select_n3A_173 = arith.select %gt3A, %broadcast_in_dim3A_172, %scan3A_168 : vector<16xi1>, vector<16xi32>
          %scan3A_174 = arith.constant 1 : i32
          %scan3A_175 = arith.addi %scan3A_166, %scan3A_174 : i32
          %mul3A_176 = arith.constant 16 : i32
          %mul3A_177 = arith.muli %scan3A_175, %mul3A_176 : i32
          %get3A_178 = arith.index_cast %mul3A_177 : i32 to index
          %get3A_179 = tpu.vector_load %arg9[%get3A_178] {strides = array<i32>} : memref<512xf32, #tpu.memory_space<vmem>>, vector<16xf32>,
          %gt3A_180 = arith.cmpf ogt, %get3A_179, %select_n3A : vector<16xf32>
          %select_n3A_181 = arith.select %gt3A_180, %get3A_179, %select_n3A : vector<16xi1>, vector<16xf32>
          %broadcast_in_dim3A_182 = vector.broadcast %scan3A_175 : i32 to vector<16xi32>
          %select_n3A_183 = arith.select %gt3A_180, %broadcast_in_dim3A_182, %select_n3A_173 : vector<16xi1>, vector<16xi32>
          %scan3A_184 = arith.constant 2 : i32
          %scan3A_185 = arith.addi %scan3A_166, %scan3A_184 : i32
          %mul3A_186 = arith.constant 16 : i32
          %mul3A_187 = arith.muli %scan3A_185, %mul3A_186 : i32
          %get3A_188 = arith.index_cast %mul3A_187 : i32 to index
          %get3A_189 = tpu.vector_load %arg9[%get3A_188] {strides = array<i32>} : memref<512xf32, #tpu.memory_space<vmem>>, vector<16xf32>,
          %gt3A_190 = arith.cmpf ogt, %get3A_189, %select_n3A_181 : vector<16xf32>
          %select_n3A_191 = arith.select %gt3A_190, %get3A_189, %select_n3A_181 : vector<16xi1>, vector<16xf32>
          %broadcast_in_dim3A_192 = vector.broadcast %scan3A_185 : i32 to vector<16xi32>
          %select_n3A_193 = arith.select %gt3A_190, %broadcast_in_dim3A_192, %select_n3A_183 : vector<16xi1>, vector<16xi32>
          %scan3A_194 = arith.constant 3 : i32
          %scan3A_195 = arith.addi %scan3A_166, %scan3A_194 : i32
          %mul3A_196 = arith.constant 16 : i32
          %mul3A_197 = arith.muli %scan3A_195, %mul3A_196 : i32
          %get3A_198 = arith.index_cast %mul3A_197 : i32 to index
          %get3A_199 = tpu.vector_load %arg9[%get3A_198] {strides = array<i32>} : memref<512xf32, #tpu.memory_space<vmem>>, vector<16xf32>,
          %gt3A_200 = arith.cmpf ogt, %get3A_199, %select_n3A_191 : vector<16xf32>
          %select_n3A_201 = arith.select %gt3A_200, %get3A_199, %select_n3A_191 : vector<16xi1>, vector<16xf32>
          %broadcast_in_dim3A_202 = vector.broadcast %scan3A_195 : i32 to vector<16xi32>
          %select_n3A_203 = arith.select %gt3A_200, %broadcast_in_dim3A_202, %select_n3A_193 : vector<16xi1>, vector<16xi32>
          %scan3A_204 = arith.constant 4 : i32
          %scan3A_205 = arith.addi %scan3A_166, %scan3A_204 : i32
          %mul3A_206 = arith.constant 16 : i32
          %mul3A_207 = arith.muli %scan3A_205, %mul3A_206 : i32
          %get3A_208 = arith.index_cast %mul3A_207 : i32 to index
          %get3A_209 = tpu.vector_load %arg9[%get3A_208] {strides = array<i32>} : memref<512xf32, #tpu.memory_space<vmem>>, vector<16xf32>,
          %gt3A_210 = arith.cmpf ogt, %get3A_209, %select_n3A_201 : vector<16xf32>
          %select_n3A_211 = arith.select %gt3A_210, %get3A_209, %select_n3A_201 : vector<16xi1>, vector<16xf32>
          %broadcast_in_dim3A_212 = vector.broadcast %scan3A_205 : i32 to vector<16xi32>
          %select_n3A_213 = arith.select %gt3A_210, %broadcast_in_dim3A_212, %select_n3A_203 : vector<16xi1>, vector<16xi32>
          %scan3A_214 = arith.constant 5 : i32
          %scan3A_215 = arith.addi %scan3A_166, %scan3A_214 : i32
          %mul3A_216 = arith.constant 16 : i32
          %mul3A_217 = arith.muli %scan3A_215, %mul3A_216 : i32
          %get3A_218 = arith.index_cast %mul3A_217 : i32 to index
          %get3A_219 = tpu.vector_load %arg9[%get3A_218] {strides = array<i32>} : memref<512xf32, #tpu.memory_space<vmem>>, vector<16xf32>,
          %gt3A_220 = arith.cmpf ogt, %get3A_219, %select_n3A_211 : vector<16xf32>
          %select_n3A_221 = arith.select %gt3A_220, %get3A_219, %select_n3A_211 : vector<16xi1>, vector<16xf32>
          %broadcast_in_dim3A_222 = vector.broadcast %scan3A_215 : i32 to vector<16xi32>
          %select_n3A_223 = arith.select %gt3A_220, %broadcast_in_dim3A_222, %select_n3A_213 : vector<16xi1>, vector<16xi32>
          %scan3A_224 = arith.constant 6 : i32
          %scan3A_225 = arith.addi %scan3A_166, %scan3A_224 : i32
          %mul3A_226 = arith.constant 16 : i32
          %mul3A_227 = arith.muli %scan3A_225, %mul3A_226 : i32
          %get3A_228 = arith.index_cast %mul3A_227 : i32 to index
          %get3A_229 = tpu.vector_load %arg9[%get3A_228] {strides = array<i32>} : memref<512xf32, #tpu.memory_space<vmem>>, vector<16xf32>,
          %gt3A_230 = arith.cmpf ogt, %get3A_229, %select_n3A_221 : vector<16xf32>
          %select_n3A_231 = arith.select %gt3A_230, %get3A_229, %select_n3A_221 : vector<16xi1>, vector<16xf32>
          %broadcast_in_dim3A_232 = vector.broadcast %scan3A_225 : i32 to vector<16xi32>
          %select_n3A_233 = arith.select %gt3A_230, %broadcast_in_dim3A_232, %select_n3A_223 : vector<16xi1>, vector<16xi32>
          %scan3A_234 = arith.constant 7 : i32
          %scan3A_235 = arith.addi %scan3A_166, %scan3A_234 : i32
          %mul3A_236 = arith.constant 16 : i32
          %mul3A_237 = arith.muli %scan3A_235, %mul3A_236 : i32
          %get3A_238 = arith.index_cast %mul3A_237 : i32 to index
          %get3A_239 = tpu.vector_load %arg9[%get3A_238] {strides = array<i32>} : memref<512xf32, #tpu.memory_space<vmem>>, vector<16xf32>,
          %gt3A_240 = arith.cmpf ogt, %get3A_239, %select_n3A_231 : vector<16xf32>
          %select_n3A_241 = arith.select %gt3A_240, %get3A_239, %select_n3A_231 : vector<16xi1>, vector<16xf32>
          %broadcast_in_dim3A_242 = vector.broadcast %scan3A_235 : i32 to vector<16xi32>
          %select_n3A_243 = arith.select %gt3A_240, %broadcast_in_dim3A_242, %select_n3A_233 : vector<16xi1>, vector<16xi32>
          scf.yield %select_n3A_241, %select_n3A_243 : vector<16xf32>, vector<16xi32>
        }
        %scan3A_112 = arith.constant 32 : i32
        %mul3A_113 = arith.constant 16 : i32
        %mul3A_114 = vector.broadcast %mul3A_113 : i32 to vector<16xi32>
        %mul3A_115 = arith.muli %scan3A_111#1, %mul3A_114 : vector<16xi32>
        %add3A_116 = arith.addi %mul3A_115, %iota3A : vector<16xi32>
        tpu.vector_store_idx %arg9[%add3A_116], %broadcast_in_dim3A_4 : memref<512xf32, #tpu.memory_space<vmem>>[vector<16xi32>], vector<16xf32>,
        %add3A_117 = arith.addi %mul3A_3, %scan3A_111#1 : vector<16xi32>
        %gather3A_118 = tpu.vector_load_idx %arg8[%add3A_117] : memref<512xi32, #tpu.memory_space<vmem>>[vector<16xi32>], vector<16xi32>,
        %swap3A_119 = arith.constant 16 : index
        %swap3A_120 = tpu.vector_load %arg11[%swap3A_119] {strides = array<i32>} : memref<80xi32, #tpu.memory_space<vmem>>, vector<16xi32>,
        tpu.vector_store %arg11[%swap3A_119], %gather3A_118 {strides = array<i32>} : memref<80xi32, #tpu.memory_space<vmem>>, vector<16xi32>,
        %scan3A_121 = arith.constant 0 : i32
        %scan3A_122 = arith.constant 32 : i32
        %scan3A_123 = arith.addi %scan3A_121, %scan3A_122 : i32
        %scan3A_124 = arith.constant 8 : i32
        %scan3A_125:2 = scf.for %scan3A_166 = %scan3A_121 to %scan3A_123 step %scan3A_124 iter_args(%scan3A_167 = %broadcast_in_dim3A_4, %scan3A_168 = %broadcast_in_dim3A_94) -> (vector<16xf32>, vector<16xi32>)  : i32 {
          %mul3A_169 = arith.constant 16 : i32
          %mul3A_170 = arith.muli %scan3A_166, %mul3A_169 : i32
          %get3A = arith.index_cast %mul3A_170 : i32 to index
          %get3A_171 = tpu.vector_load %arg9[%get3A] {strides = array<i32>} : memref<512xf32, #tpu.memory_space<vmem>>, vector<16xf32>,
          %gt3A = arith.cmpf ogt, %get3A_171, %scan3A_167 : vector<16xf32>
          %select_n3A = arith.select %gt3A, %get3A_171, %scan3A_167 : vector<16xi1>, vector<16xf32>
          %broadcast_in_dim3A_172 = vector.broadcast %scan3A_166 : i32 to vector<16xi32>
          %select_n3A_173 = arith.select %gt3A, %broadcast_in_dim3A_172, %scan3A_168 : vector<16xi1>, vector<16xi32>
          %scan3A_174 = arith.constant 1 : i32
          %scan3A_175 = arith.addi %scan3A_166, %scan3A_174 : i32
          %mul3A_176 = arith.constant 16 : i32
          %mul3A_177 = arith.muli %scan3A_175, %mul3A_176 : i32
          %get3A_178 = arith.index_cast %mul3A_177 : i32 to index
          %get3A_179 = tpu.vector_load %arg9[%get3A_178] {strides = array<i32>} : memref<512xf32, #tpu.memory_space<vmem>>, vector<16xf32>,
          %gt3A_180 = arith.cmpf ogt, %get3A_179, %select_n3A : vector<16xf32>
          %select_n3A_181 = arith.select %gt3A_180, %get3A_179, %select_n3A : vector<16xi1>, vector<16xf32>
          %broadcast_in_dim3A_182 = vector.broadcast %scan3A_175 : i32 to vector<16xi32>
          %select_n3A_183 = arith.select %gt3A_180, %broadcast_in_dim3A_182, %select_n3A_173 : vector<16xi1>, vector<16xi32>
          %scan3A_184 = arith.constant 2 : i32
          %scan3A_185 = arith.addi %scan3A_166, %scan3A_184 : i32
          %mul3A_186 = arith.constant 16 : i32
          %mul3A_187 = arith.muli %scan3A_185, %mul3A_186 : i32
          %get3A_188 = arith.index_cast %mul3A_187 : i32 to index
          %get3A_189 = tpu.vector_load %arg9[%get3A_188] {strides = array<i32>} : memref<512xf32, #tpu.memory_space<vmem>>, vector<16xf32>,
          %gt3A_190 = arith.cmpf ogt, %get3A_189, %select_n3A_181 : vector<16xf32>
          %select_n3A_191 = arith.select %gt3A_190, %get3A_189, %select_n3A_181 : vector<16xi1>, vector<16xf32>
          %broadcast_in_dim3A_192 = vector.broadcast %scan3A_185 : i32 to vector<16xi32>
          %select_n3A_193 = arith.select %gt3A_190, %broadcast_in_dim3A_192, %select_n3A_183 : vector<16xi1>, vector<16xi32>
          %scan3A_194 = arith.constant 3 : i32
          %scan3A_195 = arith.addi %scan3A_166, %scan3A_194 : i32
          %mul3A_196 = arith.constant 16 : i32
          %mul3A_197 = arith.muli %scan3A_195, %mul3A_196 : i32
          %get3A_198 = arith.index_cast %mul3A_197 : i32 to index
          %get3A_199 = tpu.vector_load %arg9[%get3A_198] {strides = array<i32>} : memref<512xf32, #tpu.memory_space<vmem>>, vector<16xf32>,
          %gt3A_200 = arith.cmpf ogt, %get3A_199, %select_n3A_191 : vector<16xf32>
          %select_n3A_201 = arith.select %gt3A_200, %get3A_199, %select_n3A_191 : vector<16xi1>, vector<16xf32>
          %broadcast_in_dim3A_202 = vector.broadcast %scan3A_195 : i32 to vector<16xi32>
          %select_n3A_203 = arith.select %gt3A_200, %broadcast_in_dim3A_202, %select_n3A_193 : vector<16xi1>, vector<16xi32>
          %scan3A_204 = arith.constant 4 : i32
          %scan3A_205 = arith.addi %scan3A_166, %scan3A_204 : i32
          %mul3A_206 = arith.constant 16 : i32
          %mul3A_207 = arith.muli %scan3A_205, %mul3A_206 : i32
          %get3A_208 = arith.index_cast %mul3A_207 : i32 to index
          %get3A_209 = tpu.vector_load %arg9[%get3A_208] {strides = array<i32>} : memref<512xf32, #tpu.memory_space<vmem>>, vector<16xf32>,
          %gt3A_210 = arith.cmpf ogt, %get3A_209, %select_n3A_201 : vector<16xf32>
          %select_n3A_211 = arith.select %gt3A_210, %get3A_209, %select_n3A_201 : vector<16xi1>, vector<16xf32>
          %broadcast_in_dim3A_212 = vector.broadcast %scan3A_205 : i32 to vector<16xi32>
          %select_n3A_213 = arith.select %gt3A_210, %broadcast_in_dim3A_212, %select_n3A_203 : vector<16xi1>, vector<16xi32>
          %scan3A_214 = arith.constant 5 : i32
          %scan3A_215 = arith.addi %scan3A_166, %scan3A_214 : i32
          %mul3A_216 = arith.constant 16 : i32
          %mul3A_217 = arith.muli %scan3A_215, %mul3A_216 : i32
          %get3A_218 = arith.index_cast %mul3A_217 : i32 to index
          %get3A_219 = tpu.vector_load %arg9[%get3A_218] {strides = array<i32>} : memref<512xf32, #tpu.memory_space<vmem>>, vector<16xf32>,
          %gt3A_220 = arith.cmpf ogt, %get3A_219, %select_n3A_211 : vector<16xf32>
          %select_n3A_221 = arith.select %gt3A_220, %get3A_219, %select_n3A_211 : vector<16xi1>, vector<16xf32>
          %broadcast_in_dim3A_222 = vector.broadcast %scan3A_215 : i32 to vector<16xi32>
          %select_n3A_223 = arith.select %gt3A_220, %broadcast_in_dim3A_222, %select_n3A_213 : vector<16xi1>, vector<16xi32>
          %scan3A_224 = arith.constant 6 : i32
          %scan3A_225 = arith.addi %scan3A_166, %scan3A_224 : i32
          %mul3A_226 = arith.constant 16 : i32
          %mul3A_227 = arith.muli %scan3A_225, %mul3A_226 : i32
          %get3A_228 = arith.index_cast %mul3A_227 : i32 to index
          %get3A_229 = tpu.vector_load %arg9[%get3A_228] {strides = array<i32>} : memref<512xf32, #tpu.memory_space<vmem>>, vector<16xf32>,
          %gt3A_230 = arith.cmpf ogt, %get3A_229, %select_n3A_221 : vector<16xf32>
          %select_n3A_231 = arith.select %gt3A_230, %get3A_229, %select_n3A_221 : vector<16xi1>, vector<16xf32>
          %broadcast_in_dim3A_232 = vector.broadcast %scan3A_225 : i32 to vector<16xi32>
          %select_n3A_233 = arith.select %gt3A_230, %broadcast_in_dim3A_232, %select_n3A_223 : vector<16xi1>, vector<16xi32>
          %scan3A_234 = arith.constant 7 : i32
          %scan3A_235 = arith.addi %scan3A_166, %scan3A_234 : i32
          %mul3A_236 = arith.constant 16 : i32
          %mul3A_237 = arith.muli %scan3A_235, %mul3A_236 : i32
          %get3A_238 = arith.index_cast %mul3A_237 : i32 to index
          %get3A_239 = tpu.vector_load %arg9[%get3A_238] {strides = array<i32>} : memref<512xf32, #tpu.memory_space<vmem>>, vector<16xf32>,
          %gt3A_240 = arith.cmpf ogt, %get3A_239, %select_n3A_231 : vector<16xf32>
          %select_n3A_241 = arith.select %gt3A_240, %get3A_239, %select_n3A_231 : vector<16xi1>, vector<16xf32>
          %broadcast_in_dim3A_242 = vector.broadcast %scan3A_235 : i32 to vector<16xi32>
          %select_n3A_243 = arith.select %gt3A_240, %broadcast_in_dim3A_242, %select_n3A_233 : vector<16xi1>, vector<16xi32>
          scf.yield %select_n3A_241, %select_n3A_243 : vector<16xf32>, vector<16xi32>
        }
        %scan3A_126 = arith.constant 32 : i32
        %mul3A_127 = arith.constant 16 : i32
        %mul3A_128 = vector.broadcast %mul3A_127 : i32 to vector<16xi32>
        %mul3A_129 = arith.muli %scan3A_125#1, %mul3A_128 : vector<16xi32>
        %add3A_130 = arith.addi %mul3A_129, %iota3A : vector<16xi32>
        tpu.vector_store_idx %arg9[%add3A_130], %broadcast_in_dim3A_4 : memref<512xf32, #tpu.memory_space<vmem>>[vector<16xi32>], vector<16xf32>,
        %add3A_131 = arith.addi %mul3A_3, %scan3A_125#1 : vector<16xi32>
        %gather3A_132 = tpu.vector_load_idx %arg8[%add3A_131] : memref<512xi32, #tpu.memory_space<vmem>>[vector<16xi32>], vector<16xi32>,
        %swap3A_133 = arith.constant 32 : index
        %swap3A_134 = tpu.vector_load %arg11[%swap3A_133] {strides = array<i32>} : memref<80xi32, #tpu.memory_space<vmem>>, vector<16xi32>,
        tpu.vector_store %arg11[%swap3A_133], %gather3A_132 {strides = array<i32>} : memref<80xi32, #tpu.memory_space<vmem>>, vector<16xi32>,
        %scan3A_135 = arith.constant 0 : i32
        %scan3A_136 = arith.constant 32 : i32
        %scan3A_137 = arith.addi %scan3A_135, %scan3A_136 : i32
        %scan3A_138 = arith.constant 8 : i32
        %scan3A_139:2 = scf.for %scan3A_166 = %scan3A_135 to %scan3A_137 step %scan3A_138 iter_args(%scan3A_167 = %broadcast_in_dim3A_4, %scan3A_168 = %broadcast_in_dim3A_94) -> (vector<16xf32>, vector<16xi32>)  : i32 {
          %mul3A_169 = arith.constant 16 : i32
          %mul3A_170 = arith.muli %scan3A_166, %mul3A_169 : i32
          %get3A = arith.index_cast %mul3A_170 : i32 to index
          %get3A_171 = tpu.vector_load %arg9[%get3A] {strides = array<i32>} : memref<512xf32, #tpu.memory_space<vmem>>, vector<16xf32>,
          %gt3A = arith.cmpf ogt, %get3A_171, %scan3A_167 : vector<16xf32>
          %select_n3A = arith.select %gt3A, %get3A_171, %scan3A_167 : vector<16xi1>, vector<16xf32>
          %broadcast_in_dim3A_172 = vector.broadcast %scan3A_166 : i32 to vector<16xi32>
          %select_n3A_173 = arith.select %gt3A, %broadcast_in_dim3A_172, %scan3A_168 : vector<16xi1>, vector<16xi32>
          %scan3A_174 = arith.constant 1 : i32
          %scan3A_175 = arith.addi %scan3A_166, %scan3A_174 : i32
          %mul3A_176 = arith.constant 16 : i32
          %mul3A_177 = arith.muli %scan3A_175, %mul3A_176 : i32
          %get3A_178 = arith.index_cast %mul3A_177 : i32 to index
          %get3A_179 = tpu.vector_load %arg9[%get3A_178] {strides = array<i32>} : memref<512xf32, #tpu.memory_space<vmem>>, vector<16xf32>,
          %gt3A_180 = arith.cmpf ogt, %get3A_179, %select_n3A : vector<16xf32>
          %select_n3A_181 = arith.select %gt3A_180, %get3A_179, %select_n3A : vector<16xi1>, vector<16xf32>
          %broadcast_in_dim3A_182 = vector.broadcast %scan3A_175 : i32 to vector<16xi32>
          %select_n3A_183 = arith.select %gt3A_180, %broadcast_in_dim3A_182, %select_n3A_173 : vector<16xi1>, vector<16xi32>
          %scan3A_184 = arith.constant 2 : i32
          %scan3A_185 = arith.addi %scan3A_166, %scan3A_184 : i32
          %mul3A_186 = arith.constant 16 : i32
          %mul3A_187 = arith.muli %scan3A_185, %mul3A_186 : i32
          %get3A_188 = arith.index_cast %mul3A_187 : i32 to index
          %get3A_189 = tpu.vector_load %arg9[%get3A_188] {strides = array<i32>} : memref<512xf32, #tpu.memory_space<vmem>>, vector<16xf32>,
          %gt3A_190 = arith.cmpf ogt, %get3A_189, %select_n3A_181 : vector<16xf32>
          %select_n3A_191 = arith.select %gt3A_190, %get3A_189, %select_n3A_181 : vector<16xi1>, vector<16xf32>
          %broadcast_in_dim3A_192 = vector.broadcast %scan3A_185 : i32 to vector<16xi32>
          %select_n3A_193 = arith.select %gt3A_190, %broadcast_in_dim3A_192, %select_n3A_183 : vector<16xi1>, vector<16xi32>
          %scan3A_194 = arith.constant 3 : i32
          %scan3A_195 = arith.addi %scan3A_166, %scan3A_194 : i32
          %mul3A_196 = arith.constant 16 : i32
          %mul3A_197 = arith.muli %scan3A_195, %mul3A_196 : i32
          %get3A_198 = arith.index_cast %mul3A_197 : i32 to index
          %get3A_199 = tpu.vector_load %arg9[%get3A_198] {strides = array<i32>} : memref<512xf32, #tpu.memory_space<vmem>>, vector<16xf32>,
          %gt3A_200 = arith.cmpf ogt, %get3A_199, %select_n3A_191 : vector<16xf32>
          %select_n3A_201 = arith.select %gt3A_200, %get3A_199, %select_n3A_191 : vector<16xi1>, vector<16xf32>
          %broadcast_in_dim3A_202 = vector.broadcast %scan3A_195 : i32 to vector<16xi32>
          %select_n3A_203 = arith.select %gt3A_200, %broadcast_in_dim3A_202, %select_n3A_193 : vector<16xi1>, vector<16xi32>
          %scan3A_204 = arith.constant 4 : i32
          %scan3A_205 = arith.addi %scan3A_166, %scan3A_204 : i32
          %mul3A_206 = arith.constant 16 : i32
          %mul3A_207 = arith.muli %scan3A_205, %mul3A_206 : i32
          %get3A_208 = arith.index_cast %mul3A_207 : i32 to index
          %get3A_209 = tpu.vector_load %arg9[%get3A_208] {strides = array<i32>} : memref<512xf32, #tpu.memory_space<vmem>>, vector<16xf32>,
          %gt3A_210 = arith.cmpf ogt, %get3A_209, %select_n3A_201 : vector<16xf32>
          %select_n3A_211 = arith.select %gt3A_210, %get3A_209, %select_n3A_201 : vector<16xi1>, vector<16xf32>
          %broadcast_in_dim3A_212 = vector.broadcast %scan3A_205 : i32 to vector<16xi32>
          %select_n3A_213 = arith.select %gt3A_210, %broadcast_in_dim3A_212, %select_n3A_203 : vector<16xi1>, vector<16xi32>
          %scan3A_214 = arith.constant 5 : i32
          %scan3A_215 = arith.addi %scan3A_166, %scan3A_214 : i32
          %mul3A_216 = arith.constant 16 : i32
          %mul3A_217 = arith.muli %scan3A_215, %mul3A_216 : i32
          %get3A_218 = arith.index_cast %mul3A_217 : i32 to index
          %get3A_219 = tpu.vector_load %arg9[%get3A_218] {strides = array<i32>} : memref<512xf32, #tpu.memory_space<vmem>>, vector<16xf32>,
          %gt3A_220 = arith.cmpf ogt, %get3A_219, %select_n3A_211 : vector<16xf32>
          %select_n3A_221 = arith.select %gt3A_220, %get3A_219, %select_n3A_211 : vector<16xi1>, vector<16xf32>
          %broadcast_in_dim3A_222 = vector.broadcast %scan3A_215 : i32 to vector<16xi32>
          %select_n3A_223 = arith.select %gt3A_220, %broadcast_in_dim3A_222, %select_n3A_213 : vector<16xi1>, vector<16xi32>
          %scan3A_224 = arith.constant 6 : i32
          %scan3A_225 = arith.addi %scan3A_166, %scan3A_224 : i32
          %mul3A_226 = arith.constant 16 : i32
          %mul3A_227 = arith.muli %scan3A_225, %mul3A_226 : i32
          %get3A_228 = arith.index_cast %mul3A_227 : i32 to index
          %get3A_229 = tpu.vector_load %arg9[%get3A_228] {strides = array<i32>} : memref<512xf32, #tpu.memory_space<vmem>>, vector<16xf32>,
          %gt3A_230 = arith.cmpf ogt, %get3A_229, %select_n3A_221 : vector<16xf32>
          %select_n3A_231 = arith.select %gt3A_230, %get3A_229, %select_n3A_221 : vector<16xi1>, vector<16xf32>
          %broadcast_in_dim3A_232 = vector.broadcast %scan3A_225 : i32 to vector<16xi32>
          %select_n3A_233 = arith.select %gt3A_230, %broadcast_in_dim3A_232, %select_n3A_223 : vector<16xi1>, vector<16xi32>
          %scan3A_234 = arith.constant 7 : i32
          %scan3A_235 = arith.addi %scan3A_166, %scan3A_234 : i32
          %mul3A_236 = arith.constant 16 : i32
          %mul3A_237 = arith.muli %scan3A_235, %mul3A_236 : i32
          %get3A_238 = arith.index_cast %mul3A_237 : i32 to index
          %get3A_239 = tpu.vector_load %arg9[%get3A_238] {strides = array<i32>} : memref<512xf32, #tpu.memory_space<vmem>>, vector<16xf32>,
          %gt3A_240 = arith.cmpf ogt, %get3A_239, %select_n3A_231 : vector<16xf32>
          %select_n3A_241 = arith.select %gt3A_240, %get3A_239, %select_n3A_231 : vector<16xi1>, vector<16xf32>
          %broadcast_in_dim3A_242 = vector.broadcast %scan3A_235 : i32 to vector<16xi32>
          %select_n3A_243 = arith.select %gt3A_240, %broadcast_in_dim3A_242, %select_n3A_233 : vector<16xi1>, vector<16xi32>
          scf.yield %select_n3A_241, %select_n3A_243 : vector<16xf32>, vector<16xi32>
        }
        %scan3A_140 = arith.constant 32 : i32
        %mul3A_141 = arith.constant 16 : i32
        %mul3A_142 = vector.broadcast %mul3A_141 : i32 to vector<16xi32>
        %mul3A_143 = arith.muli %scan3A_139#1, %mul3A_142 : vector<16xi32>
        %add3A_144 = arith.addi %mul3A_143, %iota3A : vector<16xi32>
        tpu.vector_store_idx %arg9[%add3A_144], %broadcast_in_dim3A_4 : memref<512xf32, #tpu.memory_space<vmem>>[vector<16xi32>], vector<16xf32>,
        %add3A_145 = arith.addi %mul3A_3, %scan3A_139#1 : vector<16xi32>
        %gather3A_146 = tpu.vector_load_idx %arg8[%add3A_145] : memref<512xi32, #tpu.memory_space<vmem>>[vector<16xi32>], vector<16xi32>,
        %swap3A_147 = arith.constant 48 : index
        %swap3A_148 = tpu.vector_load %arg11[%swap3A_147] {strides = array<i32>} : memref<80xi32, #tpu.memory_space<vmem>>, vector<16xi32>,
        tpu.vector_store %arg11[%swap3A_147], %gather3A_146 {strides = array<i32>} : memref<80xi32, #tpu.memory_space<vmem>>, vector<16xi32>,
        %scan3A_149 = arith.constant 0 : i32
        %scan3A_150 = arith.constant 32 : i32
        %scan3A_151 = arith.addi %scan3A_149, %scan3A_150 : i32
        %scan3A_152 = arith.constant 8 : i32
        %scan3A_153:2 = scf.for %scan3A_166 = %scan3A_149 to %scan3A_151 step %scan3A_152 iter_args(%scan3A_167 = %broadcast_in_dim3A_4, %scan3A_168 = %broadcast_in_dim3A_94) -> (vector<16xf32>, vector<16xi32>)  : i32 {
          %mul3A_169 = arith.constant 16 : i32
          %mul3A_170 = arith.muli %scan3A_166, %mul3A_169 : i32
          %get3A = arith.index_cast %mul3A_170 : i32 to index
          %get3A_171 = tpu.vector_load %arg9[%get3A] {strides = array<i32>} : memref<512xf32, #tpu.memory_space<vmem>>, vector<16xf32>,
          %gt3A = arith.cmpf ogt, %get3A_171, %scan3A_167 : vector<16xf32>
          %select_n3A = arith.select %gt3A, %get3A_171, %scan3A_167 : vector<16xi1>, vector<16xf32>
          %broadcast_in_dim3A_172 = vector.broadcast %scan3A_166 : i32 to vector<16xi32>
          %select_n3A_173 = arith.select %gt3A, %broadcast_in_dim3A_172, %scan3A_168 : vector<16xi1>, vector<16xi32>
          %scan3A_174 = arith.constant 1 : i32
          %scan3A_175 = arith.addi %scan3A_166, %scan3A_174 : i32
          %mul3A_176 = arith.constant 16 : i32
          %mul3A_177 = arith.muli %scan3A_175, %mul3A_176 : i32
          %get3A_178 = arith.index_cast %mul3A_177 : i32 to index
          %get3A_179 = tpu.vector_load %arg9[%get3A_178] {strides = array<i32>} : memref<512xf32, #tpu.memory_space<vmem>>, vector<16xf32>,
          %gt3A_180 = arith.cmpf ogt, %get3A_179, %select_n3A : vector<16xf32>
          %select_n3A_181 = arith.select %gt3A_180, %get3A_179, %select_n3A : vector<16xi1>, vector<16xf32>
          %broadcast_in_dim3A_182 = vector.broadcast %scan3A_175 : i32 to vector<16xi32>
          %select_n3A_183 = arith.select %gt3A_180, %broadcast_in_dim3A_182, %select_n3A_173 : vector<16xi1>, vector<16xi32>
          %scan3A_184 = arith.constant 2 : i32
          %scan3A_185 = arith.addi %scan3A_166, %scan3A_184 : i32
          %mul3A_186 = arith.constant 16 : i32
          %mul3A_187 = arith.muli %scan3A_185, %mul3A_186 : i32
          %get3A_188 = arith.index_cast %mul3A_187 : i32 to index
          %get3A_189 = tpu.vector_load %arg9[%get3A_188] {strides = array<i32>} : memref<512xf32, #tpu.memory_space<vmem>>, vector<16xf32>,
          %gt3A_190 = arith.cmpf ogt, %get3A_189, %select_n3A_181 : vector<16xf32>
          %select_n3A_191 = arith.select %gt3A_190, %get3A_189, %select_n3A_181 : vector<16xi1>, vector<16xf32>
          %broadcast_in_dim3A_192 = vector.broadcast %scan3A_185 : i32 to vector<16xi32>
          %select_n3A_193 = arith.select %gt3A_190, %broadcast_in_dim3A_192, %select_n3A_183 : vector<16xi1>, vector<16xi32>
          %scan3A_194 = arith.constant 3 : i32
          %scan3A_195 = arith.addi %scan3A_166, %scan3A_194 : i32
          %mul3A_196 = arith.constant 16 : i32
          %mul3A_197 = arith.muli %scan3A_195, %mul3A_196 : i32
          %get3A_198 = arith.index_cast %mul3A_197 : i32 to index
          %get3A_199 = tpu.vector_load %arg9[%get3A_198] {strides = array<i32>} : memref<512xf32, #tpu.memory_space<vmem>>, vector<16xf32>,
          %gt3A_200 = arith.cmpf ogt, %get3A_199, %select_n3A_191 : vector<16xf32>
          %select_n3A_201 = arith.select %gt3A_200, %get3A_199, %select_n3A_191 : vector<16xi1>, vector<16xf32>
          %broadcast_in_dim3A_202 = vector.broadcast %scan3A_195 : i32 to vector<16xi32>
          %select_n3A_203 = arith.select %gt3A_200, %broadcast_in_dim3A_202, %select_n3A_193 : vector<16xi1>, vector<16xi32>
          %scan3A_204 = arith.constant 4 : i32
          %scan3A_205 = arith.addi %scan3A_166, %scan3A_204 : i32
          %mul3A_206 = arith.constant 16 : i32
          %mul3A_207 = arith.muli %scan3A_205, %mul3A_206 : i32
          %get3A_208 = arith.index_cast %mul3A_207 : i32 to index
          %get3A_209 = tpu.vector_load %arg9[%get3A_208] {strides = array<i32>} : memref<512xf32, #tpu.memory_space<vmem>>, vector<16xf32>,
          %gt3A_210 = arith.cmpf ogt, %get3A_209, %select_n3A_201 : vector<16xf32>
          %select_n3A_211 = arith.select %gt3A_210, %get3A_209, %select_n3A_201 : vector<16xi1>, vector<16xf32>
          %broadcast_in_dim3A_212 = vector.broadcast %scan3A_205 : i32 to vector<16xi32>
          %select_n3A_213 = arith.select %gt3A_210, %broadcast_in_dim3A_212, %select_n3A_203 : vector<16xi1>, vector<16xi32>
          %scan3A_214 = arith.constant 5 : i32
          %scan3A_215 = arith.addi %scan3A_166, %scan3A_214 : i32
          %mul3A_216 = arith.constant 16 : i32
          %mul3A_217 = arith.muli %scan3A_215, %mul3A_216 : i32
          %get3A_218 = arith.index_cast %mul3A_217 : i32 to index
          %get3A_219 = tpu.vector_load %arg9[%get3A_218] {strides = array<i32>} : memref<512xf32, #tpu.memory_space<vmem>>, vector<16xf32>,
          %gt3A_220 = arith.cmpf ogt, %get3A_219, %select_n3A_211 : vector<16xf32>
          %select_n3A_221 = arith.select %gt3A_220, %get3A_219, %select_n3A_211 : vector<16xi1>, vector<16xf32>
          %broadcast_in_dim3A_222 = vector.broadcast %scan3A_215 : i32 to vector<16xi32>
          %select_n3A_223 = arith.select %gt3A_220, %broadcast_in_dim3A_222, %select_n3A_213 : vector<16xi1>, vector<16xi32>
          %scan3A_224 = arith.constant 6 : i32
          %scan3A_225 = arith.addi %scan3A_166, %scan3A_224 : i32
          %mul3A_226 = arith.constant 16 : i32
          %mul3A_227 = arith.muli %scan3A_225, %mul3A_226 : i32
          %get3A_228 = arith.index_cast %mul3A_227 : i32 to index
          %get3A_229 = tpu.vector_load %arg9[%get3A_228] {strides = array<i32>} : memref<512xf32, #tpu.memory_space<vmem>>, vector<16xf32>,
          %gt3A_230 = arith.cmpf ogt, %get3A_229, %select_n3A_221 : vector<16xf32>
          %select_n3A_231 = arith.select %gt3A_230, %get3A_229, %select_n3A_221 : vector<16xi1>, vector<16xf32>
          %broadcast_in_dim3A_232 = vector.broadcast %scan3A_225 : i32 to vector<16xi32>
          %select_n3A_233 = arith.select %gt3A_230, %broadcast_in_dim3A_232, %select_n3A_223 : vector<16xi1>, vector<16xi32>
          %scan3A_234 = arith.constant 7 : i32
          %scan3A_235 = arith.addi %scan3A_166, %scan3A_234 : i32
          %mul3A_236 = arith.constant 16 : i32
          %mul3A_237 = arith.muli %scan3A_235, %mul3A_236 : i32
          %get3A_238 = arith.index_cast %mul3A_237 : i32 to index
          %get3A_239 = tpu.vector_load %arg9[%get3A_238] {strides = array<i32>} : memref<512xf32, #tpu.memory_space<vmem>>, vector<16xf32>,
          %gt3A_240 = arith.cmpf ogt, %get3A_239, %select_n3A_231 : vector<16xf32>
          %select_n3A_241 = arith.select %gt3A_240, %get3A_239, %select_n3A_231 : vector<16xi1>, vector<16xf32>
          %broadcast_in_dim3A_242 = vector.broadcast %scan3A_235 : i32 to vector<16xi32>
          %select_n3A_243 = arith.select %gt3A_240, %broadcast_in_dim3A_242, %select_n3A_233 : vector<16xi1>, vector<16xi32>
          scf.yield %select_n3A_241, %select_n3A_243 : vector<16xf32>, vector<16xi32>
        }
        %scan3A_154 = arith.constant 32 : i32
        %mul3A_155 = arith.constant 16 : i32
        %mul3A_156 = vector.broadcast %mul3A_155 : i32 to vector<16xi32>
        %mul3A_157 = arith.muli %scan3A_153#1, %mul3A_156 : vector<16xi32>
        %add3A_158 = arith.addi %mul3A_157, %iota3A : vector<16xi32>
        tpu.vector_store_idx %arg9[%add3A_158], %broadcast_in_dim3A_4 : memref<512xf32, #tpu.memory_space<vmem>>[vector<16xi32>], vector<16xf32>,
        %add3A_159 = arith.addi %mul3A_3, %scan3A_153#1 : vector<16xi32>
        %gather3A_160 = tpu.vector_load_idx %arg8[%add3A_159] : memref<512xi32, #tpu.memory_space<vmem>>[vector<16xi32>], vector<16xi32>,
        %swap3A_161 = arith.constant 64 : index
        %swap3A_162 = tpu.vector_load %arg11[%swap3A_161] {strides = array<i32>} : memref<80xi32, #tpu.memory_space<vmem>>, vector<16xi32>,
        tpu.vector_store %arg11[%swap3A_161], %gather3A_160 {strides = array<i32>} : memref<80xi32, #tpu.memory_space<vmem>>, vector<16xi32>,
        %dma_start3A_163 = arith.constant 0 : i32
        %dma_start3A_164 = arith.constant 0 : i32
        %dma_start3A_165 = tpu.memref_slice %arg2[%dma_start3A_163, %dma_start3A_164] : memref<10000x128xf32, #tpu.memory_space<hbm>> -> memref<10000x128xf32, #tpu.memory_space<hbm>>
        tpu.enqueue_indirect_dma source(%dma_start3A_165 : memref<10000x128xf32, #tpu.memory_space<hbm>>) target(%arg13 : memref<80x128xf32, #tpu.memory_space<vmem>>) offsets(%arg11 : memref<80xi32, #tpu.memory_space<vmem>>) semaphore(%arg17 : memref<!tpu.dma_semaphore, #tpu.memory_space<semaphore_mem>>)
      } else {
      }
      %sub3A_66 = arith.constant 1 : i32
      %sub3A_67 = arith.subi %add3A_57, %sub3A_66 : i32
      %mul3A_68 = arith.constant 32 : i32
      %mul3A_69 = arith.muli %sub3A_67, %mul3A_68 : i32
      %add3A_70 = arith.addi %add3A, %mul3A_69 : i32
      %ge3A_71 = arith.constant 1 : i32
      %ge3A_72 = arith.cmpi sge, %add3A_57, %ge3A_71 : i32
      %lt3A_73 = arith.constant 625 : i32
      %lt3A_74 = arith.cmpi slt, %add3A_70, %lt3A_73 : i32
      %and3A_75 = arith.andi %ge3A_72, %lt3A_74 : i1
      %convert_element_type3A_76 = arith.extui %and3A_75 : i1 to i32
      %cond3A_77 = arith.constant 0 : i32
      %cond3A_78 = arith.cmpi ne, %convert_element_type3A_76, %cond3A_77 : i32
      scf.if %cond3A_78 {
        %dma_wait3A_79 = arith.constant 0 : i32
        %dma_wait3A_80 = arith.constant 0 : i32
        %dma_wait3A_81 = tpu.memref_slice %arg2[%dma_wait3A_79, %dma_wait3A_80] : memref<10000x128xf32, #tpu.memory_space<hbm>> -> memref<10000x128xf32, #tpu.memory_space<hbm>>
        tpu.wait_indirect_dma semaphore(%arg16 : memref<!tpu.dma_semaphore, #tpu.memory_space<semaphore_mem>>) src(%dma_wait3A_81 : memref<10000x128xf32, #tpu.memory_space<hbm>>) dst(%arg12 : memref<80x128xf32, #tpu.memory_space<vmem>>)
        %ge3A_82 = arith.constant 64 : i32
        %ge3A_83 = arith.cmpi sge, %add3A_70, %ge3A_82 : i32
        %convert_element_type3A_84 = arith.extui %ge3A_83 : i1 to i32
        %cond3A_85 = arith.constant 0 : i32
        %cond3A_86 = arith.cmpi ne, %convert_element_type3A_84, %cond3A_85 : i32
        scf.if %cond3A_86 {
          %sub3A_95 = arith.constant 64 : i32
          %sub3A_96 = arith.subi %add3A_70, %sub3A_95 : i32
          %mul3A_97 = arith.constant 16 : i32
          %mul3A_98 = arith.muli %sub3A_96, %mul3A_97 : i32
          %dma_wait3A_99 = arith.constant 0 : i32
          %dma_wait3A_100 = tpu.memref_slice %arg5[%mul3A_98, %dma_wait3A_99] : memref<10000x128xf32, #tpu.memory_space<hbm>> -> memref<16x128xf32, #tpu.memory_space<hbm>>
          %dma_wait3A_101 = arith.constant 0 : i32
          %dma_wait3A_102 = tpu.memref_slice %arg5[%mul3A_98, %dma_wait3A_101] : memref<10000x128xf32, #tpu.memory_space<hbm>> -> memref<16x128xf32, #tpu.memory_space<hbm>>
          tpu.wait_dma2 semaphore(%arg18 : memref<!tpu.dma_semaphore, #tpu.memory_space<semaphore_mem>>) src(%arg14 : memref<16x128xf32, #tpu.memory_space<vmem>>) dst(%dma_wait3A_102 : memref<16x128xf32, #tpu.memory_space<hbm>>)
        } else {
        }
        %parallel_loop3A = arith.constant 0 : i32
        %parallel_loop3A_87 = arith.constant 16 : i32
        %parallel_loop3A_88 = arith.constant 1 : i32
        scf.for %parallel_loop3A_95 = %parallel_loop3A to %parallel_loop3A_87 step %parallel_loop3A_88  : i32 {
          %parallel_loop3A_96 = arith.index_cast %parallel_loop3A_95 : i32 to index
          %parallel_loop3A_97 = arith.constant 0 : index
          %parallel_loop3A_98 = tpu.vector_load %arg12[%parallel_loop3A_96, %parallel_loop3A_97] {strides = array<i32>} : memref<80x128xf32, #tpu.memory_space<vmem>>, vector<16xf32>,
          %parallel_loop3A_99 = arith.constant 16 : i32
          %parallel_loop3A_100 = arith.addi %parallel_loop3A_99, %parallel_loop3A_95 : i32
          %parallel_loop3A_101 = arith.index_cast %parallel_loop3A_100 : i32 to index
          %parallel_loop3A_102 = arith.constant 0 : index
          %parallel_loop3A_103 = tpu.vector_load %arg12[%parallel_loop3A_101, %parallel_loop3A_102] {strides = array<i32>} : memref<80x128xf32, #tpu.memory_space<vmem>>, vector<16xf32>,
          %parallel_loop3A_104 = arith.addf %parallel_loop3A_98, %parallel_loop3A_103 : vector<16xf32>
          %parallel_loop3A_105 = arith.constant 32 : i32
          %parallel_loop3A_106 = arith.addi %parallel_loop3A_105, %parallel_loop3A_95 : i32
          %parallel_loop3A_107 = arith.index_cast %parallel_loop3A_106 : i32 to index
          %parallel_loop3A_108 = arith.constant 0 : index
          %parallel_loop3A_109 = tpu.vector_load %arg12[%parallel_loop3A_107, %parallel_loop3A_108] {strides = array<i32>} : memref<80x128xf32, #tpu.memory_space<vmem>>, vector<16xf32>,
          %parallel_loop3A_110 = arith.addf %parallel_loop3A_104, %parallel_loop3A_109 : vector<16xf32>
          %parallel_loop3A_111 = arith.constant 48 : i32
          %parallel_loop3A_112 = arith.addi %parallel_loop3A_111, %parallel_loop3A_95 : i32
          %parallel_loop3A_113 = arith.index_cast %parallel_loop3A_112 : i32 to index
          %parallel_loop3A_114 = arith.constant 0 : index
          %parallel_loop3A_115 = tpu.vector_load %arg12[%parallel_loop3A_113, %parallel_loop3A_114] {strides = array<i32>} : memref<80x128xf32, #tpu.memory_space<vmem>>, vector<16xf32>,
          %parallel_loop3A_116 = arith.addf %parallel_loop3A_110, %parallel_loop3A_115 : vector<16xf32>
          %parallel_loop3A_117 = arith.constant 64 : i32
          %parallel_loop3A_118 = arith.addi %parallel_loop3A_117, %parallel_loop3A_95 : i32
          %parallel_loop3A_119 = arith.index_cast %parallel_loop3A_118 : i32 to index
          %parallel_loop3A_120 = arith.constant 0 : index
          %parallel_loop3A_121 = tpu.vector_load %arg12[%parallel_loop3A_119, %parallel_loop3A_120] {strides = array<i32>} : memref<80x128xf32, #tpu.memory_space<vmem>>, vector<16xf32>,
          %parallel_loop3A_122 = arith.addf %parallel_loop3A_116, %parallel_loop3A_121 : vector<16xf32>
          %parallel_loop3A_123 = arith.index_cast %parallel_loop3A_95 : i32 to index
          %parallel_loop3A_124 = arith.constant 0 : index
          %parallel_loop3A_125 = tpu.vector_load %arg14[%parallel_loop3A_123, %parallel_loop3A_124] {strides = array<i32>} : memref<16x128xf32, #tpu.memory_space<vmem>>, vector<16xf32>,
          tpu.vector_store %arg14[%parallel_loop3A_123, %parallel_loop3A_124], %parallel_loop3A_122 {strides = array<i32>} : memref<16x128xf32, #tpu.memory_space<vmem>>, vector<16xf32>,
          %parallel_loop3A_126 = arith.index_cast %parallel_loop3A_95 : i32 to index
          %parallel_loop3A_127 = arith.constant 16 : index
          %parallel_loop3A_128 = tpu.vector_load %arg12[%parallel_loop3A_126, %parallel_loop3A_127] {strides = array<i32>} : memref<80x128xf32, #tpu.memory_space<vmem>>, vector<16xf32>,
          %parallel_loop3A_129 = arith.constant 16 : i32
          %parallel_loop3A_130 = arith.addi %parallel_loop3A_129, %parallel_loop3A_95 : i32
          %parallel_loop3A_131 = arith.index_cast %parallel_loop3A_130 : i32 to index
          %parallel_loop3A_132 = arith.constant 16 : index
          %parallel_loop3A_133 = tpu.vector_load %arg12[%parallel_loop3A_131, %parallel_loop3A_132] {strides = array<i32>} : memref<80x128xf32, #tpu.memory_space<vmem>>, vector<16xf32>,
          %parallel_loop3A_134 = arith.addf %parallel_loop3A_128, %parallel_loop3A_133 : vector<16xf32>
          %parallel_loop3A_135 = arith.constant 32 : i32
          %parallel_loop3A_136 = arith.addi %parallel_loop3A_135, %parallel_loop3A_95 : i32
          %parallel_loop3A_137 = arith.index_cast %parallel_loop3A_136 : i32 to index
          %parallel_loop3A_138 = arith.constant 16 : index
          %parallel_loop3A_139 = tpu.vector_load %arg12[%parallel_loop3A_137, %parallel_loop3A_138] {strides = array<i32>} : memref<80x128xf32, #tpu.memory_space<vmem>>, vector<16xf32>,
          %parallel_loop3A_140 = arith.addf %parallel_loop3A_134, %parallel_loop3A_139 : vector<16xf32>
          %parallel_loop3A_141 = arith.constant 48 : i32
          %parallel_loop3A_142 = arith.addi %parallel_loop3A_141, %parallel_loop3A_95 : i32
          %parallel_loop3A_143 = arith.index_cast %parallel_loop3A_142 : i32 to index
          %parallel_loop3A_144 = arith.constant 16 : index
          %parallel_loop3A_145 = tpu.vector_load %arg12[%parallel_loop3A_143, %parallel_loop3A_144] {strides = array<i32>} : memref<80x128xf32, #tpu.memory_space<vmem>>, vector<16xf32>,
          %parallel_loop3A_146 = arith.addf %parallel_loop3A_140, %parallel_loop3A_145 : vector<16xf32>
          %parallel_loop3A_147 = arith.constant 64 : i32
          %parallel_loop3A_148 = arith.addi %parallel_loop3A_147, %parallel_loop3A_95 : i32
          %parallel_loop3A_149 = arith.index_cast %parallel_loop3A_148 : i32 to index
          %parallel_loop3A_150 = arith.constant 16 : index
          %parallel_loop3A_151 = tpu.vector_load %arg12[%parallel_loop3A_149, %parallel_loop3A_150] {strides = array<i32>} : memref<80x128xf32, #tpu.memory_space<vmem>>, vector<16xf32>,
          %parallel_loop3A_152 = arith.addf %parallel_loop3A_146, %parallel_loop3A_151 : vector<16xf32>
          %parallel_loop3A_153 = arith.index_cast %parallel_loop3A_95 : i32 to index
          %parallel_loop3A_154 = arith.constant 16 : index
          %parallel_loop3A_155 = tpu.vector_load %arg14[%parallel_loop3A_153, %parallel_loop3A_154] {strides = array<i32>} : memref<16x128xf32, #tpu.memory_space<vmem>>, vector<16xf32>,
          tpu.vector_store %arg14[%parallel_loop3A_153, %parallel_loop3A_154], %parallel_loop3A_152 {strides = array<i32>} : memref<16x128xf32, #tpu.memory_space<vmem>>, vector<16xf32>,
          %parallel_loop3A_156 = arith.index_cast %parallel_loop3A_95 : i32 to index
          %parallel_loop3A_157 = arith.constant 32 : index
          %parallel_loop3A_158 = tpu.vector_load %arg12[%parallel_loop3A_156, %parallel_loop3A_157] {strides = array<i32>} : memref<80x128xf32, #tpu.memory_space<vmem>>, vector<16xf32>,
          %parallel_loop3A_159 = arith.constant 16 : i32
          %parallel_loop3A_160 = arith.addi %parallel_loop3A_159, %parallel_loop3A_95 : i32
          %parallel_loop3A_161 = arith.index_cast %parallel_loop3A_160 : i32 to index
          %parallel_loop3A_162 = arith.constant 32 : index
          %parallel_loop3A_163 = tpu.vector_load %arg12[%parallel_loop3A_161, %parallel_loop3A_162] {strides = array<i32>} : memref<80x128xf32, #tpu.memory_space<vmem>>, vector<16xf32>,
          %parallel_loop3A_164 = arith.addf %parallel_loop3A_158, %parallel_loop3A_163 : vector<16xf32>
          %parallel_loop3A_165 = arith.constant 32 : i32
          %parallel_loop3A_166 = arith.addi %parallel_loop3A_165, %parallel_loop3A_95 : i32
          %parallel_loop3A_167 = arith.index_cast %parallel_loop3A_166 : i32 to index
          %parallel_loop3A_168 = arith.constant 32 : index
          %parallel_loop3A_169 = tpu.vector_load %arg12[%parallel_loop3A_167, %parallel_loop3A_168] {strides = array<i32>} : memref<80x128xf32, #tpu.memory_space<vmem>>, vector<16xf32>,
          %parallel_loop3A_170 = arith.addf %parallel_loop3A_164, %parallel_loop3A_169 : vector<16xf32>
          %parallel_loop3A_171 = arith.constant 48 : i32
          %parallel_loop3A_172 = arith.addi %parallel_loop3A_171, %parallel_loop3A_95 : i32
          %parallel_loop3A_173 = arith.index_cast %parallel_loop3A_172 : i32 to index
          %parallel_loop3A_174 = arith.constant 32 : index
          %parallel_loop3A_175 = tpu.vector_load %arg12[%parallel_loop3A_173, %parallel_loop3A_174] {strides = array<i32>} : memref<80x128xf32, #tpu.memory_space<vmem>>, vector<16xf32>,
          %parallel_loop3A_176 = arith.addf %parallel_loop3A_170, %parallel_loop3A_175 : vector<16xf32>
          %parallel_loop3A_177 = arith.constant 64 : i32
          %parallel_loop3A_178 = arith.addi %parallel_loop3A_177, %parallel_loop3A_95 : i32
          %parallel_loop3A_179 = arith.index_cast %parallel_loop3A_178 : i32 to index
          %parallel_loop3A_180 = arith.constant 32 : index
          %parallel_loop3A_181 = tpu.vector_load %arg12[%parallel_loop3A_179, %parallel_loop3A_180] {strides = array<i32>} : memref<80x128xf32, #tpu.memory_space<vmem>>, vector<16xf32>,
          %parallel_loop3A_182 = arith.addf %parallel_loop3A_176, %parallel_loop3A_181 : vector<16xf32>
          %parallel_loop3A_183 = arith.index_cast %parallel_loop3A_95 : i32 to index
          %parallel_loop3A_184 = arith.constant 32 : index
          %parallel_loop3A_185 = tpu.vector_load %arg14[%parallel_loop3A_183, %parallel_loop3A_184] {strides = array<i32>} : memref<16x128xf32, #tpu.memory_space<vmem>>, vector<16xf32>,
          tpu.vector_store %arg14[%parallel_loop3A_183, %parallel_loop3A_184], %parallel_loop3A_182 {strides = array<i32>} : memref<16x128xf32, #tpu.memory_space<vmem>>, vector<16xf32>,
          %parallel_loop3A_186 = arith.index_cast %parallel_loop3A_95 : i32 to index
          %parallel_loop3A_187 = arith.constant 48 : index
          %parallel_loop3A_188 = tpu.vector_load %arg12[%parallel_loop3A_186, %parallel_loop3A_187] {strides = array<i32>} : memref<80x128xf32, #tpu.memory_space<vmem>>, vector<16xf32>,
          %parallel_loop3A_189 = arith.constant 16 : i32
          %parallel_loop3A_190 = arith.addi %parallel_loop3A_189, %parallel_loop3A_95 : i32
          %parallel_loop3A_191 = arith.index_cast %parallel_loop3A_190 : i32 to index
          %parallel_loop3A_192 = arith.constant 48 : index
          %parallel_loop3A_193 = tpu.vector_load %arg12[%parallel_loop3A_191, %parallel_loop3A_192] {strides = array<i32>} : memref<80x128xf32, #tpu.memory_space<vmem>>, vector<16xf32>,
          %parallel_loop3A_194 = arith.addf %parallel_loop3A_188, %parallel_loop3A_193 : vector<16xf32>
          %parallel_loop3A_195 = arith.constant 32 : i32
          %parallel_loop3A_196 = arith.addi %parallel_loop3A_195, %parallel_loop3A_95 : i32
          %parallel_loop3A_197 = arith.index_cast %parallel_loop3A_196 : i32 to index
          %parallel_loop3A_198 = arith.constant 48 : index
          %parallel_loop3A_199 = tpu.vector_load %arg12[%parallel_loop3A_197, %parallel_loop3A_198] {strides = array<i32>} : memref<80x128xf32, #tpu.memory_space<vmem>>, vector<16xf32>,
          %parallel_loop3A_200 = arith.addf %parallel_loop3A_194, %parallel_loop3A_199 : vector<16xf32>
          %parallel_loop3A_201 = arith.constant 48 : i32
          %parallel_loop3A_202 = arith.addi %parallel_loop3A_201, %parallel_loop3A_95 : i32
          %parallel_loop3A_203 = arith.index_cast %parallel_loop3A_202 : i32 to index
          %parallel_loop3A_204 = arith.constant 48 : index
          %parallel_loop3A_205 = tpu.vector_load %arg12[%parallel_loop3A_203, %parallel_loop3A_204] {strides = array<i32>} : memref<80x128xf32, #tpu.memory_space<vmem>>, vector<16xf32>,
          %parallel_loop3A_206 = arith.addf %parallel_loop3A_200, %parallel_loop3A_205 : vector<16xf32>
          %parallel_loop3A_207 = arith.constant 64 : i32
          %parallel_loop3A_208 = arith.addi %parallel_loop3A_207, %parallel_loop3A_95 : i32
          %parallel_loop3A_209 = arith.index_cast %parallel_loop3A_208 : i32 to index
          %parallel_loop3A_210 = arith.constant 48 : index
          %parallel_loop3A_211 = tpu.vector_load %arg12[%parallel_loop3A_209, %parallel_loop3A_210] {strides = array<i32>} : memref<80x128xf32, #tpu.memory_space<vmem>>, vector<16xf32>,
          %parallel_loop3A_212 = arith.addf %parallel_loop3A_206, %parallel_loop3A_211 : vector<16xf32>
          %parallel_loop3A_213 = arith.index_cast %parallel_loop3A_95 : i32 to index
          %parallel_loop3A_214 = arith.constant 48 : index
          %parallel_loop3A_215 = tpu.vector_load %arg14[%parallel_loop3A_213, %parallel_loop3A_214] {strides = array<i32>} : memref<16x128xf32, #tpu.memory_space<vmem>>, vector<16xf32>,
          tpu.vector_store %arg14[%parallel_loop3A_213, %parallel_loop3A_214], %parallel_loop3A_212 {strides = array<i32>} : memref<16x128xf32, #tpu.memory_space<vmem>>, vector<16xf32>,
          %parallel_loop3A_216 = arith.index_cast %parallel_loop3A_95 : i32 to index
          %parallel_loop3A_217 = arith.constant 64 : index
          %parallel_loop3A_218 = tpu.vector_load %arg12[%parallel_loop3A_216, %parallel_loop3A_217] {strides = array<i32>} : memref<80x128xf32, #tpu.memory_space<vmem>>, vector<16xf32>,
          %parallel_loop3A_219 = arith.constant 16 : i32
          %parallel_loop3A_220 = arith.addi %parallel_loop3A_219, %parallel_loop3A_95 : i32
          %parallel_loop3A_221 = arith.index_cast %parallel_loop3A_220 : i32 to index
          %parallel_loop3A_222 = arith.constant 64 : index
          %parallel_loop3A_223 = tpu.vector_load %arg12[%parallel_loop3A_221, %parallel_loop3A_222] {strides = array<i32>} : memref<80x128xf32, #tpu.memory_space<vmem>>, vector<16xf32>,
          %parallel_loop3A_224 = arith.addf %parallel_loop3A_218, %parallel_loop3A_223 : vector<16xf32>
          %parallel_loop3A_225 = arith.constant 32 : i32
          %parallel_loop3A_226 = arith.addi %parallel_loop3A_225, %parallel_loop3A_95 : i32
          %parallel_loop3A_227 = arith.index_cast %parallel_loop3A_226 : i32 to index
          %parallel_loop3A_228 = arith.constant 64 : index
          %parallel_loop3A_229 = tpu.vector_load %arg12[%parallel_loop3A_227, %parallel_loop3A_228] {strides = array<i32>} : memref<80x128xf32, #tpu.memory_space<vmem>>, vector<16xf32>,
          %parallel_loop3A_230 = arith.addf %parallel_loop3A_224, %parallel_loop3A_229 : vector<16xf32>
          %parallel_loop3A_231 = arith.constant 48 : i32
          %parallel_loop3A_232 = arith.addi %parallel_loop3A_231, %parallel_loop3A_95 : i32
          %parallel_loop3A_233 = arith.index_cast %parallel_loop3A_232 : i32 to index
          %parallel_loop3A_234 = arith.constant 64 : index
          %parallel_loop3A_235 = tpu.vector_load %arg12[%parallel_loop3A_233, %parallel_loop3A_234] {strides = array<i32>} : memref<80x128xf32, #tpu.memory_space<vmem>>, vector<16xf32>,
          %parallel_loop3A_236 = arith.addf %parallel_loop3A_230, %parallel_loop3A_235 : vector<16xf32>
          %parallel_loop3A_237 = arith.constant 64 : i32
          %parallel_loop3A_238 = arith.addi %parallel_loop3A_237, %parallel_loop3A_95 : i32
          %parallel_loop3A_239 = arith.index_cast %parallel_loop3A_238 : i32 to index
          %parallel_loop3A_240 = arith.constant 64 : index
          %parallel_loop3A_241 = tpu.vector_load %arg12[%parallel_loop3A_239, %parallel_loop3A_240] {strides = array<i32>} : memref<80x128xf32, #tpu.memory_space<vmem>>, vector<16xf32>,
          %parallel_loop3A_242 = arith.addf %parallel_loop3A_236, %parallel_loop3A_241 : vector<16xf32>
          %parallel_loop3A_243 = arith.index_cast %parallel_loop3A_95 : i32 to index
          %parallel_loop3A_244 = arith.constant 64 : index
          %parallel_loop3A_245 = tpu.vector_load %arg14[%parallel_loop3A_243, %parallel_loop3A_244] {strides = array<i32>} : memref<16x128xf32, #tpu.memory_space<vmem>>, vector<16xf32>,
          tpu.vector_store %arg14[%parallel_loop3A_243, %parallel_loop3A_244], %parallel_loop3A_242 {strides = array<i32>} : memref<16x128xf32, #tpu.memory_space<vmem>>, vector<16xf32>,
          %parallel_loop3A_246 = arith.index_cast %parallel_loop3A_95 : i32 to index
          %parallel_loop3A_247 = arith.constant 80 : index
          %parallel_loop3A_248 = tpu.vector_load %arg12[%parallel_loop3A_246, %parallel_loop3A_247] {strides = array<i32>} : memref<80x128xf32, #tpu.memory_space<vmem>>, vector<16xf32>,
          %parallel_loop3A_249 = arith.constant 16 : i32
          %parallel_loop3A_250 = arith.addi %parallel_loop3A_249, %parallel_loop3A_95 : i32
          %parallel_loop3A_251 = arith.index_cast %parallel_loop3A_250 : i32 to index
          %parallel_loop3A_252 = arith.constant 80 : index
          %parallel_loop3A_253 = tpu.vector_load %arg12[%parallel_loop3A_251, %parallel_loop3A_252] {strides = array<i32>} : memref<80x128xf32, #tpu.memory_space<vmem>>, vector<16xf32>,
          %parallel_loop3A_254 = arith.addf %parallel_loop3A_248, %parallel_loop3A_253 : vector<16xf32>
          %parallel_loop3A_255 = arith.constant 32 : i32
          %parallel_loop3A_256 = arith.addi %parallel_loop3A_255, %parallel_loop3A_95 : i32
          %parallel_loop3A_257 = arith.index_cast %parallel_loop3A_256 : i32 to index
          %parallel_loop3A_258 = arith.constant 80 : index
          %parallel_loop3A_259 = tpu.vector_load %arg12[%parallel_loop3A_257, %parallel_loop3A_258] {strides = array<i32>} : memref<80x128xf32, #tpu.memory_space<vmem>>, vector<16xf32>,
          %parallel_loop3A_260 = arith.addf %parallel_loop3A_254, %parallel_loop3A_259 : vector<16xf32>
          %parallel_loop3A_261 = arith.constant 48 : i32
          %parallel_loop3A_262 = arith.addi %parallel_loop3A_261, %parallel_loop3A_95 : i32
          %parallel_loop3A_263 = arith.index_cast %parallel_loop3A_262 : i32 to index
          %parallel_loop3A_264 = arith.constant 80 : index
          %parallel_loop3A_265 = tpu.vector_load %arg12[%parallel_loop3A_263, %parallel_loop3A_264] {strides = array<i32>} : memref<80x128xf32, #tpu.memory_space<vmem>>, vector<16xf32>,
          %parallel_loop3A_266 = arith.addf %parallel_loop3A_260, %parallel_loop3A_265 : vector<16xf32>
          %parallel_loop3A_267 = arith.constant 64 : i32
          %parallel_loop3A_268 = arith.addi %parallel_loop3A_267, %parallel_loop3A_95 : i32
          %parallel_loop3A_269 = arith.index_cast %parallel_loop3A_268 : i32 to index
          %parallel_loop3A_270 = arith.constant 80 : index
          %parallel_loop3A_271 = tpu.vector_load %arg12[%parallel_loop3A_269, %parallel_loop3A_270] {strides = array<i32>} : memref<80x128xf32, #tpu.memory_space<vmem>>, vector<16xf32>,
          %parallel_loop3A_272 = arith.addf %parallel_loop3A_266, %parallel_loop3A_271 : vector<16xf32>
          %parallel_loop3A_273 = arith.index_cast %parallel_loop3A_95 : i32 to index
          %parallel_loop3A_274 = arith.constant 80 : index
          %parallel_loop3A_275 = tpu.vector_load %arg14[%parallel_loop3A_273, %parallel_loop3A_274] {strides = array<i32>} : memref<16x128xf32, #tpu.memory_space<vmem>>, vector<16xf32>,
          tpu.vector_store %arg14[%parallel_loop3A_273, %parallel_loop3A_274], %parallel_loop3A_272 {strides = array<i32>} : memref<16x128xf32, #tpu.memory_space<vmem>>, vector<16xf32>,
          %parallel_loop3A_276 = arith.index_cast %parallel_loop3A_95 : i32 to index
          %parallel_loop3A_277 = arith.constant 96 : index
          %parallel_loop3A_278 = tpu.vector_load %arg12[%parallel_loop3A_276, %parallel_loop3A_277] {strides = array<i32>} : memref<80x128xf32, #tpu.memory_space<vmem>>, vector<16xf32>,
          %parallel_loop3A_279 = arith.constant 16 : i32
          %parallel_loop3A_280 = arith.addi %parallel_loop3A_279, %parallel_loop3A_95 : i32
          %parallel_loop3A_281 = arith.index_cast %parallel_loop3A_280 : i32 to index
          %parallel_loop3A_282 = arith.constant 96 : index
          %parallel_loop3A_283 = tpu.vector_load %arg12[%parallel_loop3A_281, %parallel_loop3A_282] {strides = array<i32>} : memref<80x128xf32, #tpu.memory_space<vmem>>, vector<16xf32>,
          %parallel_loop3A_284 = arith.addf %parallel_loop3A_278, %parallel_loop3A_283 : vector<16xf32>
          %parallel_loop3A_285 = arith.constant 32 : i32
          %parallel_loop3A_286 = arith.addi %parallel_loop3A_285, %parallel_loop3A_95 : i32
          %parallel_loop3A_287 = arith.index_cast %parallel_loop3A_286 : i32 to index
          %parallel_loop3A_288 = arith.constant 96 : index
          %parallel_loop3A_289 = tpu.vector_load %arg12[%parallel_loop3A_287, %parallel_loop3A_288] {strides = array<i32>} : memref<80x128xf32, #tpu.memory_space<vmem>>, vector<16xf32>,
          %parallel_loop3A_290 = arith.addf %parallel_loop3A_284, %parallel_loop3A_289 : vector<16xf32>
          %parallel_loop3A_291 = arith.constant 48 : i32
          %parallel_loop3A_292 = arith.addi %parallel_loop3A_291, %parallel_loop3A_95 : i32
          %parallel_loop3A_293 = arith.index_cast %parallel_loop3A_292 : i32 to index
          %parallel_loop3A_294 = arith.constant 96 : index
          %parallel_loop3A_295 = tpu.vector_load %arg12[%parallel_loop3A_293, %parallel_loop3A_294] {strides = array<i32>} : memref<80x128xf32, #tpu.memory_space<vmem>>, vector<16xf32>,
          %parallel_loop3A_296 = arith.addf %parallel_loop3A_290, %parallel_loop3A_295 : vector<16xf32>
          %parallel_loop3A_297 = arith.constant 64 : i32
          %parallel_loop3A_298 = arith.addi %parallel_loop3A_297, %parallel_loop3A_95 : i32
          %parallel_loop3A_299 = arith.index_cast %parallel_loop3A_298 : i32 to index
          %parallel_loop3A_300 = arith.constant 96 : index
          %parallel_loop3A_301 = tpu.vector_load %arg12[%parallel_loop3A_299, %parallel_loop3A_300] {strides = array<i32>} : memref<80x128xf32, #tpu.memory_space<vmem>>, vector<16xf32>,
          %parallel_loop3A_302 = arith.addf %parallel_loop3A_296, %parallel_loop3A_301 : vector<16xf32>
          %parallel_loop3A_303 = arith.index_cast %parallel_loop3A_95 : i32 to index
          %parallel_loop3A_304 = arith.constant 96 : index
          %parallel_loop3A_305 = tpu.vector_load %arg14[%parallel_loop3A_303, %parallel_loop3A_304] {strides = array<i32>} : memref<16x128xf32, #tpu.memory_space<vmem>>, vector<16xf32>,
          tpu.vector_store %arg14[%parallel_loop3A_303, %parallel_loop3A_304], %parallel_loop3A_302 {strides = array<i32>} : memref<16x128xf32, #tpu.memory_space<vmem>>, vector<16xf32>,
          %parallel_loop3A_306 = arith.index_cast %parallel_loop3A_95 : i32 to index
          %parallel_loop3A_307 = arith.constant 112 : index
          %parallel_loop3A_308 = tpu.vector_load %arg12[%parallel_loop3A_306, %parallel_loop3A_307] {strides = array<i32>} : memref<80x128xf32, #tpu.memory_space<vmem>>, vector<16xf32>,
          %parallel_loop3A_309 = arith.constant 16 : i32
          %parallel_loop3A_310 = arith.addi %parallel_loop3A_309, %parallel_loop3A_95 : i32
          %parallel_loop3A_311 = arith.index_cast %parallel_loop3A_310 : i32 to index
          %parallel_loop3A_312 = arith.constant 112 : index
          %parallel_loop3A_313 = tpu.vector_load %arg12[%parallel_loop3A_311, %parallel_loop3A_312] {strides = array<i32>} : memref<80x128xf32, #tpu.memory_space<vmem>>, vector<16xf32>,
          %parallel_loop3A_314 = arith.addf %parallel_loop3A_308, %parallel_loop3A_313 : vector<16xf32>
          %parallel_loop3A_315 = arith.constant 32 : i32
          %parallel_loop3A_316 = arith.addi %parallel_loop3A_315, %parallel_loop3A_95 : i32
          %parallel_loop3A_317 = arith.index_cast %parallel_loop3A_316 : i32 to index
          %parallel_loop3A_318 = arith.constant 112 : index
          %parallel_loop3A_319 = tpu.vector_load %arg12[%parallel_loop3A_317, %parallel_loop3A_318] {strides = array<i32>} : memref<80x128xf32, #tpu.memory_space<vmem>>, vector<16xf32>,
          %parallel_loop3A_320 = arith.addf %parallel_loop3A_314, %parallel_loop3A_319 : vector<16xf32>
          %parallel_loop3A_321 = arith.constant 48 : i32
          %parallel_loop3A_322 = arith.addi %parallel_loop3A_321, %parallel_loop3A_95 : i32
          %parallel_loop3A_323 = arith.index_cast %parallel_loop3A_322 : i32 to index
          %parallel_loop3A_324 = arith.constant 112 : index
          %parallel_loop3A_325 = tpu.vector_load %arg12[%parallel_loop3A_323, %parallel_loop3A_324] {strides = array<i32>} : memref<80x128xf32, #tpu.memory_space<vmem>>, vector<16xf32>,
          %parallel_loop3A_326 = arith.addf %parallel_loop3A_320, %parallel_loop3A_325 : vector<16xf32>
          %parallel_loop3A_327 = arith.constant 64 : i32
          %parallel_loop3A_328 = arith.addi %parallel_loop3A_327, %parallel_loop3A_95 : i32
          %parallel_loop3A_329 = arith.index_cast %parallel_loop3A_328 : i32 to index
          %parallel_loop3A_330 = arith.constant 112 : index
          %parallel_loop3A_331 = tpu.vector_load %arg12[%parallel_loop3A_329, %parallel_loop3A_330] {strides = array<i32>} : memref<80x128xf32, #tpu.memory_space<vmem>>, vector<16xf32>,
          %parallel_loop3A_332 = arith.addf %parallel_loop3A_326, %parallel_loop3A_331 : vector<16xf32>
          %parallel_loop3A_333 = arith.index_cast %parallel_loop3A_95 : i32 to index
          %parallel_loop3A_334 = arith.constant 112 : index
          %parallel_loop3A_335 = tpu.vector_load %arg14[%parallel_loop3A_333, %parallel_loop3A_334] {strides = array<i32>} : memref<16x128xf32, #tpu.memory_space<vmem>>, vector<16xf32>,
          tpu.vector_store %arg14[%parallel_loop3A_333, %parallel_loop3A_334], %parallel_loop3A_332 {strides = array<i32>} : memref<16x128xf32, #tpu.memory_space<vmem>>, vector<16xf32>,
        } {sc.loop_unroll_factor = 1 : i64, sc.parallel_access}
        %mul3A_89 = arith.constant 16 : i32
        %mul3A_90 = arith.muli %add3A_70, %mul3A_89 : i32
        %dma_start3A_91 = arith.constant 0 : i32
        %dma_start3A_92 = tpu.memref_slice %arg5[%mul3A_90, %dma_start3A_91] : memref<10000x128xf32, #tpu.memory_space<hbm>> -> memref<16x128xf32, #tpu.memory_space<hbm>>
        %dma_start3A_93 = arith.constant 0 : i32
        %dma_start3A_94 = tpu.memref_slice %arg5[%mul3A_90, %dma_start3A_93] : memref<10000x128xf32, #tpu.memory_space<hbm>> -> memref<16x128xf32, #tpu.memory_space<hbm>>
        tpu.enqueue_dma source(%arg14 : memref<16x128xf32, #tpu.memory_space<vmem>>) target(%dma_start3A_94 : memref<16x128xf32, #tpu.memory_space<hbm>>) target_semaphore(%arg18 : memref<!tpu.dma_semaphore, #tpu.memory_space<semaphore_mem>>)
      } else {
      }
    }
    %scan3A_15 = arith.constant 10 : i32
    %add3A_16 = arith.constant 608 : i32
    %add3A_17 = arith.addi %add3A, %add3A_16 : i32
    %lt3A = arith.constant 625 : i32
    %lt3A_18 = arith.cmpi slt, %add3A_17, %lt3A : i32
    %convert_element_type3A = arith.extui %lt3A_18 : i1 to i32
    %cond3A = arith.constant 0 : i32
    %cond3A_19 = arith.cmpi ne, %convert_element_type3A, %cond3A : i32
    scf.if %cond3A_19 {
      %dma_wait3A_31 = arith.constant 0 : i32
      %dma_wait3A_32 = arith.constant 0 : i32
      %dma_wait3A_33 = tpu.memref_slice %arg2[%dma_wait3A_31, %dma_wait3A_32] : memref<10000x128xf32, #tpu.memory_space<hbm>> -> memref<10000x128xf32, #tpu.memory_space<hbm>>
      tpu.wait_indirect_dma semaphore(%arg17 : memref<!tpu.dma_semaphore, #tpu.memory_space<semaphore_mem>>) src(%dma_wait3A_33 : memref<10000x128xf32, #tpu.memory_space<hbm>>) dst(%arg13 : memref<80x128xf32, #tpu.memory_space<vmem>>)
      %ge3A = arith.constant 64 : i32
      %ge3A_34 = arith.cmpi sge, %add3A_17, %ge3A : i32
      %convert_element_type3A_35 = arith.extui %ge3A_34 : i1 to i32
      %cond3A_36 = arith.constant 0 : i32
      %cond3A_37 = arith.cmpi ne, %convert_element_type3A_35, %cond3A_36 : i32
      scf.if %cond3A_37 {
        %sub3A = arith.constant 64 : i32
        %sub3A_46 = arith.subi %add3A_17, %sub3A : i32
        %mul3A_47 = arith.constant 16 : i32
        %mul3A_48 = arith.muli %sub3A_46, %mul3A_47 : i32
        %dma_wait3A_49 = arith.constant 0 : i32
        %dma_wait3A_50 = tpu.memref_slice %arg5[%mul3A_48, %dma_wait3A_49] : memref<10000x128xf32, #tpu.memory_space<hbm>> -> memref<16x128xf32, #tpu.memory_space<hbm>>
        %dma_wait3A_51 = arith.constant 0 : i32
        %dma_wait3A_52 = tpu.memref_slice %arg5[%mul3A_48, %dma_wait3A_51] : memref<10000x128xf32, #tpu.memory_space<hbm>> -> memref<16x128xf32, #tpu.memory_space<hbm>>
        tpu.wait_dma2 semaphore(%arg19 : memref<!tpu.dma_semaphore, #tpu.memory_space<semaphore_mem>>) src(%arg15 : memref<16x128xf32, #tpu.memory_space<vmem>>) dst(%dma_wait3A_52 : memref<16x128xf32, #tpu.memory_space<hbm>>)
      } else {
      }
      %parallel_loop3A = arith.constant 0 : i32
      %parallel_loop3A_38 = arith.constant 16 : i32
      %parallel_loop3A_39 = arith.constant 1 : i32
      scf.for %parallel_loop3A_46 = %parallel_loop3A to %parallel_loop3A_38 step %parallel_loop3A_39  : i32 {
        %parallel_loop3A_47 = arith.index_cast %parallel_loop3A_46 : i32 to index
        %parallel_loop3A_48 = arith.constant 0 : index
        %parallel_loop3A_49 = tpu.vector_load %arg13[%parallel_loop3A_47, %parallel_loop3A_48] {strides = array<i32>} : memref<80x128xf32, #tpu.memory_space<vmem>>, vector<16xf32>,
        %parallel_loop3A_50 = arith.constant 16 : i32
        %parallel_loop3A_51 = arith.addi %parallel_loop3A_50, %parallel_loop3A_46 : i32
        %parallel_loop3A_52 = arith.index_cast %parallel_loop3A_51 : i32 to index
        %parallel_loop3A_53 = arith.constant 0 : index
        %parallel_loop3A_54 = tpu.vector_load %arg13[%parallel_loop3A_52, %parallel_loop3A_53] {strides = array<i32>} : memref<80x128xf32, #tpu.memory_space<vmem>>, vector<16xf32>,
        %parallel_loop3A_55 = arith.addf %parallel_loop3A_49, %parallel_loop3A_54 : vector<16xf32>
        %parallel_loop3A_56 = arith.constant 32 : i32
        %parallel_loop3A_57 = arith.addi %parallel_loop3A_56, %parallel_loop3A_46 : i32
        %parallel_loop3A_58 = arith.index_cast %parallel_loop3A_57 : i32 to index
        %parallel_loop3A_59 = arith.constant 0 : index
        %parallel_loop3A_60 = tpu.vector_load %arg13[%parallel_loop3A_58, %parallel_loop3A_59] {strides = array<i32>} : memref<80x128xf32, #tpu.memory_space<vmem>>, vector<16xf32>,
        %parallel_loop3A_61 = arith.addf %parallel_loop3A_55, %parallel_loop3A_60 : vector<16xf32>
        %parallel_loop3A_62 = arith.constant 48 : i32
        %parallel_loop3A_63 = arith.addi %parallel_loop3A_62, %parallel_loop3A_46 : i32
        %parallel_loop3A_64 = arith.index_cast %parallel_loop3A_63 : i32 to index
        %parallel_loop3A_65 = arith.constant 0 : index
        %parallel_loop3A_66 = tpu.vector_load %arg13[%parallel_loop3A_64, %parallel_loop3A_65] {strides = array<i32>} : memref<80x128xf32, #tpu.memory_space<vmem>>, vector<16xf32>,
        %parallel_loop3A_67 = arith.addf %parallel_loop3A_61, %parallel_loop3A_66 : vector<16xf32>
        %parallel_loop3A_68 = arith.constant 64 : i32
        %parallel_loop3A_69 = arith.addi %parallel_loop3A_68, %parallel_loop3A_46 : i32
        %parallel_loop3A_70 = arith.index_cast %parallel_loop3A_69 : i32 to index
        %parallel_loop3A_71 = arith.constant 0 : index
        %parallel_loop3A_72 = tpu.vector_load %arg13[%parallel_loop3A_70, %parallel_loop3A_71] {strides = array<i32>} : memref<80x128xf32, #tpu.memory_space<vmem>>, vector<16xf32>,
        %parallel_loop3A_73 = arith.addf %parallel_loop3A_67, %parallel_loop3A_72 : vector<16xf32>
        %parallel_loop3A_74 = arith.index_cast %parallel_loop3A_46 : i32 to index
        %parallel_loop3A_75 = arith.constant 0 : index
        %parallel_loop3A_76 = tpu.vector_load %arg15[%parallel_loop3A_74, %parallel_loop3A_75] {strides = array<i32>} : memref<16x128xf32, #tpu.memory_space<vmem>>, vector<16xf32>,
        tpu.vector_store %arg15[%parallel_loop3A_74, %parallel_loop3A_75], %parallel_loop3A_73 {strides = array<i32>} : memref<16x128xf32, #tpu.memory_space<vmem>>, vector<16xf32>,
        %parallel_loop3A_77 = arith.index_cast %parallel_loop3A_46 : i32 to index
        %parallel_loop3A_78 = arith.constant 16 : index
        %parallel_loop3A_79 = tpu.vector_load %arg13[%parallel_loop3A_77, %parallel_loop3A_78] {strides = array<i32>} : memref<80x128xf32, #tpu.memory_space<vmem>>, vector<16xf32>,
        %parallel_loop3A_80 = arith.constant 16 : i32
        %parallel_loop3A_81 = arith.addi %parallel_loop3A_80, %parallel_loop3A_46 : i32
        %parallel_loop3A_82 = arith.index_cast %parallel_loop3A_81 : i32 to index
        %parallel_loop3A_83 = arith.constant 16 : index
        %parallel_loop3A_84 = tpu.vector_load %arg13[%parallel_loop3A_82, %parallel_loop3A_83] {strides = array<i32>} : memref<80x128xf32, #tpu.memory_space<vmem>>, vector<16xf32>,
        %parallel_loop3A_85 = arith.addf %parallel_loop3A_79, %parallel_loop3A_84 : vector<16xf32>
        %parallel_loop3A_86 = arith.constant 32 : i32
        %parallel_loop3A_87 = arith.addi %parallel_loop3A_86, %parallel_loop3A_46 : i32
        %parallel_loop3A_88 = arith.index_cast %parallel_loop3A_87 : i32 to index
        %parallel_loop3A_89 = arith.constant 16 : index
        %parallel_loop3A_90 = tpu.vector_load %arg13[%parallel_loop3A_88, %parallel_loop3A_89] {strides = array<i32>} : memref<80x128xf32, #tpu.memory_space<vmem>>, vector<16xf32>,
        %parallel_loop3A_91 = arith.addf %parallel_loop3A_85, %parallel_loop3A_90 : vector<16xf32>
        %parallel_loop3A_92 = arith.constant 48 : i32
        %parallel_loop3A_93 = arith.addi %parallel_loop3A_92, %parallel_loop3A_46 : i32
        %parallel_loop3A_94 = arith.index_cast %parallel_loop3A_93 : i32 to index
        %parallel_loop3A_95 = arith.constant 16 : index
        %parallel_loop3A_96 = tpu.vector_load %arg13[%parallel_loop3A_94, %parallel_loop3A_95] {strides = array<i32>} : memref<80x128xf32, #tpu.memory_space<vmem>>, vector<16xf32>,
        %parallel_loop3A_97 = arith.addf %parallel_loop3A_91, %parallel_loop3A_96 : vector<16xf32>
        %parallel_loop3A_98 = arith.constant 64 : i32
        %parallel_loop3A_99 = arith.addi %parallel_loop3A_98, %parallel_loop3A_46 : i32
        %parallel_loop3A_100 = arith.index_cast %parallel_loop3A_99 : i32 to index
        %parallel_loop3A_101 = arith.constant 16 : index
        %parallel_loop3A_102 = tpu.vector_load %arg13[%parallel_loop3A_100, %parallel_loop3A_101] {strides = array<i32>} : memref<80x128xf32, #tpu.memory_space<vmem>>, vector<16xf32>,
        %parallel_loop3A_103 = arith.addf %parallel_loop3A_97, %parallel_loop3A_102 : vector<16xf32>
        %parallel_loop3A_104 = arith.index_cast %parallel_loop3A_46 : i32 to index
        %parallel_loop3A_105 = arith.constant 16 : index
        %parallel_loop3A_106 = tpu.vector_load %arg15[%parallel_loop3A_104, %parallel_loop3A_105] {strides = array<i32>} : memref<16x128xf32, #tpu.memory_space<vmem>>, vector<16xf32>,
        tpu.vector_store %arg15[%parallel_loop3A_104, %parallel_loop3A_105], %parallel_loop3A_103 {strides = array<i32>} : memref<16x128xf32, #tpu.memory_space<vmem>>, vector<16xf32>,
        %parallel_loop3A_107 = arith.index_cast %parallel_loop3A_46 : i32 to index
        %parallel_loop3A_108 = arith.constant 32 : index
        %parallel_loop3A_109 = tpu.vector_load %arg13[%parallel_loop3A_107, %parallel_loop3A_108] {strides = array<i32>} : memref<80x128xf32, #tpu.memory_space<vmem>>, vector<16xf32>,
        %parallel_loop3A_110 = arith.constant 16 : i32
        %parallel_loop3A_111 = arith.addi %parallel_loop3A_110, %parallel_loop3A_46 : i32
        %parallel_loop3A_112 = arith.index_cast %parallel_loop3A_111 : i32 to index
        %parallel_loop3A_113 = arith.constant 32 : index
        %parallel_loop3A_114 = tpu.vector_load %arg13[%parallel_loop3A_112, %parallel_loop3A_113] {strides = array<i32>} : memref<80x128xf32, #tpu.memory_space<vmem>>, vector<16xf32>,
        %parallel_loop3A_115 = arith.addf %parallel_loop3A_109, %parallel_loop3A_114 : vector<16xf32>
        %parallel_loop3A_116 = arith.constant 32 : i32
        %parallel_loop3A_117 = arith.addi %parallel_loop3A_116, %parallel_loop3A_46 : i32
        %parallel_loop3A_118 = arith.index_cast %parallel_loop3A_117 : i32 to index
        %parallel_loop3A_119 = arith.constant 32 : index
        %parallel_loop3A_120 = tpu.vector_load %arg13[%parallel_loop3A_118, %parallel_loop3A_119] {strides = array<i32>} : memref<80x128xf32, #tpu.memory_space<vmem>>, vector<16xf32>,
        %parallel_loop3A_121 = arith.addf %parallel_loop3A_115, %parallel_loop3A_120 : vector<16xf32>
        %parallel_loop3A_122 = arith.constant 48 : i32
        %parallel_loop3A_123 = arith.addi %parallel_loop3A_122, %parallel_loop3A_46 : i32
        %parallel_loop3A_124 = arith.index_cast %parallel_loop3A_123 : i32 to index
        %parallel_loop3A_125 = arith.constant 32 : index
        %parallel_loop3A_126 = tpu.vector_load %arg13[%parallel_loop3A_124, %parallel_loop3A_125] {strides = array<i32>} : memref<80x128xf32, #tpu.memory_space<vmem>>, vector<16xf32>,
        %parallel_loop3A_127 = arith.addf %parallel_loop3A_121, %parallel_loop3A_126 : vector<16xf32>
        %parallel_loop3A_128 = arith.constant 64 : i32
        %parallel_loop3A_129 = arith.addi %parallel_loop3A_128, %parallel_loop3A_46 : i32
        %parallel_loop3A_130 = arith.index_cast %parallel_loop3A_129 : i32 to index
        %parallel_loop3A_131 = arith.constant 32 : index
        %parallel_loop3A_132 = tpu.vector_load %arg13[%parallel_loop3A_130, %parallel_loop3A_131] {strides = array<i32>} : memref<80x128xf32, #tpu.memory_space<vmem>>, vector<16xf32>,
        %parallel_loop3A_133 = arith.addf %parallel_loop3A_127, %parallel_loop3A_132 : vector<16xf32>
        %parallel_loop3A_134 = arith.index_cast %parallel_loop3A_46 : i32 to index
        %parallel_loop3A_135 = arith.constant 32 : index
        %parallel_loop3A_136 = tpu.vector_load %arg15[%parallel_loop3A_134, %parallel_loop3A_135] {strides = array<i32>} : memref<16x128xf32, #tpu.memory_space<vmem>>, vector<16xf32>,
        tpu.vector_store %arg15[%parallel_loop3A_134, %parallel_loop3A_135], %parallel_loop3A_133 {strides = array<i32>} : memref<16x128xf32, #tpu.memory_space<vmem>>, vector<16xf32>,
        %parallel_loop3A_137 = arith.index_cast %parallel_loop3A_46 : i32 to index
        %parallel_loop3A_138 = arith.constant 48 : index
        %parallel_loop3A_139 = tpu.vector_load %arg13[%parallel_loop3A_137, %parallel_loop3A_138] {strides = array<i32>} : memref<80x128xf32, #tpu.memory_space<vmem>>, vector<16xf32>,
        %parallel_loop3A_140 = arith.constant 16 : i32
        %parallel_loop3A_141 = arith.addi %parallel_loop3A_140, %parallel_loop3A_46 : i32
        %parallel_loop3A_142 = arith.index_cast %parallel_loop3A_141 : i32 to index
        %parallel_loop3A_143 = arith.constant 48 : index
        %parallel_loop3A_144 = tpu.vector_load %arg13[%parallel_loop3A_142, %parallel_loop3A_143] {strides = array<i32>} : memref<80x128xf32, #tpu.memory_space<vmem>>, vector<16xf32>,
        %parallel_loop3A_145 = arith.addf %parallel_loop3A_139, %parallel_loop3A_144 : vector<16xf32>
        %parallel_loop3A_146 = arith.constant 32 : i32
        %parallel_loop3A_147 = arith.addi %parallel_loop3A_146, %parallel_loop3A_46 : i32
        %parallel_loop3A_148 = arith.index_cast %parallel_loop3A_147 : i32 to index
        %parallel_loop3A_149 = arith.constant 48 : index
        %parallel_loop3A_150 = tpu.vector_load %arg13[%parallel_loop3A_148, %parallel_loop3A_149] {strides = array<i32>} : memref<80x128xf32, #tpu.memory_space<vmem>>, vector<16xf32>,
        %parallel_loop3A_151 = arith.addf %parallel_loop3A_145, %parallel_loop3A_150 : vector<16xf32>
        %parallel_loop3A_152 = arith.constant 48 : i32
        %parallel_loop3A_153 = arith.addi %parallel_loop3A_152, %parallel_loop3A_46 : i32
        %parallel_loop3A_154 = arith.index_cast %parallel_loop3A_153 : i32 to index
        %parallel_loop3A_155 = arith.constant 48 : index
        %parallel_loop3A_156 = tpu.vector_load %arg13[%parallel_loop3A_154, %parallel_loop3A_155] {strides = array<i32>} : memref<80x128xf32, #tpu.memory_space<vmem>>, vector<16xf32>,
        %parallel_loop3A_157 = arith.addf %parallel_loop3A_151, %parallel_loop3A_156 : vector<16xf32>
        %parallel_loop3A_158 = arith.constant 64 : i32
        %parallel_loop3A_159 = arith.addi %parallel_loop3A_158, %parallel_loop3A_46 : i32
        %parallel_loop3A_160 = arith.index_cast %parallel_loop3A_159 : i32 to index
        %parallel_loop3A_161 = arith.constant 48 : index
        %parallel_loop3A_162 = tpu.vector_load %arg13[%parallel_loop3A_160, %parallel_loop3A_161] {strides = array<i32>} : memref<80x128xf32, #tpu.memory_space<vmem>>, vector<16xf32>,
        %parallel_loop3A_163 = arith.addf %parallel_loop3A_157, %parallel_loop3A_162 : vector<16xf32>
        %parallel_loop3A_164 = arith.index_cast %parallel_loop3A_46 : i32 to index
        %parallel_loop3A_165 = arith.constant 48 : index
        %parallel_loop3A_166 = tpu.vector_load %arg15[%parallel_loop3A_164, %parallel_loop3A_165] {strides = array<i32>} : memref<16x128xf32, #tpu.memory_space<vmem>>, vector<16xf32>,
        tpu.vector_store %arg15[%parallel_loop3A_164, %parallel_loop3A_165], %parallel_loop3A_163 {strides = array<i32>} : memref<16x128xf32, #tpu.memory_space<vmem>>, vector<16xf32>,
        %parallel_loop3A_167 = arith.index_cast %parallel_loop3A_46 : i32 to index
        %parallel_loop3A_168 = arith.constant 64 : index
        %parallel_loop3A_169 = tpu.vector_load %arg13[%parallel_loop3A_167, %parallel_loop3A_168] {strides = array<i32>} : memref<80x128xf32, #tpu.memory_space<vmem>>, vector<16xf32>,
        %parallel_loop3A_170 = arith.constant 16 : i32
        %parallel_loop3A_171 = arith.addi %parallel_loop3A_170, %parallel_loop3A_46 : i32
        %parallel_loop3A_172 = arith.index_cast %parallel_loop3A_171 : i32 to index
        %parallel_loop3A_173 = arith.constant 64 : index
        %parallel_loop3A_174 = tpu.vector_load %arg13[%parallel_loop3A_172, %parallel_loop3A_173] {strides = array<i32>} : memref<80x128xf32, #tpu.memory_space<vmem>>, vector<16xf32>,
        %parallel_loop3A_175 = arith.addf %parallel_loop3A_169, %parallel_loop3A_174 : vector<16xf32>
        %parallel_loop3A_176 = arith.constant 32 : i32
        %parallel_loop3A_177 = arith.addi %parallel_loop3A_176, %parallel_loop3A_46 : i32
        %parallel_loop3A_178 = arith.index_cast %parallel_loop3A_177 : i32 to index
        %parallel_loop3A_179 = arith.constant 64 : index
        %parallel_loop3A_180 = tpu.vector_load %arg13[%parallel_loop3A_178, %parallel_loop3A_179] {strides = array<i32>} : memref<80x128xf32, #tpu.memory_space<vmem>>, vector<16xf32>,
        %parallel_loop3A_181 = arith.addf %parallel_loop3A_175, %parallel_loop3A_180 : vector<16xf32>
        %parallel_loop3A_182 = arith.constant 48 : i32
        %parallel_loop3A_183 = arith.addi %parallel_loop3A_182, %parallel_loop3A_46 : i32
        %parallel_loop3A_184 = arith.index_cast %parallel_loop3A_183 : i32 to index
        %parallel_loop3A_185 = arith.constant 64 : index
        %parallel_loop3A_186 = tpu.vector_load %arg13[%parallel_loop3A_184, %parallel_loop3A_185] {strides = array<i32>} : memref<80x128xf32, #tpu.memory_space<vmem>>, vector<16xf32>,
        %parallel_loop3A_187 = arith.addf %parallel_loop3A_181, %parallel_loop3A_186 : vector<16xf32>
        %parallel_loop3A_188 = arith.constant 64 : i32
        %parallel_loop3A_189 = arith.addi %parallel_loop3A_188, %parallel_loop3A_46 : i32
        %parallel_loop3A_190 = arith.index_cast %parallel_loop3A_189 : i32 to index
        %parallel_loop3A_191 = arith.constant 64 : index
        %parallel_loop3A_192 = tpu.vector_load %arg13[%parallel_loop3A_190, %parallel_loop3A_191] {strides = array<i32>} : memref<80x128xf32, #tpu.memory_space<vmem>>, vector<16xf32>,
        %parallel_loop3A_193 = arith.addf %parallel_loop3A_187, %parallel_loop3A_192 : vector<16xf32>
        %parallel_loop3A_194 = arith.index_cast %parallel_loop3A_46 : i32 to index
        %parallel_loop3A_195 = arith.constant 64 : index
        %parallel_loop3A_196 = tpu.vector_load %arg15[%parallel_loop3A_194, %parallel_loop3A_195] {strides = array<i32>} : memref<16x128xf32, #tpu.memory_space<vmem>>, vector<16xf32>,
        tpu.vector_store %arg15[%parallel_loop3A_194, %parallel_loop3A_195], %parallel_loop3A_193 {strides = array<i32>} : memref<16x128xf32, #tpu.memory_space<vmem>>, vector<16xf32>,
        %parallel_loop3A_197 = arith.index_cast %parallel_loop3A_46 : i32 to index
        %parallel_loop3A_198 = arith.constant 80 : index
        %parallel_loop3A_199 = tpu.vector_load %arg13[%parallel_loop3A_197, %parallel_loop3A_198] {strides = array<i32>} : memref<80x128xf32, #tpu.memory_space<vmem>>, vector<16xf32>,
        %parallel_loop3A_200 = arith.constant 16 : i32
        %parallel_loop3A_201 = arith.addi %parallel_loop3A_200, %parallel_loop3A_46 : i32
        %parallel_loop3A_202 = arith.index_cast %parallel_loop3A_201 : i32 to index
        %parallel_loop3A_203 = arith.constant 80 : index
        %parallel_loop3A_204 = tpu.vector_load %arg13[%parallel_loop3A_202, %parallel_loop3A_203] {strides = array<i32>} : memref<80x128xf32, #tpu.memory_space<vmem>>, vector<16xf32>,
        %parallel_loop3A_205 = arith.addf %parallel_loop3A_199, %parallel_loop3A_204 : vector<16xf32>
        %parallel_loop3A_206 = arith.constant 32 : i32
        %parallel_loop3A_207 = arith.addi %parallel_loop3A_206, %parallel_loop3A_46 : i32
        %parallel_loop3A_208 = arith.index_cast %parallel_loop3A_207 : i32 to index
        %parallel_loop3A_209 = arith.constant 80 : index
        %parallel_loop3A_210 = tpu.vector_load %arg13[%parallel_loop3A_208, %parallel_loop3A_209] {strides = array<i32>} : memref<80x128xf32, #tpu.memory_space<vmem>>, vector<16xf32>,
        %parallel_loop3A_211 = arith.addf %parallel_loop3A_205, %parallel_loop3A_210 : vector<16xf32>
        %parallel_loop3A_212 = arith.constant 48 : i32
        %parallel_loop3A_213 = arith.addi %parallel_loop3A_212, %parallel_loop3A_46 : i32
        %parallel_loop3A_214 = arith.index_cast %parallel_loop3A_213 : i32 to index
        %parallel_loop3A_215 = arith.constant 80 : index
        %parallel_loop3A_216 = tpu.vector_load %arg13[%parallel_loop3A_214, %parallel_loop3A_215] {strides = array<i32>} : memref<80x128xf32, #tpu.memory_space<vmem>>, vector<16xf32>,
        %parallel_loop3A_217 = arith.addf %parallel_loop3A_211, %parallel_loop3A_216 : vector<16xf32>
        %parallel_loop3A_218 = arith.constant 64 : i32
        %parallel_loop3A_219 = arith.addi %parallel_loop3A_218, %parallel_loop3A_46 : i32
        %parallel_loop3A_220 = arith.index_cast %parallel_loop3A_219 : i32 to index
        %parallel_loop3A_221 = arith.constant 80 : index
        %parallel_loop3A_222 = tpu.vector_load %arg13[%parallel_loop3A_220, %parallel_loop3A_221] {strides = array<i32>} : memref<80x128xf32, #tpu.memory_space<vmem>>, vector<16xf32>,
        %parallel_loop3A_223 = arith.addf %parallel_loop3A_217, %parallel_loop3A_222 : vector<16xf32>
        %parallel_loop3A_224 = arith.index_cast %parallel_loop3A_46 : i32 to index
        %parallel_loop3A_225 = arith.constant 80 : index
        %parallel_loop3A_226 = tpu.vector_load %arg15[%parallel_loop3A_224, %parallel_loop3A_225] {strides = array<i32>} : memref<16x128xf32, #tpu.memory_space<vmem>>, vector<16xf32>,
        tpu.vector_store %arg15[%parallel_loop3A_224, %parallel_loop3A_225], %parallel_loop3A_223 {strides = array<i32>} : memref<16x128xf32, #tpu.memory_space<vmem>>, vector<16xf32>,
        %parallel_loop3A_227 = arith.index_cast %parallel_loop3A_46 : i32 to index
        %parallel_loop3A_228 = arith.constant 96 : index
        %parallel_loop3A_229 = tpu.vector_load %arg13[%parallel_loop3A_227, %parallel_loop3A_228] {strides = array<i32>} : memref<80x128xf32, #tpu.memory_space<vmem>>, vector<16xf32>,
        %parallel_loop3A_230 = arith.constant 16 : i32
        %parallel_loop3A_231 = arith.addi %parallel_loop3A_230, %parallel_loop3A_46 : i32
        %parallel_loop3A_232 = arith.index_cast %parallel_loop3A_231 : i32 to index
        %parallel_loop3A_233 = arith.constant 96 : index
        %parallel_loop3A_234 = tpu.vector_load %arg13[%parallel_loop3A_232, %parallel_loop3A_233] {strides = array<i32>} : memref<80x128xf32, #tpu.memory_space<vmem>>, vector<16xf32>,
        %parallel_loop3A_235 = arith.addf %parallel_loop3A_229, %parallel_loop3A_234 : vector<16xf32>
        %parallel_loop3A_236 = arith.constant 32 : i32
        %parallel_loop3A_237 = arith.addi %parallel_loop3A_236, %parallel_loop3A_46 : i32
        %parallel_loop3A_238 = arith.index_cast %parallel_loop3A_237 : i32 to index
        %parallel_loop3A_239 = arith.constant 96 : index
        %parallel_loop3A_240 = tpu.vector_load %arg13[%parallel_loop3A_238, %parallel_loop3A_239] {strides = array<i32>} : memref<80x128xf32, #tpu.memory_space<vmem>>, vector<16xf32>,
        %parallel_loop3A_241 = arith.addf %parallel_loop3A_235, %parallel_loop3A_240 : vector<16xf32>
        %parallel_loop3A_242 = arith.constant 48 : i32
        %parallel_loop3A_243 = arith.addi %parallel_loop3A_242, %parallel_loop3A_46 : i32
        %parallel_loop3A_244 = arith.index_cast %parallel_loop3A_243 : i32 to index
        %parallel_loop3A_245 = arith.constant 96 : index
        %parallel_loop3A_246 = tpu.vector_load %arg13[%parallel_loop3A_244, %parallel_loop3A_245] {strides = array<i32>} : memref<80x128xf32, #tpu.memory_space<vmem>>, vector<16xf32>,
        %parallel_loop3A_247 = arith.addf %parallel_loop3A_241, %parallel_loop3A_246 : vector<16xf32>
        %parallel_loop3A_248 = arith.constant 64 : i32
        %parallel_loop3A_249 = arith.addi %parallel_loop3A_248, %parallel_loop3A_46 : i32
        %parallel_loop3A_250 = arith.index_cast %parallel_loop3A_249 : i32 to index
        %parallel_loop3A_251 = arith.constant 96 : index
        %parallel_loop3A_252 = tpu.vector_load %arg13[%parallel_loop3A_250, %parallel_loop3A_251] {strides = array<i32>} : memref<80x128xf32, #tpu.memory_space<vmem>>, vector<16xf32>,
        %parallel_loop3A_253 = arith.addf %parallel_loop3A_247, %parallel_loop3A_252 : vector<16xf32>
        %parallel_loop3A_254 = arith.index_cast %parallel_loop3A_46 : i32 to index
        %parallel_loop3A_255 = arith.constant 96 : index
        %parallel_loop3A_256 = tpu.vector_load %arg15[%parallel_loop3A_254, %parallel_loop3A_255] {strides = array<i32>} : memref<16x128xf32, #tpu.memory_space<vmem>>, vector<16xf32>,
        tpu.vector_store %arg15[%parallel_loop3A_254, %parallel_loop3A_255], %parallel_loop3A_253 {strides = array<i32>} : memref<16x128xf32, #tpu.memory_space<vmem>>, vector<16xf32>,
        %parallel_loop3A_257 = arith.index_cast %parallel_loop3A_46 : i32 to index
        %parallel_loop3A_258 = arith.constant 112 : index
        %parallel_loop3A_259 = tpu.vector_load %arg13[%parallel_loop3A_257, %parallel_loop3A_258] {strides = array<i32>} : memref<80x128xf32, #tpu.memory_space<vmem>>, vector<16xf32>,
        %parallel_loop3A_260 = arith.constant 16 : i32
        %parallel_loop3A_261 = arith.addi %parallel_loop3A_260, %parallel_loop3A_46 : i32
        %parallel_loop3A_262 = arith.index_cast %parallel_loop3A_261 : i32 to index
        %parallel_loop3A_263 = arith.constant 112 : index
        %parallel_loop3A_264 = tpu.vector_load %arg13[%parallel_loop3A_262, %parallel_loop3A_263] {strides = array<i32>} : memref<80x128xf32, #tpu.memory_space<vmem>>, vector<16xf32>,
        %parallel_loop3A_265 = arith.addf %parallel_loop3A_259, %parallel_loop3A_264 : vector<16xf32>
        %parallel_loop3A_266 = arith.constant 32 : i32
        %parallel_loop3A_267 = arith.addi %parallel_loop3A_266, %parallel_loop3A_46 : i32
        %parallel_loop3A_268 = arith.index_cast %parallel_loop3A_267 : i32 to index
        %parallel_loop3A_269 = arith.constant 112 : index
        %parallel_loop3A_270 = tpu.vector_load %arg13[%parallel_loop3A_268, %parallel_loop3A_269] {strides = array<i32>} : memref<80x128xf32, #tpu.memory_space<vmem>>, vector<16xf32>,
        %parallel_loop3A_271 = arith.addf %parallel_loop3A_265, %parallel_loop3A_270 : vector<16xf32>
        %parallel_loop3A_272 = arith.constant 48 : i32
        %parallel_loop3A_273 = arith.addi %parallel_loop3A_272, %parallel_loop3A_46 : i32
        %parallel_loop3A_274 = arith.index_cast %parallel_loop3A_273 : i32 to index
        %parallel_loop3A_275 = arith.constant 112 : index
        %parallel_loop3A_276 = tpu.vector_load %arg13[%parallel_loop3A_274, %parallel_loop3A_275] {strides = array<i32>} : memref<80x128xf32, #tpu.memory_space<vmem>>, vector<16xf32>,
        %parallel_loop3A_277 = arith.addf %parallel_loop3A_271, %parallel_loop3A_276 : vector<16xf32>
        %parallel_loop3A_278 = arith.constant 64 : i32
        %parallel_loop3A_279 = arith.addi %parallel_loop3A_278, %parallel_loop3A_46 : i32
        %parallel_loop3A_280 = arith.index_cast %parallel_loop3A_279 : i32 to index
        %parallel_loop3A_281 = arith.constant 112 : index
        %parallel_loop3A_282 = tpu.vector_load %arg13[%parallel_loop3A_280, %parallel_loop3A_281] {strides = array<i32>} : memref<80x128xf32, #tpu.memory_space<vmem>>, vector<16xf32>,
        %parallel_loop3A_283 = arith.addf %parallel_loop3A_277, %parallel_loop3A_282 : vector<16xf32>
        %parallel_loop3A_284 = arith.index_cast %parallel_loop3A_46 : i32 to index
        %parallel_loop3A_285 = arith.constant 112 : index
        %parallel_loop3A_286 = tpu.vector_load %arg15[%parallel_loop3A_284, %parallel_loop3A_285] {strides = array<i32>} : memref<16x128xf32, #tpu.memory_space<vmem>>, vector<16xf32>,
        tpu.vector_store %arg15[%parallel_loop3A_284, %parallel_loop3A_285], %parallel_loop3A_283 {strides = array<i32>} : memref<16x128xf32, #tpu.memory_space<vmem>>, vector<16xf32>,
      } {sc.loop_unroll_factor = 1 : i64, sc.parallel_access}
      %mul3A_40 = arith.constant 16 : i32
      %mul3A_41 = arith.muli %add3A_17, %mul3A_40 : i32
      %dma_start3A_42 = arith.constant 0 : i32
      %dma_start3A_43 = tpu.memref_slice %arg5[%mul3A_41, %dma_start3A_42] : memref<10000x128xf32, #tpu.memory_space<hbm>> -> memref<16x128xf32, #tpu.memory_space<hbm>>
      %dma_start3A_44 = arith.constant 0 : i32
      %dma_start3A_45 = tpu.memref_slice %arg5[%mul3A_41, %dma_start3A_44] : memref<10000x128xf32, #tpu.memory_space<hbm>> -> memref<16x128xf32, #tpu.memory_space<hbm>>
      tpu.enqueue_dma source(%arg15 : memref<16x128xf32, #tpu.memory_space<vmem>>) target(%dma_start3A_45 : memref<16x128xf32, #tpu.memory_space<hbm>>) target_semaphore(%arg19 : memref<!tpu.dma_semaphore, #tpu.memory_space<semaphore_mem>>)
    } else {
    }
    %dma_wait3A = arith.constant 0 : i32
    %dma_wait3A_20 = arith.constant 0 : i32
    %dma_wait3A_21 = tpu.memref_slice %arg5[%dma_wait3A, %dma_wait3A_20] : memref<10000x128xf32, #tpu.memory_space<hbm>> -> memref<16x128xf32, #tpu.memory_space<hbm>>
    %dma_wait3A_22 = arith.constant 0 : i32
    %dma_wait3A_23 = arith.constant 0 : i32
    %dma_wait3A_24 = tpu.memref_slice %arg5[%dma_wait3A_22, %dma_wait3A_23] : memref<10000x128xf32, #tpu.memory_space<hbm>> -> memref<16x128xf32, #tpu.memory_space<hbm>>
    tpu.wait_dma2 semaphore(%arg18 : memref<!tpu.dma_semaphore, #tpu.memory_space<semaphore_mem>>) src(%arg14 : memref<16x128xf32, #tpu.memory_space<vmem>>) dst(%dma_wait3A_24 : memref<16x128xf32, #tpu.memory_space<hbm>>)
    %dma_wait3A_25 = arith.constant 0 : i32
    %dma_wait3A_26 = arith.constant 0 : i32
    %dma_wait3A_27 = tpu.memref_slice %arg5[%dma_wait3A_25, %dma_wait3A_26] : memref<10000x128xf32, #tpu.memory_space<hbm>> -> memref<16x128xf32, #tpu.memory_space<hbm>>
    %dma_wait3A_28 = arith.constant 0 : i32
    %dma_wait3A_29 = arith.constant 0 : i32
    %dma_wait3A_30 = tpu.memref_slice %arg5[%dma_wait3A_28, %dma_wait3A_29] : memref<10000x128xf32, #tpu.memory_space<hbm>> -> memref<16x128xf32, #tpu.memory_space<hbm>>
    tpu.wait_dma2 semaphore(%arg19 : memref<!tpu.dma_semaphore, #tpu.memory_space<semaphore_mem>>) src(%arg15 : memref<16x128xf32, #tpu.memory_space<vmem>>) dst(%dma_wait3A_30 : memref<16x128xf32, #tpu.memory_space<hbm>>)
    return
  }
}

module attributes {stable_mosaic.version = 14 : i64} {
  func.func @_out_body(%arg0: i32, %arg1: memref<2000x128xf32, #tpu.memory_space<vmem>>, %arg2: memref<2000x128xf32, #tpu.memory_space<vmem>>, %arg3: memref<128x128xf32, #tpu.memory_space<vmem>>, %arg4: memref<1x128xf32, #tpu.memory_space<vmem>>, %arg5: memref<2000x128xf32, #tpu.memory_space<vmem>>) attributes {dimension_semantics = [#tpu.dimension_semantics<arbitrary>], iteration_bounds = array<i64: 5>, scalar_prefetch = 0 : i64, scratch_operands = 0 : i64, tpu.core_type = #tpu.core_type<tc>, window_params = [{transform_indices = @transform_0, window_bounds = array<i64: 2000, 128>}, {transform_indices = @transform_1, window_bounds = array<i64: 2000, 128>}, {pipeline_mode = #tpu.pipeline_mode<synchronous>, transform_indices = @transform_2, window_bounds = array<i64: 128, 128>}, {pipeline_mode = #tpu.pipeline_mode<synchronous>, transform_indices = @transform_3, window_bounds = array<i64: 1, 128>}, {transform_indices = @transform_4, window_bounds = array<i64: 2000, 128>}]} {
    %get3A = arith.constant 0 : index
    %get3A_0 = arith.constant 0 : index
    %get3A_1 = vector.load %arg1[%get3A, %get3A_0] : memref<2000x128xf32, #tpu.memory_space<vmem>>, vector<2000x128xf32>
    %get3A_2 = arith.constant 0 : index
    %get3A_3 = arith.constant 0 : index
    %get3A_4 = vector.load %arg2[%get3A_2, %get3A_3] : memref<2000x128xf32, #tpu.memory_space<vmem>>, vector<2000x128xf32>
    %mul3A = arith.constant 2.000000e-01 : f32
    %mul3A_5 = vector.broadcast %mul3A : f32 to vector<2000x128xf32>
    %mul3A_6 = arith.mulf %get3A_4, %mul3A_5 : vector<2000x128xf32>
    %add3A = arith.addf %get3A_1, %mul3A_6 : vector<2000x128xf32>
    %convert_element_type3A = arith.truncf %add3A : vector<2000x128xf32> to vector<2000x128xbf16>
    %get3A_7 = arith.constant 0 : index
    %get3A_8 = arith.constant 0 : index
    %get3A_9 = vector.load %arg3[%get3A_7, %get3A_8] : memref<128x128xf32, #tpu.memory_space<vmem>>, vector<128x128xf32>
    %convert_element_type3A_10 = arith.truncf %get3A_9 : vector<128x128xf32> to vector<128x128xbf16>
    %dot_general3A = arith.constant dense<0.000000e+00> : vector<2000x128xf32>
    %dot_general3A_11 = tpu.matmul %convert_element_type3A, %convert_element_type3A_10, %dot_general3A {dimension_numbers = #tpu.dot_dimension_numbers<[1], [1], [0], [0], [0, 0, 1, 0], [], []>, transpose_lhs_hint = false} : vector<2000x128xbf16>, vector<128x128xbf16>, vector<2000x128xf32> -> vector<2000x128xf32>
    %get3A_12 = arith.constant 0 : index
    %get3A_13 = arith.constant 0 : index
    %get3A_14 = vector.load %arg4[%get3A_12, %get3A_13] : memref<1x128xf32, #tpu.memory_space<vmem>>, vector<1x128xf32>
    %add3A_15 = vector.broadcast %get3A_14 : vector<1x128xf32> to vector<2000x128xf32>
    %add3A_16 = arith.addf %dot_general3A_11, %add3A_15 : vector<2000x128xf32>
    %swap3A = arith.constant 0 : index
    %swap3A_17 = arith.constant 0 : index
    %swap3A_18 = vector.load %arg5[%swap3A, %swap3A_17] : memref<2000x128xf32, #tpu.memory_space<vmem>>, vector<2000x128xf32>
    tpu.vector_store %arg5[%swap3A, %swap3A_17], %add3A_16 {strides = array<i32>} : memref<2000x128xf32, #tpu.memory_space<vmem>>, vector<2000x128xf32>,
    return
  }
  func.func @transform_0(%arg0: i32) -> (i32, i32) {
    %c0_i32 = arith.constant 0 : i32
    %c0_i32_0 = arith.constant 0 : i32
    return %arg0, %c0_i32 : i32, i32
  }
  func.func @transform_1(%arg0: i32) -> (i32, i32) {
    %c0_i32 = arith.constant 0 : i32
    %c0_i32_0 = arith.constant 0 : i32
    return %arg0, %c0_i32 : i32, i32
  }
  func.func @transform_2(%arg0: i32) -> (i32, i32) {
    %c0_i32 = arith.constant 0 : i32
    %c0_i32_0 = arith.constant 0 : i32
    %c0_i32_1 = arith.constant 0 : i32
    return %c0_i32, %c0_i32_0 : i32, i32
  }
  func.func @transform_3(%arg0: i32) -> (i32, i32) {
    %c0_i32 = arith.constant 0 : i32
    %c0_i32_0 = arith.constant 0 : i32
    %c0_i32_1 = arith.constant 0 : i32
    return %c0_i32, %c0_i32_0 : i32, i32
  }
  func.func @transform_4(%arg0: i32) -> (i32, i32) {
    %c0_i32 = arith.constant 0 : i32
    %c0_i32_0 = arith.constant 0 : i32
    return %arg0, %c0_i32 : i32, i32
  }
}

module attributes {stable_mosaic.version = 14 : i64} {
  func.func @_score_body(%arg0: memref<10000x128xf32, #tpu.memory_space<vmem>>, %arg1: memref<128x128xf32, #tpu.memory_space<vmem>>, %arg2: memref<1x256xf32, #tpu.memory_space<vmem>>, %arg3: memref<1x10000xf32, #tpu.memory_space<vmem>>) attributes {dimension_semantics = [], scalar_prefetch = 0 : i64, scratch_operands = 0 : i64, tpu.core_type = #tpu.core_type<tc>} {
    %get3A = arith.constant 0 : index
    %get3A_0 = arith.constant 0 : index
    %get3A_1 = vector.load %arg0[%get3A, %get3A_0] : memref<10000x128xf32, #tpu.memory_space<vmem>>, vector<10000x128xf32>
    %convert_element_type3A = arith.truncf %get3A_1 : vector<10000x128xf32> to vector<10000x128xbf16>
    %get3A_2 = arith.constant 0 : index
    %get3A_3 = arith.constant 0 : index
    %get3A_4 = vector.load %arg1[%get3A_2, %get3A_3] : memref<128x128xf32, #tpu.memory_space<vmem>>, vector<128x128xf32>
    %convert_element_type3A_5 = arith.truncf %get3A_4 : vector<128x128xf32> to vector<128x128xbf16>
    %dot_general3A = arith.constant dense<0.000000e+00> : vector<10000x128xf32>
    %dot_general3A_6 = tpu.matmul %convert_element_type3A, %convert_element_type3A_5, %dot_general3A {dimension_numbers = #tpu.dot_dimension_numbers<[1], [1], [0], [0], [0, 0, 1, 0], [], []>, transpose_lhs_hint = false} : vector<10000x128xbf16>, vector<128x128xbf16>, vector<10000x128xf32> -> vector<10000x128xf32>
    %convert_element_type3A_7 = arith.truncf %dot_general3A_6 : vector<10000x128xf32> to vector<10000x128xbf16>
    %get3A_8 = arith.constant 0 : index
    %get3A_9 = arith.constant 0 : index
    %get3A_10 = vector.load %arg2[%get3A_8, %get3A_9] : memref<1x256xf32, #tpu.memory_space<vmem>>, vector<1x128xf32>
    %convert_element_type3A_11 = arith.truncf %get3A_10 : vector<1x128xf32> to vector<1x128xbf16>
    %dot_general3A_12 = arith.constant dense<0.000000e+00> : vector<1x10000xf32>
    %dot_general3A_13 = tpu.matmul %convert_element_type3A_11, %convert_element_type3A_7, %dot_general3A_12 {dimension_numbers = #tpu.dot_dimension_numbers<[1], [1], [0], [0], [0, 0, 1, 0], [], []>, transpose_lhs_hint = false} : vector<1x128xbf16>, vector<10000x128xbf16>, vector<1x10000xf32> -> vector<1x10000xf32>
    %swap3A = arith.constant 0 : index
    %swap3A_14 = arith.constant 0 : index
    %swap3A_15 = vector.load %arg3[%swap3A, %swap3A_14] : memref<1x10000xf32, #tpu.memory_space<vmem>>, vector<1x10000xf32>
    tpu.vector_store %arg3[%swap3A, %swap3A_14], %dot_general3A_13 {strides = array<i32>} : memref<1x10000xf32, #tpu.memory_space<vmem>>, vector<1x10000xf32>,
    return
  }
}

</mosaic_0001>

<sc_bundles>
// kernel: _run.5.cloned.1.call-start
scs
__scs_entry_jumppad:
0x0: {  	(pc) =	sbr.rel $0x88, $3  }
0x1: {  	(tag) =	ssettag $0x0;
	lr =	simm.s32 $0x1  }
0x2: {  	[smem:$0x3F9B] =	sst lr;
	_ =	strace $0xD0000000  }
0x3: {  	_ = 	snop  }
0x4: {  	_ = 	snop  }
0x5: {  	_ = 	snop  }
0x6: {  	_ = 	snop  }
0x7: {  	_ = 	snop  }
__scs_overlays_trampoline_lowered:
0x8: {  	[smem:$0x3FAA] =	sst s0  }
0x9: {  	[smem:$0x3FAB] =	sst s1  }
0xa: {  	[smem:$0x3FAC] =	sst s2  }
0xb: {  	[smem:$0x3FAD] =	sst s3  }
0xc: {  	[smem:$0x3FAE] =	sst s4  }
0xd: {  	[smem:$0x3FAF] =	sst s5  }
0xe: {  	[smem:$0x3FB0] =	sst s6  }
0xf: {  	[smem:$0x3FB1] =	sst s7  }
0x10: {  	[smem:$0x3FB2] =	sst s8  }
0x11: {  	[smem:$0x3FB3] =	sst s9;
	s0 =	simm.s32 @!p0 $0x0  }
0x12: {  	s1 =	sld [smem:$0x3F99];
	s0 =	simm.s32 @p0 $0x1  }
0x13: {  	[smem:$0x3FB4] =	sst s0;
	s0 =	simm.s32 @!p1 $0x0  }
0x14: {  	s2 =	sld [smem:$0x3F98];
	s0 =	simm.s32 @p1 $0x1  }
0x15: {  	[smem:$0x3FB5] =	sst s0;
	s0 =	simm.s32 @!p2 $0x0  }
0x16: {  	s3 =	sld [smem:$0x3FDB];
	s0 =	simm.s32 @p2 $0x1  }
0x17: {  	s4 =	simm.s32 $0x1BF5;
	[smem:$0x3FB7] =	sst s0  }
0x18: {  	s0 =	sld [smem:$0x3F9A];
	_ =	swait.ge [sflag:s4], $0x0  }
0x19: {  	s7 =	sld [smem:$0x3F9B]  }
0x1a: {  	s8 =	sadd.s32 $0xFFFFE003, lr  }
0x1b: {  	s9 =	sadd.s32 $0xFFFFFEF7, lr;
	s5 =	simm.s32 $0xFFFFFFFF;
	p2 =	slt.u32 s8, $0xFFFFF086  }
0x1c: {  	p1 =	slt.u32 s9, $0xF7A;
	s5 =	simm.s32 @!p2 $0x0  }
0x1d: {  	s5 =	simm.s32 @p1 $0x1;
	p0 =	seq.s32 s7, s2  }
0x1e: {  	s7 =	smul.u32 @!p0 $0xF7A, s2;
	p2 =	seq.s32 @!p0 s5, $0x0  }
0x1f: {  	s9 =	smul.u32 $0xF7A, s1;
	s8 =	simm.s32 @!p0 $0x1BF5;
	p2 =	por !p2, p0  }
0x20: {  	[sflag:s8] =	ssyncset.s32 @!p0 $0xFFFFF086;
	s6 =	sadd.s32 @!p0 s3, s7;
	s7 =	simm.s32 @!p0 $0x108  }
0x21: {  	s3 =	sadd.s32 s3, s9;
	s6 =	sadd.s32 @!p0 $0x88, s6;
	s7 =	simm.s32 @p2 $0x1082  }
0x22: {  	[simem:s7], [sflag:s8] =	dma.local @!p0 [hbm:s6], $0xF7A  }
0x23: {  	s9 =	sor.u32 $0xD0000000, s2;
	s6 =	simm.s32 $0x108;
	_ =	swait.ge @!p0 [sflag:s8], $0x0  }
0x24: {  	s3 =	sadd.s32 $0x88, s3;
	s6 =	simm.s32 @!p1 $0x1082;
	[sflag:s4] =	ssyncset.s32 $0xFFFFF086  }
0x25: {  	[simem:s6], [sflag:s4] =	dma.local [hbm:s3], $0xF7A  }
0x26: {  	[smem:$0x3F9B] =	sst s1;
	(tag) =	ssettag s2;
	_ =	strace s9  }
0x27: {  	s1 =	sld [smem:$0x3FAB]  }
0x28: {  	s2 =	sld [smem:$0x3FAC]  }
0x29: {  	s4 =	sld [smem:$0x3FAE]  }
0x2a: {  	p0 =	seq.s32 s5, $0x0;
	s5 =	sld [smem:$0x3FAF]  }
0x2b: {  	s6 =	sld [smem:$0x3FB0]  }
0x2c: {  	s7 =	sld [smem:$0x3FB1]  }
0x2d: {  	s3 =	simm.s32 $0x108;
	s8 =	sld [smem:$0x3FB2]  }
0x2e: {  	s3 =	simm.s32 @!p0 $0x1082;
	s9 =	sld [smem:$0x3FB3]  }
0x2f: {  	lr =	sadd.s32 s0, s3;
	s0 =	sld [smem:$0x3FAA]  }
0x30: {  	s3 =	sld [smem:$0x3FAD]  }
0x31: {  	[smem:$0x3FB6] =	sst s10  }
0x32: {  	s10 =	sld [smem:$0x3FB4];
	_ =	sdelay $0x3  }
0x33: {  	p0 =	seq.s32 s10, $0x1;
	s10 =	sld [smem:$0x3FB6];
	_ =	sdelay $0x3  }
0x34: {  	[smem:$0x3FB6] =	sst s10  }
0x35: {  	s10 =	sld [smem:$0x3FB5];
	_ =	sdelay $0x3  }
0x36: {  	p1 =	seq.s32 s10, $0x1;
	s10 =	sld [smem:$0x3FB6];
	_ =	sdelay $0x3  }
0x37: {  	[smem:$0x3FB6] =	sst s10  }
0x38: {  	s10 =	sld [smem:$0x3FB7]  }
0x39: {  	_ = 	snop;
	(pc) =	sbr.ind lr, $3  }
0x3a: {  	_ = 	snop  }
0x3b: {  	_ = 	snop  }
0x3c: {  	p2 =	seq.s32 s10, $0x1;
	s10 =	sld [smem:$0x3FB6]  }
0x3d: {  	_ =	shalt  }
0x3e: {  	_ =	shalt  }
0x3f: {  	_ =	shalt  }
0x40: {  	_ =	shalt  }
0x41: {  	_ =	shalt  }
0x42: {  	_ =	shalt  }
0x43: {  	_ =	shalt  }
0x44: {  	_ =	shalt  }
0x45: {  	_ =	shalt  }
0x46: {  	_ =	shalt  }
0x47: {  	_ =	shalt  }
0x48: {  	_ =	shalt  }
0x49: {  	_ =	shalt  }
0x4a: {  	_ =	shalt  }
0x4b: {  	_ =	shalt  }
0x4c: {  	_ =	shalt  }
0x4d: {  	_ =	shalt  }
0x4e: {  	_ =	shalt  }
0x4f: {  	_ =	shalt  }
0x50: {  	_ =	shalt  }
0x51: {  	_ =	shalt  }
0x52: {  	_ =	shalt  }
0x53: {  	_ =	shalt  }
0x54: {  	_ =	shalt  }
0x55: {  	_ =	shalt  }
0x56: {  	_ =	shalt  }
0x57: {  	_ =	shalt  }
0x58: {  	_ =	shalt  }
0x59: {  	_ =	shalt  }
0x5a: {  	_ =	shalt  }
0x5b: {  	_ =	shalt  }
0x5c: {  	_ =	shalt  }
0x5d: {  	_ =	shalt  }
0x5e: {  	_ =	shalt  }
0x5f: {  	_ =	shalt  }
0x60: {  	_ =	shalt  }
0x61: {  	_ =	shalt  }
0x62: {  	_ =	shalt  }
0x63: {  	_ =	shalt  }
0x64: {  	_ =	shalt  }
0x65: {  	_ =	shalt  }
0x66: {  	_ =	shalt  }
0x67: {  	_ =	shalt  }
0x68: {  	_ =	shalt  }
0x69: {  	_ =	shalt  }
0x6a: {  	_ =	shalt  }
0x6b: {  	_ =	shalt  }
0x6c: {  	_ =	shalt  }
0x6d: {  	_ =	shalt  }
0x6e: {  	_ =	shalt  }
0x6f: {  	_ =	shalt  }
0x70: {  	_ =	shalt  }
0x71: {  	_ =	shalt  }
0x72: {  	_ =	shalt  }
0x73: {  	_ =	shalt  }
0x74: {  	_ =	shalt  }
0x75: {  	_ =	shalt  }
0x76: {  	_ =	shalt  }
0x77: {  	_ =	shalt  }
0x78: {  	_ =	shalt  }
0x79: {  	_ =	shalt  }
0x7a: {  	_ =	shalt  }
0x7b: {  	_ =	shalt  }
0x7c: {  	_ =	shalt  }
0x7d: {  	_ =	shalt  }
0x7e: {  	_ =	shalt  }
0x7f: {  	_ =	shalt  }
0x80: {  	_ =	shalt  }
0x81: {  	_ =	shalt  }
0x82: {  	_ =	shalt  }
0x83: {  	_ =	shalt  }
0x84: {  	_ =	shalt  }
0x85: {  	_ =	shalt  }
0x86: {  	_ =	shalt  }
0x87: {  	_ =	shalt  }
.Lfunc_end0:
.L_simem_size_0:
called_computation_lowered:
.L_overlay_start_0:
0x88: {  	s2 =	sld [smem:$0x3FD9]  }
0x89: {  	s3 =	sld [smem:$0x3FFE];
	_ =	sdelay $0x1  }
0x8a: {  	s1 =	srdreg.scid  }
0x8b: {  	s0 =	sand.u32 $0x1, s1  }
0x8c: {  	s17 =	sshll.u32 s0, $0xA;
	s2 =	sadd.s32 s3, s2  }
0x8d: {  	s2 =	sadd.s32 s2, s17  }
0x8e: {  	[smem:$0x3FC2] =	sst s2  }
0x8f: {  	_ = 	snop  }
0x90: {  	s2 =	sld [smem:$0x3FC9]  }
0x91: {  	s18 =	sld [smem:$0x3FC8]  }
0x92: {  	s4 =	sld [smem:$0x3FD0];
	(tm) =	ssettm $0x1  }
0x93: {  	s5 =	sld [smem:$0x3FFB];
	_ =	sdelay $0x3  }
0x94: {  	_ =	strace s5  }
0x95: {  	s5 =	sld [smem:$0x3FFC];
	_ =	sdelay $0x3  }
0x96: {  	_ =	strace s5  }
0x97: {  	s5 =	sld [smem:$0x3FFD];
	_ =	sdelay $0x3  }
0x98: {  	_ =	strace s5  }
0x99: {  	_ =	strace $0x8FFFFFFF  }
0x9a: {  	s19 =	sld [smem:$0x3FDB];
	_ =	sdelay $0x1  }
0x9b: {  	s6 =	simm.s32 $_scs_section_size  }
0x9c: {  	s7 =	simm.s32 $_size__tile_overlayer_lowered;
	s8 =	simm.s32 $_tile_overlayer_lowered  }
0x9d: {  	s22 =	simm.s32 $0x1BFF;
	s21 =	sshll.u32 s8, $0x1;
	s5 =	sadd.s32 s6, s19  }
0x9e: {  	s9 =	simm.s32 $0x0;
	s20 =	sshll.u32 s7, $0x1;
	s7 =	sadd.s32 s21, s5  }
0x9f: {  	[timem:s9], [sflag:s22] =	dma.local [hbm:s7], s20  }
0xa0: {  	_ =	swait.ge [sflag:s22], s20  }
0xa1: {  	s6 =	ssub.s32 $0x0, s20;
	[sflag:s22] =	ssyncset.done $0x0  }
0xa2: {  	[sflag:s22] =	ssyncadd.s32 s6;
	_ =	sdelay $0x1  }
0xa3: {  	s23 =	simm.s32 $0x1B8B  }
0xa4: {  	_ =	swait.ge [sflag:s23], $0x1  }
0xa5: {  	[sflag:s23] =	ssyncset.done $0x0  }
0xa6: {  	s25 =	simm.s32 $0x1B8E;
	s24 =	sld [smem:$0x3FFE];
	[sflag:s23] =	ssyncadd.s32 $0xFFFFFFFF  }
0xa7: {  	s26 =	simm.s32 $execute0_lowered;
	[smem:$0x3FD2] =	sst s25  }
0xa8: {  	s7 =	sshll.u32 s26, $0x1;
	_ =	strace $0x80000046;
	[dreg:$0x1] =	wrdreg $0xFFFFFFFF  }
0xa9: {  	s28 =	simm.s32 $_size_execute0_lowered;
	s5 =	sadd.s32 s5, s7;
	[dreg:$0x0] =	wrdreg $0x0  }
0xaa: {  	s7 =	sshll.u32 s28, $0x1;
	[dreg:$0x2] =	wrdreg s5  }
0xab: {  	[dreg:$0x3] =	wrdreg s7  }
0xac: {  	[dreg:$0x4] =	wrdreg $0xC0  }
0xad: {  	_ =	task [dreg:s9], $0x5FFFF  }
0xae: {  	[dreg:$0x1] =	wrdreg $0xFFFFFFFF  }
0xaf: {  	[dreg:$0x0] =	wrdreg $0x60  }
0xb0: {  	[dreg:$0x2] =	wrdreg s2  }
0xb1: {  	[dreg:$0x3] =	wrdreg s24  }
0xb2: {  	[dreg:$0x4] =	wrdreg s18  }
0xb3: {  	[dreg:$0x5] =	wrdreg s4  }
0xb4: {  	[dreg:$0x6] =	wrdreg $0x9  }
0xb5: {  	_ =	task.clear_ibuf [dreg:s9], $0x7FFFF;
	_ =	strace $0x90000046  }
0xb6: {  	s29 =	simm.s32 $0x9;
	_ =	strace $0x80000048  }
0xb7: {  	_ =	swait.ge [sflag:s29], $0x1  }
0xb8: {  	[sflag:s29] =	ssyncadd.s32 $0xFFFFFFFF  }
0xb9: {  	_ =	strace $0x90000048  }
0xba: {  	_ =	sfence  }
0xbb: {  	s30 =	sld [smem:$0x0];
	_ =	sdelay $0x2  }
0xbc: {  	s31 =	sshll.u32 s1, $0xD;
	s1 =	sshrl.u32 s1, $0x2  }
0xbd: {  	s3 =	sand.u32 $0x4000, s31;
	s1 =	sadd.s32 s1, s30  }
0xbe: {  	s0 =	sor.u32 s3, s0;
	s1 =	sshll.u32 s1, $0x11  }
0xbf: {  	s0 =	sor.u32 s1, s0  }
0xc0: {  	s0 =	sadd.s32 $0x8F2B, s0  }
0xc1: {  	[sflag:s0] =	ssyncadd.remote.s32 $0x1  }
0xc2: {  	_ =	sfence.sel $0xFFFF  }
0xc3: {  	[dreg:$0x0] =	wrdreg $0xFFFFFFFF;
	(pc) =	sbr.abs _section_cstart, $3  }
0xc4: {  	[dreg:$0x1] =	wrdreg $0xFFFFFFFF  }
0xc5: {  	_ =	task.clear_ibuf [dreg:s9], $0x2FFFF;
	_ =	strace $0x9FFFFFFF  }
0xc6: {  	(tm) =	ssettm $0x7FFFFFFF  }
0xc7: {  	_ =	shalt  }
tec
execute0_lowered:
.L_overlay_start_1:
0x0: {  	(tag) =	ssettag $0x1  }
0x1: {  	s1 =	rddreg [dreg:$0x0]  }
0x2: {  	s0 =	rddreg [dreg:$0x1]  }
0x3: {  	s2 =	rddreg [dreg:$0x2]  }
0x4: {  	s3 =	rddreg [dreg:$0x3];
	s5 =	simm.s32 $0x0;
	s4 =	srdreg.scid  }
0x5: {  	s7 =	stileid.u32;
	s15 =	simm.s32 $0x2780;
	s17 =	simm.s32 $0x5  }
0x6: {  	s18 =	simm.s32 $0x2B80;
	s19 =	simm.s32 $0x50;
	s20 =	simm.s32 $0x2D80  }
0x7: {  	s21 =	simm.s32 $0x2E80;
	s22 =	simm.s32 $0x6;
	s23 =	simm.s32 $0x2980  }
0x8: {  	s28 =	simm.s32 $0x7E80;
	s29 =	simm.s32 $0x2;
	[smem:$0x7FF] =	sst s5  }
0x9: {  	s4 =	sand.u32 $0x1, s4;
	s7 =	sshll.u32 s7, $0x1;
	s0 =	sadd.s32 $0x1A00, s0  }
0xa: {  	s10 =	sadd.s32 $0x1000, s2;
	_ =	strace $0x80000047;
	s6 =	ssub.s32 $0x2, s4  }
0xb: {  	[dreg:$0x5] =	wrdreg s0;
	s7 =	sor.u32 s4, s7;
	s26 =	sshrl.u32 s6, $0x1  }
.Ltmp0:
0xc: {  	s4 =	sshll.u32 s7, $0x7;
	s30 =	sshll.u32 s7, $0x8;
	(pc) =	sbr.rel .LBB2_1-.Ltmp0, $4  }
0xd: {  	s9 =	sor.u32 $0xFFFFFFE0, s7;
	s4 =	sadd.s32 s2, s4;
	s31 =	sadd.s32 s30, s3  }
0xe: {  	v0 =	vlaneseq.u32;
	s0 =	ssub.s32 s6, s26;
	[dreg:$0x6] =	wrdreg s4;
	s4 =	sadd.s32 $0x26000, s31  }
0xf: {  	v1 =	vmul.u32 $0x20, v0;
	p0 =	sgt.u32 s7, $0x10;
	s0 =	smax.u32 s0, $0x1;
	[dreg:$0x7] =	wrdreg s4  }
0x10: {  	v2 =	vimm.f32 $-Inf;
	s26 =	simm.s32 $0x1;
	s6 =	simm.s32 $0x0;
	[dreg:$0x8] =	wrdreg s0  }
.LBB2_35:
0x11: {  	s0 =	simm.s32 $0x3  }
0x12: {  	_ =	swait.ge [sflag:s0], $0x800  }
0x13: {  	[sflag:s0] =	ssyncset.done $0x0  }
0x14: {  	s4 =	simm.s32 $0x4;
	[sflag:s0] =	ssyncadd.s32 $0xFFFFF800  }
0x15: {  	_ =	swait.ge [sflag:s4], $0x800  }
0x16: {  	s6 =	sadd.s32 $0x1, s6;
	s31 =	rddreg [dreg:$0x8]  }
0x17: {  	p1 =	sne.s32 s6, s31  }
.Ltmp1:
0x18: {  	_ = 	snop;
	(pc) =	sbr.rel @!p1 .LBB2_36-.Ltmp1, $3  }
0x19: {  	_ =	sdelay $0x1  }
0x1a: {  	[sflag:s4] =	ssyncset.done $0x0  }
0x1b: {  	[sflag:s4] =	ssyncadd.s32 $0xFFFFF800  }
.LBB2_1:
0x1c: {  	[dreg:$0x9] =	wrdreg s6  }
0x1d: {  	s0 =	rddreg [dreg:$0x6];
	s4 =	simm.s32 $0x80;
	s25 =	simm.s32 $0x100  }
0x1e: {  	[tilespmem:s15], [sflag:$0x5] =	stream.strided.gather [hbm4b:s0+s4], $0x200, s25, s4, $0x38;
	[tilespmem:$0x8E80] =	vst v63  }
0x1f: {  	s30 =	rddreg [dreg:$0x5];
	s31 =	simm.s32 $0x7  }
0x20: {  	[tilespmem:s5], [sflag:$0x7] =	stream.linear.gather [hbm4b:s30+s5], $0x2780, $0x38;
	[tilespmem:$0x8E80] =	vst v63  }
0x21: {  	_ =	swait.ge [sflag:s31], $0x2780  }
0x22: {  	[sflag:s31] =	ssyncset.done $0x0  }
0x23: {  	s13 =	simm.s32 $0x0;
	[sflag:s31] =	ssyncadd.s32 $0xFFFFD880  }
.LBB2_2:
0x24: {  	s6 =	sshll.u32 s13, $0x6  }
0x25: {  	s14 =	sor.u32 s7, s6  }
0x26: {  	_ =	swait.ge [sflag:s17], $0x200;
	s11 =	sor.u32 $0x20, s14  }
0x27: {  	[sflag:s17] =	ssyncset.done $0x0;
	p2 =	sgt.u32 s11, $0x270  }
0x28: {  	[sflag:s17] =	ssyncadd.s32 $0xFFFFFE00;
	s0 =	sshll.u32 @!p2 s11, $0x7;
	s8 =	simm.s32 @!p2 $0x80  }
0x29: {  	s12 =	simm.s32 @!p2 $0x100;
	s16 =	simm.s32 @!p2 $0x2980;
	s0 =	sadd.s32 @!p2 s2, s0  }
0x2a: {  	[tilespmem:s16], [sflag:$0x6] =	stream.strided.gather @!p2 [hbm4b:s0+s8], $0x200, s12, s8, $0x38;
	[tilespmem:$0x8E80] =	vst v63  }
0x2b: {  	v4 =	vimm.f32 $-Inf;
	v3 =	vimm.s32 $0x0;
	s8 =	simm.s32 $0x0;
	s12 =	simm.s32 $0x2BC0  }
.LBB2_3:
0x2c: {  	v5 =	vor.u32 s8, v1;
	_ =	sdelay $0x4  }
0x2d: {  	v5 =	vld.idx.msk [tilespmem:v5+s15+$0x0], $0xffff;
	_ =	sdelay $0x7  }
0x2e: {  	s0 =	sadd.s32 $0x1, s8;
	v5 =	vld.idx.msk [tilespmem:v5+s5+$0x0], $0xffff  }
0x2f: {  	v6 =	vor.u32 s0, v1;
	_ =	sdelay $0x3  }
0x30: {  	[tilespmem:s12+$0xFFFFFFC0] =	vst v5  }
0x31: {  	v6 =	vld.idx.msk [tilespmem:v6+s15+$0x0], $0xffff;
	_ =	sdelay $0x7  }
0x32: {  	s16 =	sadd.s32 $0x2, s8;
	v6 =	vld.idx.msk [tilespmem:v6+s5+$0x0], $0xffff  }
0x33: {  	v7 =	vor.u32 s16, v1;
	_ =	sdelay $0x3  }
0x34: {  	[tilespmem:s12+$0xFFFFFFD0] =	vst v6  }
0x35: {  	v7 =	vld.idx.msk [tilespmem:v7+s15+$0x0], $0xffff;
	_ =	sdelay $0x7  }
0x36: {  	s30 =	sadd.s32 $0x3, s8;
	v7 =	vld.idx.msk [tilespmem:v7+s5+$0x0], $0xffff  }
0x37: {  	v8 =	vor.u32 s30, v1;
	_ =	sdelay $0x3  }
0x38: {  	[tilespmem:s12+$0xFFFFFFE0] =	vst v7  }
0x39: {  	v8 =	vld.idx.msk [tilespmem:v8+s15+$0x0], $0xffff;
	_ =	sdelay $0x7  }
0x3a: {  	s4 =	sadd.s32 $0x4, s8;
	v8 =	vld.idx.msk [tilespmem:v8+s5+$0x0], $0xffff  }
0x3b: {  	v9 =	vor.u32 s4, v1;
	_ =	sdelay $0x3  }
0x3c: {  	[tilespmem:s12+$0xFFFFFFF0] =	vst v8  }
0x3d: {  	v9 =	vld.idx.msk [tilespmem:v9+s15+$0x0], $0xffff;
	_ =	sdelay $0x7  }
0x3e: {  	s24 =	sadd.s32 $0x5, s8;
	v9 =	vld.idx.msk [tilespmem:v9+s5+$0x0], $0xffff  }
0x3f: {  	v10 =	vor.u32 s24, v1;
	_ =	sdelay $0x3  }
0x40: {  	[tilespmem:s12+$0x0] =	vst v9  }
0x41: {  	v10 =	vld.idx.msk [tilespmem:v10+s15+$0x0], $0xffff;
	_ =	sdelay $0x7  }
0x42: {  	s25 =	sadd.s32 $0x6, s8;
	v10 =	vld.idx.msk [tilespmem:v10+s5+$0x0], $0xffff  }
0x43: {  	v11 =	vor.u32 s25, v1;
	_ =	sdelay $0x3  }
0x44: {  	[tilespmem:s12+$0x10] =	vst v10  }
0x45: {  	v11 =	vld.idx.msk [tilespmem:v11+s15+$0x0], $0xffff;
	_ =	sdelay $0x7  }
0x46: {  	s31 =	sadd.s32 $0x7, s8;
	v11 =	vld.idx.msk [tilespmem:v11+s5+$0x0], $0xffff  }
0x47: {  	v12 =	vor.u32 s31, v1;
	_ =	sdelay $0x3  }
0x48: {  	vm0 =	vgt.f32 v5, v4;
	[tilespmem:s12+$0x20] =	vst v11  }
0x49: {  	v4 =	vsel vm0, v5, v4;
	v5 =	vld.idx.msk [tilespmem:v12+s15+$0x0], $0xffff  }
0x4a: {  	vm1 =	vgt.f32 v6, v4  }
0x4b: {  	v4 =	vsel vm1, v6, v4  }
0x4c: {  	vm2 =	vgt.f32 v7, v4  }
0x4d: {  	v4 =	vsel vm2, v7, v4  }
0x4e: {  	vm3 =	vgt.f32 v8, v4  }
0x4f: {  	v4 =	vsel vm3, v8, v4  }
0x50: {  	v3 =	vsel vm0, s8, v3;
	vm12 =	vgt.f32 v9, v4  }
0x51: {  	v3 =	vsel vm1, s0, v3;
	v4 =	vsel vm12, v9, v4;
	v5 =	vld.idx.msk [tilespmem:v5+s5+$0x0], $0xffff  }
0x52: {  	p1 =	slt.u32 s8, $0x18;
	v3 =	vsel vm2, s16, v3;
	vm13 =	vgt.f32 v10, v4  }
.Ltmp2:
0x53: {  	v3 =	vsel vm3, s30, v3;
	v4 =	vsel vm13, v10, v4;
	(pc) =	sbr.rel @p1 .LBB2_3-.Ltmp2, $4  }
0x54: {  	v3 =	vsel vm12, s4, v3;
	vm14 =	vgt.f32 v11, v4  }
0x55: {  	v3 =	vsel vm13, s24, v3;
	v4 =	vsel vm14, v11, v4  }
0x56: {  	v3 =	vsel vm14, s25, v3;
	vm15 =	vgt.f32 v5, v4  }
0x57: {  	s8 =	sadd.s32 $0x8, s8;
	[tilespmem:s12+$0x30] =	vst v5;
	s12 =	sadd.s32 $0x80, s12;
	v4 =	vsel vm15, v5, v4;
	v3 =	vsel vm15, s31, v3  }
0x58: {  	v4 =	vshll.u32 v3, $0x4  }
0x59: {  	v4 =	vor.u32 v0, v4  }
0x5a: {  	v3 =	vadd.s32 v1, v3;
	_ =	sdelay $0x2  }
0x5b: {  	v5 =	vimm.f32 $-Inf  }
0x5c: {  	[tilespmem:v4+s18+$0x0] =	vst.idx.msk $0xffff, v5  }
0x5d: {  	v3 =	vld.idx.msk [tilespmem:v3+s15+$0x0], $0xffff;
	_ =	sdelay $0x4  }
0x5e: {  	s0 =	simm.s32 $0x2BC0;
	[tilespmem:$0x2D80] =	vst v3  }
0x5f: {  	v3 =	vld [tilespmem:s0+$0xFFFFFFC0];
	_ =	sdelay $0x1  }
0x60: {  	v4 =	vld [tilespmem:s0+$0xFFFFFFD0];
	_ =	sdelay $0x1  }
0x61: {  	v6 =	vld [tilespmem:s0+$0xFFFFFFE0]  }
0x62: {  	vm0 =	vgt.f32 v3, v5  }
0x63: {  	v3 =	vsel vm0, v3, v5;
	v5 =	vld [tilespmem:s0+$0xFFFFFFF0]  }
0x64: {  	vm1 =	vgt.f32 v4, v3  }
0x65: {  	s12 =	simm.s32 $0x0;
	v7 =	vld [tilespmem:s0+$0x0];
	v3 =	vsel vm1, v4, v3;
	v4 =	vimm.s32 $0x0  }
0x66: {  	s4 =	simm.s32 $0x1;
	vm2 =	vgt.f32 v6, v3;
	v4 =	vsel vm0, s12, v4  }
0x67: {  	s24 =	simm.s32 $0x2;
	v3 =	vsel vm2, v6, v3;
	v6 =	vld [tilespmem:s0+$0x10];
	v4 =	vsel vm1, s4, v4  }
0x68: {  	s25 =	simm.s32 $0x3;
	vm13 =	vgt.f32 v5, v3;
	v4 =	vsel vm2, s24, v4  }
0x69: {  	v3 =	vsel vm13, v5, v3;
	v5 =	vsel vm13, s25, v4;
	v4 =	vld [tilespmem:s0+$0x20]  }
0x6a: {  	vm14 =	vgt.f32 v7, v3  }
0x6b: {  	s30 =	simm.s32 $0x4;
	v7 =	vsel vm14, v7, v3;
	v3 =	vld [tilespmem:s0+$0x30]  }
0x6c: {  	s31 =	simm.s32 $0x5;
	s16 =	simm.s32 $0x2C40;
	v8 =	vsel vm14, s30, v5;
	vm15 =	vgt.f32 v6, v7  }
0x6d: {  	s8 =	simm.s32 $0x8;
	v5 =	vld [tilespmem:s16+$0xFFFFFFC0];
	s0 =	simm.s32 $0x10;
	v7 =	vsel vm15, v6, v7;
	v6 =	vsel vm15, s31, v8  }
.LBB2_5:
0x6e: {  	p1 =	slt.u32 s0, $0x18;
	vm0 =	vgt.f32 v4, v7;
	s4 =	sadd.s32 $0x6, s12  }
0x6f: {  	v8 =	vld [tilespmem:s16+$0xFFFFFFD0];
	v4 =	vsel vm0, v4, v7;
	v6 =	vsel vm0, s4, v6  }
0x70: {  	s4 =	sadd.s32 $0x7, s12;
	s12 =	smov.u32 s8;
	s8 =	smov.u32 s0;
	vm0 =	vgt.f32 v3, v4  }
0x71: {  	v7 =	vld [tilespmem:s16+$0xFFFFFFE0];
	v3 =	vsel vm0, v3, v4;
	v4 =	vsel vm0, s4, v6  }
0x72: {  	vm0 =	vgt.f32 v5, v3  }
0x73: {  	v3 =	vsel vm0, v5, v3;
	v4 =	vsel vm0, s12, v4;
	v5 =	vld [tilespmem:s16+$0xFFFFFFF0]  }
0x74: {  	s4 =	sadd.s32 $0x1, s12;
	vm0 =	vgt.f32 v8, v3  }
0x75: {  	v3 =	vsel vm0, v8, v3;
	v4 =	vsel vm0, s4, v4;
	v6 =	vld [tilespmem:s16+$0x0]  }
0x76: {  	s4 =	sadd.s32 $0x2, s12;
	vm0 =	vgt.f32 v7, v3  }
0x77: {  	v3 =	vsel vm0, v7, v3;
	v4 =	vsel vm0, s4, v4;
	v7 =	vld [tilespmem:s16+$0x10]  }
0x78: {  	s4 =	sadd.s32 $0x3, s12;
	vm0 =	vgt.f32 v5, v3  }
.Ltmp3:
0x79: {  	v3 =	vsel vm0, v5, v3;
	v5 =	vsel vm0, s4, v4;
	v4 =	vld [tilespmem:s16+$0x20];
	(pc) =	sbr.rel @p1 .LBB2_5-.Ltmp3, $4  }
0x7a: {  	s4 =	sadd.s32 $0x4, s12;
	vm0 =	vgt.f32 v6, v3  }
0x7b: {  	v6 =	vsel vm0, v6, v3;
	v8 =	vsel vm0, s4, v5;
	v3 =	vld [tilespmem:s16+$0x30]  }
0x7c: {  	s4 =	sadd.s32 $0x5, s12;
	s16 =	sadd.s32 $0x80, s16;
	vm0 =	vgt.f32 v7, v6  }
0x7d: {  	s0 =	sadd.s32 $0x8, s0;
	v5 =	vld [tilespmem:s16+$0xFFFFFFC0];
	v7 =	vsel vm0, v7, v6;
	v6 =	vsel vm0, s4, v8  }
0x7e: {  	vm0 =	vgt.f32 v4, v7  }
0x7f: {  	v8 =	vld [tilespmem:s16+$0xFFFFFFD0];
	v4 =	vsel vm0, v4, v7  }
0x80: {  	vm1 =	vgt.f32 v3, v4  }
0x81: {  	v7 =	vld [tilespmem:s16+$0xFFFFFFE0];
	v3 =	vsel vm1, v3, v4  }
0x82: {  	vm2 =	vgt.f32 v5, v3  }
0x83: {  	v4 =	vld [tilespmem:s16+$0xFFFFFFF0];
	v3 =	vsel vm2, v5, v3  }
0x84: {  	vm3 =	vgt.f32 v8, v3  }
0x85: {  	v5 =	vld [tilespmem:s16+$0x0];
	v3 =	vsel vm3, v8, v3  }
0x86: {  	vm4 =	vgt.f32 v7, v3  }
0x87: {  	s0 =	sadd.s32 $0x6, s12;
	v3 =	vsel vm4, v7, v3;
	v7 =	vld [tilespmem:s16+$0x10]  }
0x88: {  	s4 =	sadd.s32 $0x7, s12;
	v6 =	vsel vm0, s0, v6;
	vm5 =	vgt.f32 v4, v3  }
0x89: {  	v6 =	vsel vm1, s4, v6;
	v3 =	vsel vm5, v4, v3;
	v4 =	vld [tilespmem:s16+$0x20]  }
0x8a: {  	s12 =	sadd.s32 $0x1, s8;
	v6 =	vsel vm2, s8, v6;
	vm6 =	vgt.f32 v5, v3  }
0x8b: {  	s24 =	sadd.s32 $0x2, s8;
	v6 =	vsel vm3, s12, v6;
	v3 =	vsel vm6, v5, v3;
	v5 =	vld [tilespmem:s16+$0x30]  }
0x8c: {  	s25 =	sadd.s32 $0x3, s8;
	v6 =	vsel vm4, s24, v6;
	vm7 =	vgt.f32 v7, v3  }
0x8d: {  	s30 =	sadd.s32 $0x4, s8;
	v6 =	vsel vm5, s25, v6;
	v3 =	vsel vm7, v7, v3  }
0x8e: {  	s31 =	sadd.s32 $0x5, s8;
	v6 =	vsel vm6, s30, v6;
	vm8 =	vgt.f32 v4, v3  }
0x8f: {  	s4 =	sadd.s32 $0x6, s8;
	v6 =	vsel vm7, s31, v6;
	v3 =	vsel vm8, v4, v3  }
0x90: {  	s12 =	sadd.s32 $0x7, s8;
	v4 =	vsel vm8, s4, v6;
	vm9 =	vgt.f32 v5, v3  }
0x91: {  	v3 =	vsel vm9, s12, v4  }
0x92: {  	v4 =	vshll.u32 v3, $0x4  }
0x93: {  	v4 =	vor.u32 v0, v4  }
0x94: {  	v3 =	vadd.s32 v1, v3;
	_ =	sdelay $0x2  }
0x95: {  	v5 =	vimm.f32 $-Inf  }
0x96: {  	[tilespmem:v4+s18+$0x0] =	vst.idx.msk $0xffff, v5  }
0x97: {  	v3 =	vld.idx.msk [tilespmem:v3+s15+$0x0], $0xffff;
	_ =	sdelay $0x4  }
0x98: {  	s16 =	simm.s32 $0x2BC0;
	[tilespmem:$0x2D90] =	vst v3  }
0x99: {  	v3 =	vld [tilespmem:s16+$0xFFFFFFC0];
	_ =	sdelay $0x1  }
0x9a: {  	v4 =	vld [tilespmem:s16+$0xFFFFFFD0];
	_ =	sdelay $0x1  }
0x9b: {  	v6 =	vld [tilespmem:s16+$0xFFFFFFE0]  }
0x9c: {  	vm10 =	vgt.f32 v3, v5  }
0x9d: {  	v3 =	vsel vm10, v3, v5;
	v5 =	vld [tilespmem:s16+$0xFFFFFFF0]  }
0x9e: {  	vm11 =	vgt.f32 v4, v3  }
0x9f: {  	s12 =	simm.s32 $0x0;
	v7 =	vld [tilespmem:s16+$0x0];
	v3 =	vsel vm11, v4, v3;
	v4 =	vimm.s32 $0x0  }
0xa0: {  	s4 =	simm.s32 $0x1;
	vm12 =	vgt.f32 v6, v3;
	v4 =	vsel vm10, s12, v4  }
0xa1: {  	s24 =	simm.s32 $0x2;
	v3 =	vsel vm12, v6, v3;
	v6 =	vld [tilespmem:s16+$0x10];
	v4 =	vsel vm11, s4, v4  }
0xa2: {  	s25 =	simm.s32 $0x3;
	vm13 =	vgt.f32 v5, v3;
	v4 =	vsel vm12, s24, v4  }
0xa3: {  	v3 =	vsel vm13, v5, v3;
	v5 =	vsel vm13, s25, v4;
	v4 =	vld [tilespmem:s16+$0x20]  }
0xa4: {  	vm14 =	vgt.f32 v7, v3  }
0xa5: {  	s30 =	simm.s32 $0x4;
	v7 =	vsel vm14, v7, v3;
	v3 =	vld [tilespmem:s16+$0x30]  }
0xa6: {  	s31 =	simm.s32 $0x5;
	v8 =	vsel vm14, s30, v5;
	s16 =	simm.s32 $0x2C40;
	vm15 =	vgt.f32 v6, v7  }
0xa7: {  	s0 =	simm.s32 $0x10;
	s8 =	simm.s32 $0x8;
	v5 =	vld [tilespmem:s16+$0xFFFFFFC0];
	v7 =	vsel vm15, v6, v7;
	v6 =	vsel vm15, s31, v8  }
.LBB2_7:
0xa8: {  	p1 =	slt.u32 s0, $0x18;
	vm0 =	vgt.f32 v4, v7;
	s4 =	sadd.s32 $0x6, s12  }
0xa9: {  	v8 =	vld [tilespmem:s16+$0xFFFFFFD0];
	v4 =	vsel vm0, v4, v7;
	v6 =	vsel vm0, s4, v6  }
0xaa: {  	s4 =	sadd.s32 $0x7, s12;
	s12 =	smov.u32 s8;
	s8 =	smov.u32 s0;
	vm0 =	vgt.f32 v3, v4  }
0xab: {  	v7 =	vld [tilespmem:s16+$0xFFFFFFE0];
	v3 =	vsel vm0, v3, v4;
	v4 =	vsel vm0, s4, v6  }
0xac: {  	vm0 =	vgt.f32 v5, v3  }
0xad: {  	v3 =	vsel vm0, v5, v3;
	v4 =	vsel vm0, s12, v4;
	v5 =	vld [tilespmem:s16+$0xFFFFFFF0]  }
0xae: {  	s4 =	sadd.s32 $0x1, s12;
	vm0 =	vgt.f32 v8, v3  }
0xaf: {  	v3 =	vsel vm0, v8, v3;
	v4 =	vsel vm0, s4, v4;
	v6 =	vld [tilespmem:s16+$0x0]  }
0xb0: {  	s4 =	sadd.s32 $0x2, s12;
	vm0 =	vgt.f32 v7, v3  }
0xb1: {  	v3 =	vsel vm0, v7, v3;
	v4 =	vsel vm0, s4, v4;
	v7 =	vld [tilespmem:s16+$0x10]  }
0xb2: {  	s4 =	sadd.s32 $0x3, s12;
	vm0 =	vgt.f32 v5, v3  }
.Ltmp4:
0xb3: {  	v3 =	vsel vm0, v5, v3;
	v5 =	vsel vm0, s4, v4;
	v4 =	vld [tilespmem:s16+$0x20];
	(pc) =	sbr.rel @p1 .LBB2_7-.Ltmp4, $4  }
0xb4: {  	s4 =	sadd.s32 $0x4, s12;
	vm0 =	vgt.f32 v6, v3  }
0xb5: {  	v6 =	vsel vm0, v6, v3;
	v8 =	vsel vm0, s4, v5;
	v3 =	vld [tilespmem:s16+$0x30]  }
0xb6: {  	s4 =	sadd.s32 $0x5, s12;
	s16 =	sadd.s32 $0x80, s16;
	vm0 =	vgt.f32 v7, v6  }
0xb7: {  	s0 =	sadd.s32 $0x8, s0;
	v5 =	vld [tilespmem:s16+$0xFFFFFFC0];
	v7 =	vsel vm0, v7, v6;
	v6 =	vsel vm0, s4, v8  }
0xb8: {  	vm0 =	vgt.f32 v4, v7  }
0xb9: {  	v8 =	vld [tilespmem:s16+$0xFFFFFFD0];
	v4 =	vsel vm0, v4, v7  }
0xba: {  	vm1 =	vgt.f32 v3, v4  }
0xbb: {  	v7 =	vld [tilespmem:s16+$0xFFFFFFE0];
	v3 =	vsel vm1, v3, v4  }
0xbc: {  	vm2 =	vgt.f32 v5, v3  }
0xbd: {  	v4 =	vld [tilespmem:s16+$0xFFFFFFF0];
	v3 =	vsel vm2, v5, v3  }
0xbe: {  	vm3 =	vgt.f32 v8, v3  }
0xbf: {  	v5 =	vld [tilespmem:s16+$0x0];
	v3 =	vsel vm3, v8, v3  }
0xc0: {  	vm4 =	vgt.f32 v7, v3  }
0xc1: {  	s0 =	sadd.s32 $0x6, s12;
	v3 =	vsel vm4, v7, v3;
	v7 =	vld [tilespmem:s16+$0x10]  }
0xc2: {  	s4 =	sadd.s32 $0x7, s12;
	v6 =	vsel vm0, s0, v6;
	vm5 =	vgt.f32 v4, v3  }
0xc3: {  	v6 =	vsel vm1, s4, v6;
	v3 =	vsel vm5, v4, v3;
	v4 =	vld [tilespmem:s16+$0x20]  }
0xc4: {  	s12 =	sadd.s32 $0x1, s8;
	v6 =	vsel vm2, s8, v6;
	vm6 =	vgt.f32 v5, v3  }
0xc5: {  	s24 =	sadd.s32 $0x2, s8;
	v6 =	vsel vm3, s12, v6;
	v3 =	vsel vm6, v5, v3;
	v5 =	vld [tilespmem:s16+$0x30]  }
0xc6: {  	s25 =	sadd.s32 $0x3, s8;
	v6 =	vsel vm4, s24, v6;
	vm7 =	vgt.f32 v7, v3  }
0xc7: {  	s30 =	sadd.s32 $0x4, s8;
	v6 =	vsel vm5, s25, v6;
	v3 =	vsel vm7, v7, v3  }
0xc8: {  	s31 =	sadd.s32 $0x5, s8;
	v6 =	vsel vm6, s30, v6;
	vm8 =	vgt.f32 v4, v3  }
0xc9: {  	s4 =	sadd.s32 $0x6, s8;
	v6 =	vsel vm7, s31, v6;
	v3 =	vsel vm8, v4, v3  }
0xca: {  	s12 =	sadd.s32 $0x7, s8;
	v4 =	vsel vm8, s4, v6;
	vm9 =	vgt.f32 v5, v3  }
0xcb: {  	v3 =	vsel vm9, s12, v4  }
0xcc: {  	v4 =	vshll.u32 v3, $0x4  }
0xcd: {  	v4 =	vor.u32 v0, v4  }
0xce: {  	v3 =	vadd.s32 v1, v3;
	_ =	sdelay $0x2  }
0xcf: {  	v5 =	vimm.f32 $-Inf  }
0xd0: {  	[tilespmem:v4+s18+$0x0] =	vst.idx.msk $0xffff, v5  }
0xd1: {  	v3 =	vld.idx.msk [tilespmem:v3+s15+$0x0], $0xffff;
	_ =	sdelay $0x4  }
0xd2: {  	s16 =	simm.s32 $0x2BC0;
	[tilespmem:$0x2DA0] =	vst v3  }
0xd3: {  	v3 =	vld [tilespmem:s16+$0xFFFFFFC0];
	_ =	sdelay $0x1  }
0xd4: {  	v4 =	vld [tilespmem:s16+$0xFFFFFFD0];
	_ =	sdelay $0x1  }
0xd5: {  	v6 =	vld [tilespmem:s16+$0xFFFFFFE0]  }
0xd6: {  	vm10 =	vgt.f32 v3, v5  }
0xd7: {  	v3 =	vsel vm10, v3, v5;
	v5 =	vld [tilespmem:s16+$0xFFFFFFF0]  }
0xd8: {  	vm11 =	vgt.f32 v4, v3  }
0xd9: {  	s12 =	simm.s32 $0x0;
	v7 =	vld [tilespmem:s16+$0x0];
	v3 =	vsel vm11, v4, v3;
	v4 =	vimm.s32 $0x0  }
0xda: {  	s4 =	simm.s32 $0x1;
	vm12 =	vgt.f32 v6, v3;
	v4 =	vsel vm10, s12, v4  }
0xdb: {  	s24 =	simm.s32 $0x2;
	v3 =	vsel vm12, v6, v3;
	v6 =	vld [tilespmem:s16+$0x10];
	v4 =	vsel vm11, s4, v4  }
0xdc: {  	s25 =	simm.s32 $0x3;
	vm13 =	vgt.f32 v5, v3;
	v4 =	vsel vm12, s24, v4  }
0xdd: {  	v3 =	vsel vm13, v5, v3;
	v5 =	vsel vm13, s25, v4;
	v4 =	vld [tilespmem:s16+$0x20]  }
0xde: {  	vm14 =	vgt.f32 v7, v3  }
0xdf: {  	s30 =	simm.s32 $0x4;
	v7 =	vsel vm14, v7, v3;
	v3 =	vld [tilespmem:s16+$0x30]  }
0xe0: {  	s31 =	simm.s32 $0x5;
	v8 =	vsel vm14, s30, v5;
	s16 =	simm.s32 $0x2C40;
	vm15 =	vgt.f32 v6, v7  }
0xe1: {  	s0 =	simm.s32 $0x10;
	s8 =	simm.s32 $0x8;
	v5 =	vld [tilespmem:s16+$0xFFFFFFC0];
	v7 =	vsel vm15, v6, v7;
	v6 =	vsel vm15, s31, v8  }
.LBB2_9:
0xe2: {  	p1 =	slt.u32 s0, $0x18;
	vm0 =	vgt.f32 v4, v7;
	s4 =	sadd.s32 $0x6, s12  }
0xe3: {  	v8 =	vld [tilespmem:s16+$0xFFFFFFD0];
	v4 =	vsel vm0, v4, v7;
	v6 =	vsel vm0, s4, v6  }
0xe4: {  	s4 =	sadd.s32 $0x7, s12;
	s12 =	smov.u32 s8;
	s8 =	smov.u32 s0;
	vm0 =	vgt.f32 v3, v4  }
0xe5: {  	v7 =	vld [tilespmem:s16+$0xFFFFFFE0];
	v3 =	vsel vm0, v3, v4;
	v4 =	vsel vm0, s4, v6  }
0xe6: {  	vm0 =	vgt.f32 v5, v3  }
0xe7: {  	v3 =	vsel vm0, v5, v3;
	v4 =	vsel vm0, s12, v4;
	v5 =	vld [tilespmem:s16+$0xFFFFFFF0]  }
0xe8: {  	s4 =	sadd.s32 $0x1, s12;
	vm0 =	vgt.f32 v8, v3  }
0xe9: {  	v3 =	vsel vm0, v8, v3;
	v4 =	vsel vm0, s4, v4;
	v6 =	vld [tilespmem:s16+$0x0]  }
0xea: {  	s4 =	sadd.s32 $0x2, s12;
	vm0 =	vgt.f32 v7, v3  }
0xeb: {  	v3 =	vsel vm0, v7, v3;
	v4 =	vsel vm0, s4, v4;
	v7 =	vld [tilespmem:s16+$0x10]  }
0xec: {  	s4 =	sadd.s32 $0x3, s12;
	vm0 =	vgt.f32 v5, v3  }
.Ltmp5:
0xed: {  	v3 =	vsel vm0, v5, v3;
	v5 =	vsel vm0, s4, v4;
	v4 =	vld [tilespmem:s16+$0x20];
	(pc) =	sbr.rel @p1 .LBB2_9-.Ltmp5, $4  }
0xee: {  	s4 =	sadd.s32 $0x4, s12;
	vm0 =	vgt.f32 v6, v3  }
0xef: {  	v6 =	vsel vm0, v6, v3;
	v8 =	vsel vm0, s4, v5;
	v3 =	vld [tilespmem:s16+$0x30]  }
0xf0: {  	s4 =	sadd.s32 $0x5, s12;
	s16 =	sadd.s32 $0x80, s16;
	vm0 =	vgt.f32 v7, v6  }
0xf1: {  	s0 =	sadd.s32 $0x8, s0;
	v5 =	vld [tilespmem:s16+$0xFFFFFFC0];
	v7 =	vsel vm0, v7, v6;
	v6 =	vsel vm0, s4, v8  }
0xf2: {  	vm0 =	vgt.f32 v4, v7  }
0xf3: {  	v8 =	vld [tilespmem:s16+$0xFFFFFFD0];
	v4 =	vsel vm0, v4, v7  }
0xf4: {  	vm1 =	vgt.f32 v3, v4  }
0xf5: {  	v7 =	vld [tilespmem:s16+$0xFFFFFFE0];
	v3 =	vsel vm1, v3, v4  }
0xf6: {  	vm2 =	vgt.f32 v5, v3  }
0xf7: {  	v4 =	vld [tilespmem:s16+$0xFFFFFFF0];
	v3 =	vsel vm2, v5, v3  }
0xf8: {  	vm3 =	vgt.f32 v8, v3  }
0xf9: {  	v5 =	vld [tilespmem:s16+$0x0];
	v3 =	vsel vm3, v8, v3  }
0xfa: {  	vm4 =	vgt.f32 v7, v3  }
0xfb: {  	s0 =	sadd.s32 $0x6, s12;
	v3 =	vsel vm4, v7, v3;
	v7 =	vld [tilespmem:s16+$0x10]  }
0xfc: {  	s4 =	sadd.s32 $0x7, s12;
	v6 =	vsel vm0, s0, v6;
	vm5 =	vgt.f32 v4, v3  }
0xfd: {  	v6 =	vsel vm1, s4, v6;
	v3 =	vsel vm5, v4, v3;
	v4 =	vld [tilespmem:s16+$0x20]  }
0xfe: {  	s12 =	sadd.s32 $0x1, s8;
	v6 =	vsel vm2, s8, v6;
	vm6 =	vgt.f32 v5, v3  }
0xff: {  	s24 =	sadd.s32 $0x2, s8;
	v6 =	vsel vm3, s12, v6;
	v3 =	vsel vm6, v5, v3;
	v5 =	vld [tilespmem:s16+$0x30]  }
0x100: {  	s25 =	sadd.s32 $0x3, s8;
	v6 =	vsel vm4, s24, v6;
	vm7 =	vgt.f32 v7, v3  }
0x101: {  	s30 =	sadd.s32 $0x4, s8;
	v6 =	vsel vm5, s25, v6;
	v3 =	vsel vm7, v7, v3  }
0x102: {  	s31 =	sadd.s32 $0x5, s8;
	v6 =	vsel vm6, s30, v6;
	vm8 =	vgt.f32 v4, v3  }
0x103: {  	s4 =	sadd.s32 $0x6, s8;
	v6 =	vsel vm7, s31, v6;
	v3 =	vsel vm8, v4, v3  }
0x104: {  	s12 =	sadd.s32 $0x7, s8;
	v4 =	vsel vm8, s4, v6;
	vm9 =	vgt.f32 v5, v3  }
0x105: {  	v3 =	vsel vm9, s12, v4  }
0x106: {  	v4 =	vshll.u32 v3, $0x4  }
0x107: {  	v4 =	vor.u32 v0, v4  }
0x108: {  	v3 =	vadd.s32 v1, v3;
	_ =	sdelay $0x2  }
0x109: {  	v5 =	vimm.f32 $-Inf  }
0x10a: {  	[tilespmem:v4+s18+$0x0] =	vst.idx.msk $0xffff, v5  }
0x10b: {  	v3 =	vld.idx.msk [tilespmem:v3+s15+$0x0], $0xffff;
	_ =	sdelay $0x4  }
0x10c: {  	s16 =	simm.s32 $0x2BC0;
	[tilespmem:$0x2DB0] =	vst v3  }
0x10d: {  	v3 =	vld [tilespmem:s16+$0xFFFFFFC0];
	_ =	sdelay $0x1  }
0x10e: {  	v4 =	vld [tilespmem:s16+$0xFFFFFFD0];
	_ =	sdelay $0x1  }
0x10f: {  	v6 =	vld [tilespmem:s16+$0xFFFFFFE0]  }
0x110: {  	vm10 =	vgt.f32 v3, v5  }
0x111: {  	v3 =	vsel vm10, v3, v5;
	v5 =	vld [tilespmem:s16+$0xFFFFFFF0]  }
0x112: {  	vm11 =	vgt.f32 v4, v3  }
0x113: {  	s12 =	simm.s32 $0x0;
	v7 =	vld [tilespmem:s16+$0x0];
	v3 =	vsel vm11, v4, v3;
	v4 =	vimm.s32 $0x0  }
0x114: {  	s4 =	simm.s32 $0x1;
	vm12 =	vgt.f32 v6, v3;
	v4 =	vsel vm10, s12, v4  }
0x115: {  	s24 =	simm.s32 $0x2;
	v3 =	vsel vm12, v6, v3;
	v6 =	vld [tilespmem:s16+$0x10];
	v4 =	vsel vm11, s4, v4  }
0x116: {  	s25 =	simm.s32 $0x3;
	vm13 =	vgt.f32 v5, v3;
	v4 =	vsel vm12, s24, v4  }
0x117: {  	v3 =	vsel vm13, v5, v3;
	v5 =	vsel vm13, s25, v4;
	v4 =	vld [tilespmem:s16+$0x20]  }
0x118: {  	vm14 =	vgt.f32 v7, v3  }
0x119: {  	s30 =	simm.s32 $0x4;
	v7 =	vsel vm14, v7, v3;
	v3 =	vld [tilespmem:s16+$0x30]  }
0x11a: {  	s31 =	simm.s32 $0x5;
	v8 =	vsel vm14, s30, v5;
	s16 =	simm.s32 $0x2C40;
	vm15 =	vgt.f32 v6, v7  }
0x11b: {  	s0 =	simm.s32 $0x10;
	s8 =	simm.s32 $0x8;
	v5 =	vld [tilespmem:s16+$0xFFFFFFC0];
	v7 =	vsel vm15, v6, v7;
	v6 =	vsel vm15, s31, v8  }
.LBB2_11:
0x11c: {  	p1 =	slt.u32 s0, $0x18;
	vm0 =	vgt.f32 v4, v7;
	s4 =	sadd.s32 $0x6, s12  }
0x11d: {  	v8 =	vld [tilespmem:s16+$0xFFFFFFD0];
	v4 =	vsel vm0, v4, v7;
	v6 =	vsel vm0, s4, v6  }
0x11e: {  	s4 =	sadd.s32 $0x7, s12;
	s12 =	smov.u32 s8;
	s8 =	smov.u32 s0;
	vm0 =	vgt.f32 v3, v4  }
0x11f: {  	v7 =	vld [tilespmem:s16+$0xFFFFFFE0];
	v3 =	vsel vm0, v3, v4;
	v4 =	vsel vm0, s4, v6  }
0x120: {  	vm0 =	vgt.f32 v5, v3  }
0x121: {  	v3 =	vsel vm0, v5, v3;
	v4 =	vsel vm0, s12, v4;
	v5 =	vld [tilespmem:s16+$0xFFFFFFF0]  }
0x122: {  	s4 =	sadd.s32 $0x1, s12;
	vm0 =	vgt.f32 v8, v3  }
0x123: {  	v3 =	vsel vm0, v8, v3;
	v4 =	vsel vm0, s4, v4;
	v6 =	vld [tilespmem:s16+$0x0]  }
0x124: {  	s4 =	sadd.s32 $0x2, s12;
	vm0 =	vgt.f32 v7, v3  }
0x125: {  	v3 =	vsel vm0, v7, v3;
	v4 =	vsel vm0, s4, v4;
	v7 =	vld [tilespmem:s16+$0x10]  }
0x126: {  	s4 =	sadd.s32 $0x3, s12;
	vm0 =	vgt.f32 v5, v3  }
.Ltmp6:
0x127: {  	v3 =	vsel vm0, v5, v3;
	v5 =	vsel vm0, s4, v4;
	v4 =	vld [tilespmem:s16+$0x20];
	(pc) =	sbr.rel @p1 .LBB2_11-.Ltmp6, $4  }
0x128: {  	s4 =	sadd.s32 $0x4, s12;
	vm0 =	vgt.f32 v6, v3  }
0x129: {  	v6 =	vsel vm0, v6, v3;
	v8 =	vsel vm0, s4, v5;
	v3 =	vld [tilespmem:s16+$0x30]  }
0x12a: {  	s4 =	sadd.s32 $0x5, s12;
	s16 =	sadd.s32 $0x80, s16;
	vm0 =	vgt.f32 v7, v6  }
0x12b: {  	s0 =	sadd.s32 $0x8, s0;
	v5 =	vld [tilespmem:s16+$0xFFFFFFC0];
	v7 =	vsel vm0, v7, v6;
	v6 =	vsel vm0, s4, v8  }
0x12c: {  	vm0 =	vgt.f32 v4, v7  }
0x12d: {  	v8 =	vld [tilespmem:s16+$0xFFFFFFD0];
	v4 =	vsel vm0, v4, v7  }
0x12e: {  	vm1 =	vgt.f32 v3, v4  }
0x12f: {  	v57 =	vld [tilespmem:s16+$0xFFFFFFE0];
	v3 =	vsel vm1, v3, v4  }
0x130: {  	vm2 =	vgt.f32 v5, v3  }
0x131: {  	v58 =	vld [tilespmem:s16+$0xFFFFFFF0];
	v3 =	vsel vm2, v5, v3  }
0x132: {  	vm3 =	vgt.f32 v8, v3  }
0x133: {  	v59 =	vld [tilespmem:s16+$0x0];
	v3 =	vsel vm3, v8, v3  }
0x134: {  	vm4 =	vgt.f32 v57, v3  }
0x135: {  	s0 =	sadd.s32 $0x6, s12;
	v60 =	vld [tilespmem:s16+$0x10];
	v3 =	vsel vm4, v57, v3  }
0x136: {  	s31 =	sadd.s32 $0x7, s12;
	v6 =	vsel vm0, s0, v6;
	vm11 =	vgt.f32 v58, v3  }
0x137: {  	v61 =	vld [tilespmem:s16+$0x20];
	v6 =	vsel vm1, s31, v6;
	v3 =	vsel vm11, v58, v3  }
0x138: {  	s4 =	sadd.s32 $0x1, s8;
	v6 =	vsel vm2, s8, v6;
	vm12 =	vgt.f32 v59, v3  }
0x139: {  	s12 =	sadd.s32 $0x2, s8;
	v62 =	vld [tilespmem:s16+$0x30];
	v6 =	vsel vm3, s4, v6;
	v3 =	vsel vm12, v59, v3  }
0x13a: {  	s16 =	sadd.s32 $0x3, s8;
	v6 =	vsel vm4, s12, v6;
	vm13 =	vgt.f32 v60, v3  }
0x13b: {  	s24 =	sadd.s32 $0x4, s8;
	v6 =	vsel vm11, s16, v6;
	v3 =	vsel vm13, v60, v3  }
0x13c: {  	s25 =	sadd.s32 $0x5, s8;
	v6 =	vsel vm12, s24, v6;
	vm14 =	vgt.f32 v61, v3  }
0x13d: {  	s30 =	sadd.s32 $0x6, s8;
	v6 =	vsel vm13, s25, v6;
	v3 =	vsel vm14, v61, v3  }
0x13e: {  	s31 =	sadd.s32 $0x7, s8;
	v63 =	vsel vm14, s30, v6;
	vm15 =	vgt.f32 v62, v3  }
0x13f: {  	v3 =	vsel vm15, s31, v63  }
0x140: {  	v4 =	vshll.u32 v3, $0x4  }
0x141: {  	v4 =	vor.u32 v0, v4  }
0x142: {  	v3 =	vadd.s32 v1, v3;
	_ =	sdelay $0x3  }
0x143: {  	[tilespmem:v4+s18+$0x0] =	vst.idx.msk $0xffff, v2  }
0x144: {  	v3 =	vld.idx.msk [tilespmem:v3+s15+$0x0], $0xffff  }
0x145: {  	p1 =	seq.s32 s13, $0x0  }
.Ltmp7:
0x146: {  	_ = 	snop;
	(pc) =	sbr.rel @p1 .LBB2_16-.Ltmp7, $3  }
0x147: {  	_ =	sdelay $0x1  }
0x148: {  	[tilespmem:$0x2DC0] =	vst v3  }
0x149: {  	[tilespmem:s21], [sflag:$0x1] =	stream.indirect.gather [hbm4b:s1+s19], $0x80, s20, s19, $0xb8;
	[tilespmem:$0x8E80] =	vst v63  }
0x14a: {  	s6 =	sadd.s32 s9, s6;
	_ =	swait.ge [sflag:s29], $0x2800  }
0x14b: {  	[sflag:s29] =	ssyncset.done $0x0;
	p3 =	slt.s32 s6, $0x40  }
0x14c: {  	[sflag:s29] =	ssyncadd.s32 $0xFFFFD800;
	s0 =	simm.s32 @!p3 $0x4  }
0x14d: {  	_ =	swait.ge @!p3 [sflag:s0], $0x800  }
0x14e: {  	[sflag:s0] =	ssyncset.done @!p3 $0x0  }
0x14f: {  	s8 =	simm.s32 $0x0;
	[sflag:s0] =	ssyncadd.s32 @!p3 $0xFFFFF800  }
0x150: {  	v3 =	vld [tilespmem:s8+$0x56F0]  }
0x151: {  	v4 =	vld [tilespmem:s8+$0x5EF0]  }
0x152: {  	v5 =	vld [tilespmem:s8+$0x5680]  }
0x153: {  	v6 =	vld [tilespmem:s8+$0x66F0]  }
0x154: {  	v7 =	vld [tilespmem:s8+$0x5E80]  }
0x155: {  	v8 =	vld [tilespmem:s8+$0x6EF0]  }
0x156: {  	v9 =	vld [tilespmem:s8+$0x5690]  }
0x157: {  	v10 =	vld [tilespmem:s8+$0x5E90]  }
0x158: {  	v11 =	vld [tilespmem:s8+$0x5EA0]  }
0x159: {  	v12 =	vld [tilespmem:s8+$0x5EB0]  }
0x15a: {  	v13 =	vld [tilespmem:s8+$0x5EC0]  }
0x15b: {  	v14 =	vld [tilespmem:s8+$0x5ED0]  }
0x15c: {  	v15 =	vld [tilespmem:s8+$0x56E0]  }
0x15d: {  	v16 =	vld [tilespmem:s8+$0x5EE0]  }
0x15e: {  	v17 =	vld [tilespmem:s8+$0x6680]  }
0x15f: {  	v18 =	vld [tilespmem:s8+$0x6690]  }
0x160: {  	v19 =	vld [tilespmem:s8+$0x66A0]  }
0x161: {  	v20 =	vld [tilespmem:s8+$0x66B0]  }
0x162: {  	v21 =	vld [tilespmem:s8+$0x66C0]  }
0x163: {  	v22 =	vld [tilespmem:s8+$0x66D0]  }
0x164: {  	v23 =	vld [tilespmem:s8+$0x66E0];
	v3 =	vadd.f32 v4, v3  }
0x165: {  	v4 =	vld [tilespmem:s8+$0x76F0]  }
0x166: {  	v24 =	vld [tilespmem:s8+$0x6E80];
	v3 =	vadd.f32 v6, v3  }
0x167: {  	v25 =	vld [tilespmem:s8+$0x6E90]  }
0x168: {  	v26 =	vld [tilespmem:s8+$0x6EA0];
	v3 =	vadd.f32 v8, v3  }
0x169: {  	v59 =	vld [tilespmem:s8+$0x7690]  }
0x16a: {  	v6 =	vld [tilespmem:s8+$0x56A0];
	v3 =	vadd.f32 v4, v3  }
0x16b: {  	v5 =	vadd.f32 v7, v5;
	v7 =	vadd.f32 v10, v9;
	v8 =	vld [tilespmem:s8+$0x56B0]  }
0x16c: {  	[tilespmem:s8+$0x86F0] =	vst v3;
	v3 =	vld [tilespmem:s8+$0x56D0]  }
0x16d: {  	v5 =	vadd.f32 v17, v5;
	v7 =	vadd.f32 v18, v7;
	v4 =	vld [tilespmem:s8+$0x56C0]  }
0x16e: {  	v60 =	vld [tilespmem:s8+$0x76A0]  }
0x16f: {  	v9 =	vld [tilespmem:s8+$0x6EB0];
	v61 =	vadd.f32 v24, v5;
	v62 =	vadd.f32 v25, v7  }
0x170: {  	v10 =	vld [tilespmem:s8+$0x6EC0];
	v6 =	vadd.f32 v11, v6;
	v8 =	vadd.f32 v12, v8  }
0x171: {  	v12 =	vadd.f32 v16, v15;
	v3 =	vadd.f32 v14, v3;
	v14 =	vld [tilespmem:s8+$0x7680]  }
0x172: {  	v11 =	vld [tilespmem:s8+$0x6ED0];
	v6 =	vadd.f32 v19, v6;
	v4 =	vadd.f32 v13, v4  }
0x173: {  	v13 =	vld [tilespmem:s8+$0x6EE0];
	v8 =	vadd.f32 v20, v8;
	v12 =	vadd.f32 v23, v12  }
0x174: {  	v7 =	vld [tilespmem:s8+$0x76B0];
	v63 =	vadd.f32 v26, v6;
	v15 =	vadd.f32 v21, v4  }
0x175: {  	v4 =	vadd.f32 v9, v8;
	v8 =	vld [tilespmem:s8+$0x76C0];
	v3 =	vadd.f32 v22, v3  }
0x176: {  	v9 =	vld [tilespmem:s8+$0x76D0];
	v5 =	vadd.f32 v10, v15;
	v14 =	vadd.f32 v14, v61  }
0x177: {  	s12 =	simm.s32 $0x80;
	v10 =	vadd.f32 v59, v62;
	v6 =	vadd.f32 v11, v3;
	v11 =	vld [tilespmem:s8+$0x76E0]  }
0x178: {  	s16 =	simm.s32 $0x400;
	v3 =	vadd.f32 v13, v12;
	v13 =	vld [tilespmem:s12+$0x56F0];
	v12 =	vadd.f32 v60, v63;
	[tilespmem:s8+$0x8680] =	vst v14  }
.LBB2_14:
0x179: {  	p3 =	sne.s32 s16, $0x1E00;
	v14 =	vld [tilespmem:s12+$0x5EF0];
	[tilespmem:s8+$0x8690] =	vst v10;
	v4 =	vadd.f32 v7, v4  }
0x17a: {  	v7 =	vld [tilespmem:s12+$0x5680];
	[tilespmem:s8+$0x86A0] =	vst v12;
	v5 =	vadd.f32 v8, v5  }
0x17b: {  	v8 =	vld [tilespmem:s12+$0x66F0];
	[tilespmem:s8+$0x86B0] =	vst v4;
	v4 =	vadd.f32 v9, v6  }
0x17c: {  	v6 =	vld [tilespmem:s12+$0x5E80];
	[tilespmem:s8+$0x86C0] =	vst v5;
	v3 =	vadd.f32 v11, v3  }
0x17d: {  	v5 =	vld [tilespmem:s12+$0x6EF0];
	[tilespmem:s8+$0x86D0] =	vst v4  }
0x17e: {  	v4 =	vld [tilespmem:s12+$0x5690];
	v9 =	vadd.f32 v14, v13;
	[tilespmem:s8+$0x86E0] =	vst v3;
	s8 =	smov.u32 s12  }
0x17f: {  	v3 =	vld [tilespmem:s8+$0x76F0]  }
0x180: {  	v10 =	vld [tilespmem:s8+$0x5E90];
	v8 =	vadd.f32 v8, v9  }
0x181: {  	v6 =	vadd.f32 v6, v7;
	v7 =	vld [tilespmem:s8+$0x56A0]  }
0x182: {  	v9 =	vld [tilespmem:s8+$0x5EA0];
	v5 =	vadd.f32 v5, v8  }
0x183: {  	v8 =	vld [tilespmem:s8+$0x56B0]  }
0x184: {  	v11 =	vld [tilespmem:s8+$0x5EB0];
	v3 =	vadd.f32 v3, v5  }
0x185: {  	v4 =	vadd.f32 v10, v4;
	v5 =	vld [tilespmem:s8+$0x56C0]  }
0x186: {  	v10 =	vld [tilespmem:s8+$0x5EC0];
	[tilespmem:s8+$0x86F0] =	vst v3  }
0x187: {  	v3 =	vadd.f32 v9, v7;
	v7 =	vld [tilespmem:s8+$0x56D0]  }
0x188: {  	v9 =	vld [tilespmem:s8+$0x5ED0]  }
0x189: {  	v8 =	vadd.f32 v11, v8;
	v11 =	vld [tilespmem:s8+$0x56E0]  }
0x18a: {  	v12 =	vld [tilespmem:s8+$0x5EE0]  }
0x18b: {  	v13 =	vld [tilespmem:s8+$0x6680];
	v5 =	vadd.f32 v10, v5  }
0x18c: {  	v10 =	vld [tilespmem:s8+$0x6690]  }
0x18d: {  	v14 =	vld [tilespmem:s8+$0x66A0];
	v7 =	vadd.f32 v9, v7  }
0x18e: {  	v9 =	vld [tilespmem:s8+$0x66B0]  }
0x18f: {  	v15 =	vld [tilespmem:s8+$0x66C0];
	v11 =	vadd.f32 v12, v11  }
0x190: {  	v6 =	vadd.f32 v13, v6;
	v12 =	vld [tilespmem:s8+$0x66D0]  }
0x191: {  	v4 =	vadd.f32 v10, v4;
	v10 =	vld [tilespmem:s8+$0x66E0]  }
0x192: {  	v13 =	vld [tilespmem:s8+$0x6E80];
	v3 =	vadd.f32 v14, v3  }
0x193: {  	v14 =	vld [tilespmem:s8+$0x6E90];
	v8 =	vadd.f32 v9, v8  }
0x194: {  	v9 =	vld [tilespmem:s8+$0x6EA0];
	v5 =	vadd.f32 v15, v5  }
0x195: {  	v15 =	vld [tilespmem:s8+$0x6EB0];
	v12 =	vadd.f32 v12, v7  }
0x196: {  	v7 =	vld [tilespmem:s8+$0x6EC0];
	v10 =	vadd.f32 v10, v11  }
0x197: {  	v11 =	vadd.f32 v13, v6;
	v6 =	vld [tilespmem:s8+$0x6ED0]  }
0x198: {  	v13 =	vadd.f32 v14, v4;
	v14 =	vld [tilespmem:s8+$0x6EE0]  }
0x199: {  	v16 =	vld [tilespmem:s8+$0x7680];
	v17 =	vadd.f32 v9, v3  }
0x19a: {  	v18 =	vld [tilespmem:s8+$0x7690];
	v4 =	vadd.f32 v15, v8  }
0x19b: {  	v15 =	vld [tilespmem:s8+$0x76A0];
	v5 =	vadd.f32 v7, v5  }
.Ltmp8:
0x19c: {  	v7 =	vld [tilespmem:s8+$0x76B0];
	v6 =	vadd.f32 v6, v12;
	(pc) =	sbr.rel @p3 .LBB2_14-.Ltmp8, $4  }
0x19d: {  	v8 =	vld [tilespmem:s8+$0x76C0];
	v3 =	vadd.f32 v14, v10  }
0x19e: {  	v12 =	vadd.f32 v16, v11;
	v9 =	vld [tilespmem:s8+$0x76D0]  }
0x19f: {  	s12 =	sshra.s32 s16, $0x2;
	v10 =	vadd.f32 v18, v13;
	v11 =	vld [tilespmem:s8+$0x76E0]  }
0x1a0: {  	s16 =	sadd.s32 $0x200, s16;
	v13 =	vld [tilespmem:s12+$0x56F0];
	[tilespmem:s8+$0x8680] =	vst v12;
	v12 =	vadd.f32 v15, v17  }
0x1a1: {  	v14 =	vld [tilespmem:s12+$0x5EF0]  }
0x1a2: {  	v15 =	vld [tilespmem:s12+$0x5680]  }
0x1a3: {  	v16 =	vld [tilespmem:s12+$0x66F0]  }
0x1a4: {  	v17 =	vld [tilespmem:s12+$0x5E80]  }
0x1a5: {  	v18 =	vld [tilespmem:s12+$0x6EF0]  }
0x1a6: {  	v19 =	vld [tilespmem:s12+$0x5690]  }
0x1a7: {  	v60 =	vld [tilespmem:s12+$0x76F0]  }
0x1a8: {  	v20 =	vld [tilespmem:s12+$0x5E90]  }
0x1a9: {  	v61 =	vld [tilespmem:s12+$0x56A0]  }
0x1aa: {  	v21 =	vld [tilespmem:s12+$0x5EA0]  }
0x1ab: {  	v62 =	vld [tilespmem:s12+$0x56B0]  }
0x1ac: {  	v22 =	vld [tilespmem:s12+$0x5EB0]  }
0x1ad: {  	v63 =	vld [tilespmem:s12+$0x56C0]  }
0x1ae: {  	v23 =	vld [tilespmem:s12+$0x5EC0]  }
0x1af: {  	v36 =	vld [tilespmem:s12+$0x56D0]  }
0x1b0: {  	v24 =	vld [tilespmem:s12+$0x5ED0]  }
0x1b1: {  	v25 =	vld [tilespmem:s12+$0x56E0]  }
0x1b2: {  	v26 =	vld [tilespmem:s12+$0x5EE0]  }
0x1b3: {  	v27 =	vld [tilespmem:s12+$0x6680]  }
0x1b4: {  	v28 =	vld [tilespmem:s12+$0x6690]  }
0x1b5: {  	v29 =	vld [tilespmem:s12+$0x66A0]  }
0x1b6: {  	v30 =	vld [tilespmem:s12+$0x66B0]  }
0x1b7: {  	v31 =	vld [tilespmem:s12+$0x66C0]  }
0x1b8: {  	v32 =	vld [tilespmem:s12+$0x66D0]  }
0x1b9: {  	v33 =	vld [tilespmem:s12+$0x66E0]  }
0x1ba: {  	v34 =	vld [tilespmem:s12+$0x6E80];
	v4 =	vadd.f32 v7, v4;
	v5 =	vadd.f32 v8, v5  }
0x1bb: {  	v35 =	vld [tilespmem:s12+$0x6E90];
	v6 =	vadd.f32 v9, v6;
	v3 =	vadd.f32 v11, v3  }
0x1bc: {  	v37 =	vld [tilespmem:s12+$0x6EA0];
	v13 =	vadd.f32 v14, v13;
	v39 =	vadd.f32 v17, v15  }
0x1bd: {  	v38 =	vld [tilespmem:s12+$0x6EB0];
	v40 =	vadd.f32 v20, v19;
	v42 =	vadd.f32 v22, v62  }
0x1be: {  	v41 =	vld [tilespmem:s12+$0x6EC0];
	v14 =	vadd.f32 v23, v63;
	v45 =	vadd.f32 v26, v25  }
0x1bf: {  	v43 =	vld [tilespmem:s12+$0x6ED0];
	v13 =	vadd.f32 v16, v13;
	v16 =	vadd.f32 v21, v61  }
0x1c0: {  	v44 =	vld [tilespmem:s12+$0x6EE0];
	v9 =	vadd.f32 v27, v39;
	v47 =	vadd.f32 v28, v40  }
0x1c1: {  	v46 =	vld [tilespmem:s12+$0x7680];
	[tilespmem:s8+$0x8690] =	vst v10;
	v50 =	vadd.f32 v30, v42;
	v14 =	vadd.f32 v31, v14  }
0x1c2: {  	v49 =	vld [tilespmem:s12+$0x7690];
	[tilespmem:s8+$0x86A0] =	vst v12;
	v54 =	vadd.f32 v33, v45;
	v13 =	vadd.f32 v18, v13  }
0x1c3: {  	v53 =	vld [tilespmem:s12+$0x76B0];
	[tilespmem:s8+$0x86B0] =	vst v4;
	v48 =	vadd.f32 v29, v16;
	v9 =	vadd.f32 v34, v9  }
0x1c4: {  	v55 =	vld [tilespmem:s12+$0x76C0];
	[tilespmem:s8+$0x86C0] =	vst v5;
	v10 =	vadd.f32 v35, v47;
	v13 =	vadd.f32 v60, v13  }
0x1c5: {  	v51 =	vld [tilespmem:s12+$0x76A0];
	[tilespmem:s8+$0x86E0] =	vst v3;
	v3 =	vadd.f32 v38, v50;
	v61 =	vadd.f32 v41, v14  }
0x1c6: {  	v57 =	vadd.f32 v46, v9;
	v60 =	vld [tilespmem:s12+$0x76E0];
	[tilespmem:s12+$0x86F0] =	vst v13;
	v13 =	vadd.f32 v24, v36  }
0x1c7: {  	v58 =	vld [tilespmem:s12+$0x76D0];
	[tilespmem:s8+$0x86D0] =	vst v6;
	v56 =	vadd.f32 v37, v48;
	v59 =	vadd.f32 v49, v10  }
0x1c8: {  	v3 =	vadd.f32 v53, v3;
	[tilespmem:s12+$0x8680] =	vst v57;
	v52 =	vadd.f32 v32, v13  }
0x1c9: {  	v5 =	vadd.f32 v44, v54;
	v62 =	vadd.f32 v55, v61;
	[tilespmem:s12+$0x8690] =	vst v59  }
0x1ca: {  	v6 =	vadd.f32 v51, v56;
	[tilespmem:s12+$0x86B0] =	vst v3;
	v4 =	vadd.f32 v43, v52  }
0x1cb: {  	[tilespmem:s12+$0x86C0] =	vst v62;
	v63 =	vadd.f32 v60, v5  }
0x1cc: {  	s0 =	sshll.u32 s6, $0x8;
	[tilespmem:s12+$0x86A0] =	vst v6;
	v3 =	vadd.f32 v58, v4  }
0x1cd: {  	s0 =	sand.u32 $0x1FFFFF00, s0;
	[tilespmem:s12+$0x86E0] =	vst v63  }
0x1ce: {  	s4 =	simm.s32 $0x8680;
	s0 =	sadd.s32 s3, s0;
	[tilespmem:s12+$0x86D0] =	vst v3  }
0x1cf: {  	[hbm4b:s0+s5] =	stream.linear.scatter [tilespmem:s4], [sflag:$0x4], $0x800, $0x38;
	[tilespmem:$0x8E80] =	vst v63  }
.LBB2_16:
.Ltmp9:
0x1d0: {  	(pc) =	sbr.rel @p2 .LBB2_28-.Ltmp9, $1  }
0x1d1: {  	_ =	sdelay $0x3  }
0x1d2: {  	_ =	swait.ge [sflag:s22], $0x200  }
0x1d3: {  	p2 =	sgt.u32 s11, $0x250;
	[sflag:s22] =	ssyncset.done $0x0  }
0x1d4: {  	s0 =	sshll.u32 @!p2 s11, $0x7;
	s4 =	simm.s32 @!p2 $0x80;
	s6 =	simm.s32 @!p2 $0x100  }
0x1d5: {  	s8 =	simm.s32 @!p2 $0x2780;
	[sflag:s22] =	ssyncadd.s32 $0xFFFFFE00;
	s0 =	sadd.s32 @!p2 s0, s10  }
0x1d6: {  	[tilespmem:s8], [sflag:$0x5] =	stream.strided.gather @!p2 [hbm4b:s0+s4], $0x200, s6, s4, $0x38;
	[tilespmem:$0x8E80] =	vst v63  }
0x1d7: {  	v4 =	vimm.f32 $-Inf;
	v3 =	vimm.s32 $0x0;
	s6 =	simm.s32 $0x0;
	s8 =	simm.s32 $0x2BC0  }
.LBB2_18:
0x1d8: {  	v5 =	vor.u32 s6, v1;
	_ =	sdelay $0x4  }
0x1d9: {  	v5 =	vld.idx.msk [tilespmem:v5+s23+$0x0], $0xffff;
	_ =	sdelay $0x7  }
0x1da: {  	s0 =	sadd.s32 $0x1, s6;
	v5 =	vld.idx.msk [tilespmem:v5+s5+$0x0], $0xffff  }
0x1db: {  	v6 =	vor.u32 s0, v1;
	_ =	sdelay $0x3  }
0x1dc: {  	[tilespmem:s8+$0xFFFFFFC0] =	vst v5  }
0x1dd: {  	v6 =	vld.idx.msk [tilespmem:v6+s23+$0x0], $0xffff;
	_ =	sdelay $0x7  }
0x1de: {  	s4 =	sadd.s32 $0x2, s6;
	v6 =	vld.idx.msk [tilespmem:v6+s5+$0x0], $0xffff  }
0x1df: {  	v7 =	vor.u32 s4, v1;
	_ =	sdelay $0x3  }
0x1e0: {  	[tilespmem:s8+$0xFFFFFFD0] =	vst v6  }
0x1e1: {  	v7 =	vld.idx.msk [tilespmem:v7+s23+$0x0], $0xffff;
	_ =	sdelay $0x7  }
0x1e2: {  	s11 =	sadd.s32 $0x3, s6;
	v7 =	vld.idx.msk [tilespmem:v7+s5+$0x0], $0xffff  }
0x1e3: {  	v8 =	vor.u32 s11, v1;
	_ =	sdelay $0x3  }
0x1e4: {  	[tilespmem:s8+$0xFFFFFFE0] =	vst v7  }
0x1e5: {  	v8 =	vld.idx.msk [tilespmem:v8+s23+$0x0], $0xffff;
	_ =	sdelay $0x7  }
0x1e6: {  	s12 =	sadd.s32 $0x4, s6;
	v8 =	vld.idx.msk [tilespmem:v8+s5+$0x0], $0xffff  }
0x1e7: {  	v9 =	vor.u32 s12, v1;
	_ =	sdelay $0x3  }
0x1e8: {  	[tilespmem:s8+$0xFFFFFFF0] =	vst v8  }
0x1e9: {  	v9 =	vld.idx.msk [tilespmem:v9+s23+$0x0], $0xffff;
	_ =	sdelay $0x7  }
0x1ea: {  	s16 =	sadd.s32 $0x5, s6;
	v9 =	vld.idx.msk [tilespmem:v9+s5+$0x0], $0xffff  }
0x1eb: {  	v10 =	vor.u32 s16, v1;
	_ =	sdelay $0x3  }
0x1ec: {  	[tilespmem:s8+$0x0] =	vst v9  }
0x1ed: {  	v10 =	vld.idx.msk [tilespmem:v10+s23+$0x0], $0xffff;
	_ =	sdelay $0x7  }
0x1ee: {  	s24 =	sadd.s32 $0x6, s6;
	v10 =	vld.idx.msk [tilespmem:v10+s5+$0x0], $0xffff  }
0x1ef: {  	v11 =	vor.u32 s24, v1;
	_ =	sdelay $0x3  }
0x1f0: {  	[tilespmem:s8+$0x10] =	vst v10  }
0x1f1: {  	v11 =	vld.idx.msk [tilespmem:v11+s23+$0x0], $0xffff;
	_ =	sdelay $0x7  }
0x1f2: {  	s25 =	sadd.s32 $0x7, s6;
	v11 =	vld.idx.msk [tilespmem:v11+s5+$0x0], $0xffff  }
0x1f3: {  	v12 =	vor.u32 s25, v1;
	_ =	sdelay $0x3  }
0x1f4: {  	vm0 =	vgt.f32 v5, v4;
	[tilespmem:s8+$0x20] =	vst v11  }
0x1f5: {  	v4 =	vsel vm0, v5, v4;
	v5 =	vld.idx.msk [tilespmem:v12+s23+$0x0], $0xffff  }
0x1f6: {  	vm1 =	vgt.f32 v6, v4  }
0x1f7: {  	v4 =	vsel vm1, v6, v4  }
0x1f8: {  	vm2 =	vgt.f32 v7, v4  }
0x1f9: {  	v4 =	vsel vm2, v7, v4  }
0x1fa: {  	vm3 =	vgt.f32 v8, v4  }
0x1fb: {  	v4 =	vsel vm3, v8, v4  }
0x1fc: {  	v3 =	vsel vm0, s6, v3;
	vm12 =	vgt.f32 v9, v4  }
0x1fd: {  	v3 =	vsel vm1, s0, v3;
	v4 =	vsel vm12, v9, v4;
	v5 =	vld.idx.msk [tilespmem:v5+s5+$0x0], $0xffff  }
0x1fe: {  	p2 =	slt.u32 s6, $0x18;
	v3 =	vsel vm2, s4, v3;
	vm13 =	vgt.f32 v10, v4  }
.Ltmp10:
0x1ff: {  	v3 =	vsel vm3, s11, v3;
	v4 =	vsel vm13, v10, v4;
	(pc) =	sbr.rel @p2 .LBB2_18-.Ltmp10, $4  }
0x200: {  	v3 =	vsel vm12, s12, v3;
	vm14 =	vgt.f32 v11, v4  }
0x201: {  	v3 =	vsel vm13, s16, v3;
	v4 =	vsel vm14, v11, v4  }
0x202: {  	v3 =	vsel vm14, s24, v3;
	vm15 =	vgt.f32 v5, v4  }
0x203: {  	s6 =	sadd.s32 $0x8, s6;
	[tilespmem:s8+$0x30] =	vst v5;
	s8 =	sadd.s32 $0x80, s8;
	v4 =	vsel vm15, v5, v4;
	v3 =	vsel vm15, s25, v3  }
0x204: {  	v4 =	vshll.u32 v3, $0x4  }
0x205: {  	v4 =	vor.u32 v0, v4  }
0x206: {  	v3 =	vadd.s32 v1, v3;
	_ =	sdelay $0x2  }
0x207: {  	v5 =	vimm.f32 $-Inf  }
0x208: {  	[tilespmem:v4+s18+$0x0] =	vst.idx.msk $0xffff, v5  }
0x209: {  	v3 =	vld.idx.msk [tilespmem:v3+s23+$0x0], $0xffff;
	_ =	sdelay $0x4  }
0x20a: {  	s0 =	simm.s32 $0x2BC0;
	[tilespmem:$0x2E00] =	vst v3  }
0x20b: {  	v3 =	vld [tilespmem:s0+$0xFFFFFFC0];
	_ =	sdelay $0x1  }
0x20c: {  	v4 =	vld [tilespmem:s0+$0xFFFFFFD0];
	_ =	sdelay $0x1  }
0x20d: {  	v6 =	vld [tilespmem:s0+$0xFFFFFFE0]  }
0x20e: {  	vm0 =	vgt.f32 v3, v5  }
0x20f: {  	v3 =	vsel vm0, v3, v5;
	v5 =	vld [tilespmem:s0+$0xFFFFFFF0]  }
0x210: {  	vm1 =	vgt.f32 v4, v3  }
0x211: {  	s8 =	simm.s32 $0x0;
	v7 =	vld [tilespmem:s0+$0x0];
	v3 =	vsel vm1, v4, v3;
	v4 =	vimm.s32 $0x0  }
0x212: {  	s4 =	simm.s32 $0x1;
	vm2 =	vgt.f32 v6, v3;
	v4 =	vsel vm0, s8, v4  }
0x213: {  	s24 =	simm.s32 $0x2;
	v3 =	vsel vm2, v6, v3;
	v6 =	vld [tilespmem:s0+$0x10];
	v4 =	vsel vm1, s4, v4  }
0x214: {  	s25 =	simm.s32 $0x3;
	vm13 =	vgt.f32 v5, v3;
	v4 =	vsel vm2, s24, v4  }
0x215: {  	v3 =	vsel vm13, v5, v3;
	v5 =	vsel vm13, s25, v4;
	v4 =	vld [tilespmem:s0+$0x20]  }
0x216: {  	vm14 =	vgt.f32 v7, v3  }
0x217: {  	s30 =	simm.s32 $0x4;
	v7 =	vsel vm14, v7, v3;
	v3 =	vld [tilespmem:s0+$0x30]  }
0x218: {  	s31 =	simm.s32 $0x5;
	s11 =	simm.s32 $0x2C40;
	v8 =	vsel vm14, s30, v5;
	vm15 =	vgt.f32 v6, v7  }
0x219: {  	s6 =	simm.s32 $0x8;
	v5 =	vld [tilespmem:s11+$0xFFFFFFC0];
	s0 =	simm.s32 $0x10;
	v7 =	vsel vm15, v6, v7;
	v6 =	vsel vm15, s31, v8  }
.LBB2_20:
0x21a: {  	p2 =	slt.u32 s0, $0x18;
	vm0 =	vgt.f32 v4, v7;
	s4 =	sadd.s32 $0x6, s8  }
0x21b: {  	v8 =	vld [tilespmem:s11+$0xFFFFFFD0];
	v4 =	vsel vm0, v4, v7;
	v6 =	vsel vm0, s4, v6  }
0x21c: {  	s4 =	sadd.s32 $0x7, s8;
	s8 =	smov.u32 s6;
	s6 =	smov.u32 s0;
	vm0 =	vgt.f32 v3, v4  }
0x21d: {  	v7 =	vld [tilespmem:s11+$0xFFFFFFE0];
	v3 =	vsel vm0, v3, v4;
	v4 =	vsel vm0, s4, v6  }
0x21e: {  	vm0 =	vgt.f32 v5, v3  }
0x21f: {  	v3 =	vsel vm0, v5, v3;
	v4 =	vsel vm0, s8, v4;
	v5 =	vld [tilespmem:s11+$0xFFFFFFF0]  }
0x220: {  	s4 =	sadd.s32 $0x1, s8;
	vm0 =	vgt.f32 v8, v3  }
0x221: {  	v3 =	vsel vm0, v8, v3;
	v4 =	vsel vm0, s4, v4;
	v6 =	vld [tilespmem:s11+$0x0]  }
0x222: {  	s4 =	sadd.s32 $0x2, s8;
	vm0 =	vgt.f32 v7, v3  }
0x223: {  	v3 =	vsel vm0, v7, v3;
	v4 =	vsel vm0, s4, v4;
	v7 =	vld [tilespmem:s11+$0x10]  }
0x224: {  	s4 =	sadd.s32 $0x3, s8;
	vm0 =	vgt.f32 v5, v3  }
.Ltmp11:
0x225: {  	v3 =	vsel vm0, v5, v3;
	v5 =	vsel vm0, s4, v4;
	v4 =	vld [tilespmem:s11+$0x20];
	(pc) =	sbr.rel @p2 .LBB2_20-.Ltmp11, $4  }
0x226: {  	s4 =	sadd.s32 $0x4, s8;
	vm0 =	vgt.f32 v6, v3  }
0x227: {  	v6 =	vsel vm0, v6, v3;
	v8 =	vsel vm0, s4, v5;
	v3 =	vld [tilespmem:s11+$0x30]  }
0x228: {  	s4 =	sadd.s32 $0x5, s8;
	s11 =	sadd.s32 $0x80, s11;
	vm0 =	vgt.f32 v7, v6  }
0x229: {  	s0 =	sadd.s32 $0x8, s0;
	v5 =	vld [tilespmem:s11+$0xFFFFFFC0];
	v7 =	vsel vm0, v7, v6;
	v6 =	vsel vm0, s4, v8  }
0x22a: {  	vm0 =	vgt.f32 v4, v7  }
0x22b: {  	v8 =	vld [tilespmem:s11+$0xFFFFFFD0];
	v4 =	vsel vm0, v4, v7  }
0x22c: {  	vm1 =	vgt.f32 v3, v4  }
0x22d: {  	v7 =	vld [tilespmem:s11+$0xFFFFFFE0];
	v3 =	vsel vm1, v3, v4  }
0x22e: {  	vm2 =	vgt.f32 v5, v3  }
0x22f: {  	v4 =	vld [tilespmem:s11+$0xFFFFFFF0];
	v3 =	vsel vm2, v5, v3  }
0x230: {  	vm3 =	vgt.f32 v8, v3  }
0x231: {  	v5 =	vld [tilespmem:s11+$0x0];
	v3 =	vsel vm3, v8, v3  }
0x232: {  	vm4 =	vgt.f32 v7, v3  }
0x233: {  	s0 =	sadd.s32 $0x6, s8;
	v3 =	vsel vm4, v7, v3;
	v7 =	vld [tilespmem:s11+$0x10]  }
0x234: {  	s24 =	sadd.s32 $0x7, s8;
	v6 =	vsel vm0, s0, v6;
	vm5 =	vgt.f32 v4, v3  }
0x235: {  	v6 =	vsel vm1, s24, v6;
	v3 =	vsel vm5, v4, v3;
	v4 =	vld [tilespmem:s11+$0x20]  }
0x236: {  	s25 =	sadd.s32 $0x1, s6;
	v6 =	vsel vm2, s6, v6;
	vm6 =	vgt.f32 v5, v3  }
0x237: {  	s30 =	sadd.s32 $0x2, s6;
	v6 =	vsel vm3, s25, v6;
	v3 =	vsel vm6, v5, v3;
	v5 =	vld [tilespmem:s11+$0x30]  }
0x238: {  	s31 =	sadd.s32 $0x3, s6;
	v6 =	vsel vm4, s30, v6;
	vm7 =	vgt.f32 v7, v3  }
0x239: {  	s4 =	sadd.s32 $0x4, s6;
	v6 =	vsel vm5, s31, v6;
	v3 =	vsel vm7, v7, v3  }
0x23a: {  	s8 =	sadd.s32 $0x5, s6;
	v6 =	vsel vm6, s4, v6;
	vm8 =	vgt.f32 v4, v3  }
0x23b: {  	s11 =	sadd.s32 $0x6, s6;
	v6 =	vsel vm7, s8, v6;
	v3 =	vsel vm8, v4, v3  }
0x23c: {  	s12 =	sadd.s32 $0x7, s6;
	v4 =	vsel vm8, s11, v6;
	vm9 =	vgt.f32 v5, v3  }
0x23d: {  	v3 =	vsel vm9, s12, v4  }
0x23e: {  	v4 =	vshll.u32 v3, $0x4  }
0x23f: {  	v4 =	vor.u32 v0, v4  }
0x240: {  	v3 =	vadd.s32 v1, v3;
	_ =	sdelay $0x2  }
0x241: {  	v5 =	vimm.f32 $-Inf  }
0x242: {  	[tilespmem:v4+s18+$0x0] =	vst.idx.msk $0xffff, v5  }
0x243: {  	v3 =	vld.idx.msk [tilespmem:v3+s23+$0x0], $0xffff;
	_ =	sdelay $0x4  }
0x244: {  	s16 =	simm.s32 $0x2BC0;
	[tilespmem:$0x2E10] =	vst v3  }
0x245: {  	v3 =	vld [tilespmem:s16+$0xFFFFFFC0];
	_ =	sdelay $0x1  }
0x246: {  	v4 =	vld [tilespmem:s16+$0xFFFFFFD0];
	_ =	sdelay $0x1  }
0x247: {  	v6 =	vld [tilespmem:s16+$0xFFFFFFE0]  }
0x248: {  	vm10 =	vgt.f32 v3, v5  }
0x249: {  	v3 =	vsel vm10, v3, v5;
	v5 =	vld [tilespmem:s16+$0xFFFFFFF0]  }
0x24a: {  	vm11 =	vgt.f32 v4, v3  }
0x24b: {  	s8 =	simm.s32 $0x0;
	v7 =	vld [tilespmem:s16+$0x0];
	v3 =	vsel vm11, v4, v3;
	v4 =	vimm.s32 $0x0  }
0x24c: {  	s4 =	simm.s32 $0x1;
	vm12 =	vgt.f32 v6, v3;
	v4 =	vsel vm10, s8, v4  }
0x24d: {  	s24 =	simm.s32 $0x2;
	v3 =	vsel vm12, v6, v3;
	v6 =	vld [tilespmem:s16+$0x10];
	v4 =	vsel vm11, s4, v4  }
0x24e: {  	s25 =	simm.s32 $0x3;
	vm13 =	vgt.f32 v5, v3;
	v4 =	vsel vm12, s24, v4  }
0x24f: {  	v3 =	vsel vm13, v5, v3;
	v5 =	vsel vm13, s25, v4;
	v4 =	vld [tilespmem:s16+$0x20]  }
0x250: {  	vm14 =	vgt.f32 v7, v3  }
0x251: {  	s30 =	simm.s32 $0x4;
	v7 =	vsel vm14, v7, v3;
	v3 =	vld [tilespmem:s16+$0x30]  }
0x252: {  	s31 =	simm.s32 $0x5;
	s11 =	simm.s32 $0x2C40;
	v8 =	vsel vm14, s30, v5;
	vm15 =	vgt.f32 v6, v7  }
0x253: {  	s0 =	simm.s32 $0x10;
	s6 =	simm.s32 $0x8;
	v5 =	vld [tilespmem:s11+$0xFFFFFFC0];
	v7 =	vsel vm15, v6, v7;
	v6 =	vsel vm15, s31, v8  }
.LBB2_22:
0x254: {  	p2 =	slt.u32 s0, $0x18;
	vm0 =	vgt.f32 v4, v7;
	s4 =	sadd.s32 $0x6, s8  }
0x255: {  	v8 =	vld [tilespmem:s11+$0xFFFFFFD0];
	v4 =	vsel vm0, v4, v7;
	v6 =	vsel vm0, s4, v6  }
0x256: {  	s4 =	sadd.s32 $0x7, s8;
	s8 =	smov.u32 s6;
	s6 =	smov.u32 s0;
	vm0 =	vgt.f32 v3, v4  }
0x257: {  	v7 =	vld [tilespmem:s11+$0xFFFFFFE0];
	v3 =	vsel vm0, v3, v4;
	v4 =	vsel vm0, s4, v6  }
0x258: {  	vm0 =	vgt.f32 v5, v3  }
0x259: {  	v3 =	vsel vm0, v5, v3;
	v4 =	vsel vm0, s8, v4;
	v5 =	vld [tilespmem:s11+$0xFFFFFFF0]  }
0x25a: {  	s4 =	sadd.s32 $0x1, s8;
	vm0 =	vgt.f32 v8, v3  }
0x25b: {  	v3 =	vsel vm0, v8, v3;
	v4 =	vsel vm0, s4, v4;
	v6 =	vld [tilespmem:s11+$0x0]  }
0x25c: {  	s4 =	sadd.s32 $0x2, s8;
	vm0 =	vgt.f32 v7, v3  }
0x25d: {  	v3 =	vsel vm0, v7, v3;
	v4 =	vsel vm0, s4, v4;
	v7 =	vld [tilespmem:s11+$0x10]  }
0x25e: {  	s4 =	sadd.s32 $0x3, s8;
	vm0 =	vgt.f32 v5, v3  }
.Ltmp12:
0x25f: {  	v3 =	vsel vm0, v5, v3;
	v5 =	vsel vm0, s4, v4;
	v4 =	vld [tilespmem:s11+$0x20];
	(pc) =	sbr.rel @p2 .LBB2_22-.Ltmp12, $4  }
0x260: {  	s4 =	sadd.s32 $0x4, s8;
	vm0 =	vgt.f32 v6, v3  }
0x261: {  	v6 =	vsel vm0, v6, v3;
	v8 =	vsel vm0, s4, v5;
	v3 =	vld [tilespmem:s11+$0x30]  }
0x262: {  	s4 =	sadd.s32 $0x5, s8;
	s11 =	sadd.s32 $0x80, s11;
	vm0 =	vgt.f32 v7, v6  }
0x263: {  	s0 =	sadd.s32 $0x8, s0;
	v5 =	vld [tilespmem:s11+$0xFFFFFFC0];
	v7 =	vsel vm0, v7, v6;
	v6 =	vsel vm0, s4, v8  }
0x264: {  	vm0 =	vgt.f32 v4, v7  }
0x265: {  	v8 =	vld [tilespmem:s11+$0xFFFFFFD0];
	v4 =	vsel vm0, v4, v7  }
0x266: {  	vm1 =	vgt.f32 v3, v4  }
0x267: {  	v7 =	vld [tilespmem:s11+$0xFFFFFFE0];
	v3 =	vsel vm1, v3, v4  }
0x268: {  	vm2 =	vgt.f32 v5, v3  }
0x269: {  	v4 =	vld [tilespmem:s11+$0xFFFFFFF0];
	v3 =	vsel vm2, v5, v3  }
0x26a: {  	vm3 =	vgt.f32 v8, v3  }
0x26b: {  	v5 =	vld [tilespmem:s11+$0x0];
	v3 =	vsel vm3, v8, v3  }
0x26c: {  	vm4 =	vgt.f32 v7, v3  }
0x26d: {  	s0 =	sadd.s32 $0x6, s8;
	v3 =	vsel vm4, v7, v3;
	v7 =	vld [tilespmem:s11+$0x10]  }
0x26e: {  	s24 =	sadd.s32 $0x7, s8;
	v6 =	vsel vm0, s0, v6;
	vm5 =	vgt.f32 v4, v3  }
0x26f: {  	v6 =	vsel vm1, s24, v6;
	v3 =	vsel vm5, v4, v3;
	v4 =	vld [tilespmem:s11+$0x20]  }
0x270: {  	s25 =	sadd.s32 $0x1, s6;
	v6 =	vsel vm2, s6, v6;
	vm6 =	vgt.f32 v5, v3  }
0x271: {  	s30 =	sadd.s32 $0x2, s6;
	v6 =	vsel vm3, s25, v6;
	v3 =	vsel vm6, v5, v3;
	v5 =	vld [tilespmem:s11+$0x30]  }
0x272: {  	s31 =	sadd.s32 $0x3, s6;
	v6 =	vsel vm4, s30, v6;
	vm7 =	vgt.f32 v7, v3  }
0x273: {  	s4 =	sadd.s32 $0x4, s6;
	v6 =	vsel vm5, s31, v6;
	v3 =	vsel vm7, v7, v3  }
0x274: {  	s8 =	sadd.s32 $0x5, s6;
	v6 =	vsel vm6, s4, v6;
	vm8 =	vgt.f32 v4, v3  }
0x275: {  	s11 =	sadd.s32 $0x6, s6;
	v6 =	vsel vm7, s8, v6;
	v3 =	vsel vm8, v4, v3  }
0x276: {  	s12 =	sadd.s32 $0x7, s6;
	v4 =	vsel vm8, s11, v6;
	vm9 =	vgt.f32 v5, v3  }
0x277: {  	v3 =	vsel vm9, s12, v4  }
0x278: {  	v4 =	vshll.u32 v3, $0x4  }
0x279: {  	v4 =	vor.u32 v0, v4  }
0x27a: {  	v3 =	vadd.s32 v1, v3;
	_ =	sdelay $0x2  }
0x27b: {  	v5 =	vimm.f32 $-Inf  }
0x27c: {  	[tilespmem:v4+s18+$0x0] =	vst.idx.msk $0xffff, v5  }
0x27d: {  	v3 =	vld.idx.msk [tilespmem:v3+s23+$0x0], $0xffff;
	_ =	sdelay $0x4  }
0x27e: {  	s16 =	simm.s32 $0x2BC0;
	[tilespmem:$0x2E20] =	vst v3  }
0x27f: {  	v3 =	vld [tilespmem:s16+$0xFFFFFFC0];
	_ =	sdelay $0x1  }
0x280: {  	v4 =	vld [tilespmem:s16+$0xFFFFFFD0];
	_ =	sdelay $0x1  }
0x281: {  	v6 =	vld [tilespmem:s16+$0xFFFFFFE0]  }
0x282: {  	vm10 =	vgt.f32 v3, v5  }
0x283: {  	v3 =	vsel vm10, v3, v5;
	v5 =	vld [tilespmem:s16+$0xFFFFFFF0]  }
0x284: {  	vm11 =	vgt.f32 v4, v3  }
0x285: {  	s8 =	simm.s32 $0x0;
	v7 =	vld [tilespmem:s16+$0x0];
	v3 =	vsel vm11, v4, v3;
	v4 =	vimm.s32 $0x0  }
0x286: {  	s4 =	simm.s32 $0x1;
	vm12 =	vgt.f32 v6, v3;
	v4 =	vsel vm10, s8, v4  }
0x287: {  	s24 =	simm.s32 $0x2;
	v3 =	vsel vm12, v6, v3;
	v6 =	vld [tilespmem:s16+$0x10];
	v4 =	vsel vm11, s4, v4  }
0x288: {  	s25 =	simm.s32 $0x3;
	vm13 =	vgt.f32 v5, v3;
	v4 =	vsel vm12, s24, v4  }
0x289: {  	v3 =	vsel vm13, v5, v3;
	v5 =	vsel vm13, s25, v4;
	v4 =	vld [tilespmem:s16+$0x20]  }
0x28a: {  	vm14 =	vgt.f32 v7, v3  }
0x28b: {  	s30 =	simm.s32 $0x4;
	v7 =	vsel vm14, v7, v3;
	v3 =	vld [tilespmem:s16+$0x30]  }
0x28c: {  	s31 =	simm.s32 $0x5;
	s11 =	simm.s32 $0x2C40;
	v8 =	vsel vm14, s30, v5;
	vm15 =	vgt.f32 v6, v7  }
0x28d: {  	s0 =	simm.s32 $0x10;
	s6 =	simm.s32 $0x8;
	v5 =	vld [tilespmem:s11+$0xFFFFFFC0];
	v7 =	vsel vm15, v6, v7;
	v6 =	vsel vm15, s31, v8  }
.LBB2_24:
0x28e: {  	p2 =	slt.u32 s0, $0x18;
	vm0 =	vgt.f32 v4, v7;
	s4 =	sadd.s32 $0x6, s8  }
0x28f: {  	v8 =	vld [tilespmem:s11+$0xFFFFFFD0];
	v4 =	vsel vm0, v4, v7;
	v6 =	vsel vm0, s4, v6  }
0x290: {  	s4 =	sadd.s32 $0x7, s8;
	s8 =	smov.u32 s6;
	s6 =	smov.u32 s0;
	vm0 =	vgt.f32 v3, v4  }
0x291: {  	v7 =	vld [tilespmem:s11+$0xFFFFFFE0];
	v3 =	vsel vm0, v3, v4;
	v4 =	vsel vm0, s4, v6  }
0x292: {  	vm0 =	vgt.f32 v5, v3  }
0x293: {  	v3 =	vsel vm0, v5, v3;
	v4 =	vsel vm0, s8, v4;
	v5 =	vld [tilespmem:s11+$0xFFFFFFF0]  }
0x294: {  	s4 =	sadd.s32 $0x1, s8;
	vm0 =	vgt.f32 v8, v3  }
0x295: {  	v3 =	vsel vm0, v8, v3;
	v4 =	vsel vm0, s4, v4;
	v6 =	vld [tilespmem:s11+$0x0]  }
0x296: {  	s4 =	sadd.s32 $0x2, s8;
	vm0 =	vgt.f32 v7, v3  }
0x297: {  	v3 =	vsel vm0, v7, v3;
	v4 =	vsel vm0, s4, v4;
	v7 =	vld [tilespmem:s11+$0x10]  }
0x298: {  	s4 =	sadd.s32 $0x3, s8;
	vm0 =	vgt.f32 v5, v3  }
.Ltmp13:
0x299: {  	v3 =	vsel vm0, v5, v3;
	v5 =	vsel vm0, s4, v4;
	v4 =	vld [tilespmem:s11+$0x20];
	(pc) =	sbr.rel @p2 .LBB2_24-.Ltmp13, $4  }
0x29a: {  	s4 =	sadd.s32 $0x4, s8;
	vm0 =	vgt.f32 v6, v3  }
0x29b: {  	v6 =	vsel vm0, v6, v3;
	v8 =	vsel vm0, s4, v5;
	v3 =	vld [tilespmem:s11+$0x30]  }
0x29c: {  	s4 =	sadd.s32 $0x5, s8;
	s11 =	sadd.s32 $0x80, s11;
	vm0 =	vgt.f32 v7, v6  }
0x29d: {  	s0 =	sadd.s32 $0x8, s0;
	v5 =	vld [tilespmem:s11+$0xFFFFFFC0];
	v7 =	vsel vm0, v7, v6;
	v6 =	vsel vm0, s4, v8  }
0x29e: {  	vm0 =	vgt.f32 v4, v7  }
0x29f: {  	v8 =	vld [tilespmem:s11+$0xFFFFFFD0];
	v4 =	vsel vm0, v4, v7  }
0x2a0: {  	vm1 =	vgt.f32 v3, v4  }
0x2a1: {  	v7 =	vld [tilespmem:s11+$0xFFFFFFE0];
	v3 =	vsel vm1, v3, v4  }
0x2a2: {  	vm2 =	vgt.f32 v5, v3  }
0x2a3: {  	v4 =	vld [tilespmem:s11+$0xFFFFFFF0];
	v3 =	vsel vm2, v5, v3  }
0x2a4: {  	vm3 =	vgt.f32 v8, v3  }
0x2a5: {  	v5 =	vld [tilespmem:s11+$0x0];
	v3 =	vsel vm3, v8, v3  }
0x2a6: {  	vm4 =	vgt.f32 v7, v3  }
0x2a7: {  	s0 =	sadd.s32 $0x6, s8;
	v3 =	vsel vm4, v7, v3;
	v7 =	vld [tilespmem:s11+$0x10]  }
0x2a8: {  	s24 =	sadd.s32 $0x7, s8;
	v6 =	vsel vm0, s0, v6;
	vm5 =	vgt.f32 v4, v3  }
0x2a9: {  	v6 =	vsel vm1, s24, v6;
	v3 =	vsel vm5, v4, v3;
	v4 =	vld [tilespmem:s11+$0x20]  }
0x2aa: {  	s25 =	sadd.s32 $0x1, s6;
	v6 =	vsel vm2, s6, v6;
	vm6 =	vgt.f32 v5, v3  }
0x2ab: {  	s30 =	sadd.s32 $0x2, s6;
	v6 =	vsel vm3, s25, v6;
	v3 =	vsel vm6, v5, v3;
	v5 =	vld [tilespmem:s11+$0x30]  }
0x2ac: {  	s31 =	sadd.s32 $0x3, s6;
	v6 =	vsel vm4, s30, v6;
	vm7 =	vgt.f32 v7, v3  }
0x2ad: {  	s4 =	sadd.s32 $0x4, s6;
	v6 =	vsel vm5, s31, v6;
	v3 =	vsel vm7, v7, v3  }
0x2ae: {  	s8 =	sadd.s32 $0x5, s6;
	v6 =	vsel vm6, s4, v6;
	vm8 =	vgt.f32 v4, v3  }
0x2af: {  	s11 =	sadd.s32 $0x6, s6;
	v6 =	vsel vm7, s8, v6;
	v3 =	vsel vm8, v4, v3  }
0x2b0: {  	s12 =	sadd.s32 $0x7, s6;
	v4 =	vsel vm8, s11, v6;
	vm9 =	vgt.f32 v5, v3  }
0x2b1: {  	v3 =	vsel vm9, s12, v4  }
0x2b2: {  	v4 =	vshll.u32 v3, $0x4  }
0x2b3: {  	v4 =	vor.u32 v0, v4  }
0x2b4: {  	v3 =	vadd.s32 v1, v3;
	_ =	sdelay $0x2  }
0x2b5: {  	v5 =	vimm.f32 $-Inf  }
0x2b6: {  	[tilespmem:v4+s18+$0x0] =	vst.idx.msk $0xffff, v5  }
0x2b7: {  	v3 =	vld.idx.msk [tilespmem:v3+s23+$0x0], $0xffff;
	_ =	sdelay $0x4  }
0x2b8: {  	s16 =	simm.s32 $0x2BC0;
	[tilespmem:$0x2E30] =	vst v3  }
0x2b9: {  	v3 =	vld [tilespmem:s16+$0xFFFFFFC0];
	_ =	sdelay $0x1  }
0x2ba: {  	v4 =	vld [tilespmem:s16+$0xFFFFFFD0];
	_ =	sdelay $0x1  }
0x2bb: {  	v6 =	vld [tilespmem:s16+$0xFFFFFFE0]  }
0x2bc: {  	vm10 =	vgt.f32 v3, v5  }
0x2bd: {  	v3 =	vsel vm10, v3, v5;
	v5 =	vld [tilespmem:s16+$0xFFFFFFF0]  }
0x2be: {  	vm11 =	vgt.f32 v4, v3  }
0x2bf: {  	s8 =	simm.s32 $0x0;
	v7 =	vld [tilespmem:s16+$0x0];
	v3 =	vsel vm11, v4, v3;
	v4 =	vimm.s32 $0x0  }
0x2c0: {  	s4 =	simm.s32 $0x1;
	vm12 =	vgt.f32 v6, v3;
	v4 =	vsel vm10, s8, v4  }
0x2c1: {  	s24 =	simm.s32 $0x2;
	v3 =	vsel vm12, v6, v3;
	v6 =	vld [tilespmem:s16+$0x10];
	v4 =	vsel vm11, s4, v4  }
0x2c2: {  	s25 =	simm.s32 $0x3;
	vm13 =	vgt.f32 v5, v3;
	v4 =	vsel vm12, s24, v4  }
0x2c3: {  	v3 =	vsel vm13, v5, v3;
	v5 =	vsel vm13, s25, v4;
	v4 =	vld [tilespmem:s16+$0x20]  }
0x2c4: {  	vm14 =	vgt.f32 v7, v3  }
0x2c5: {  	s30 =	simm.s32 $0x4;
	v7 =	vsel vm14, v7, v3;
	v3 =	vld [tilespmem:s16+$0x30]  }
0x2c6: {  	s31 =	simm.s32 $0x5;
	s11 =	simm.s32 $0x2C40;
	v8 =	vsel vm14, s30, v5;
	vm15 =	vgt.f32 v6, v7  }
0x2c7: {  	s0 =	simm.s32 $0x10;
	s6 =	simm.s32 $0x8;
	v5 =	vld [tilespmem:s11+$0xFFFFFFC0];
	v7 =	vsel vm15, v6, v7;
	v6 =	vsel vm15, s31, v8  }
.LBB2_26:
0x2c8: {  	p2 =	slt.u32 s0, $0x18;
	vm0 =	vgt.f32 v4, v7;
	s4 =	sadd.s32 $0x6, s8  }
0x2c9: {  	v8 =	vld [tilespmem:s11+$0xFFFFFFD0];
	v4 =	vsel vm0, v4, v7;
	v6 =	vsel vm0, s4, v6  }
0x2ca: {  	s4 =	sadd.s32 $0x7, s8;
	s8 =	smov.u32 s6;
	s6 =	smov.u32 s0;
	vm0 =	vgt.f32 v3, v4  }
0x2cb: {  	v7 =	vld [tilespmem:s11+$0xFFFFFFE0];
	v3 =	vsel vm0, v3, v4;
	v4 =	vsel vm0, s4, v6  }
0x2cc: {  	vm0 =	vgt.f32 v5, v3  }
0x2cd: {  	v3 =	vsel vm0, v5, v3;
	v4 =	vsel vm0, s8, v4;
	v5 =	vld [tilespmem:s11+$0xFFFFFFF0]  }
0x2ce: {  	s4 =	sadd.s32 $0x1, s8;
	vm0 =	vgt.f32 v8, v3  }
0x2cf: {  	v3 =	vsel vm0, v8, v3;
	v4 =	vsel vm0, s4, v4;
	v6 =	vld [tilespmem:s11+$0x0]  }
0x2d0: {  	s4 =	sadd.s32 $0x2, s8;
	vm0 =	vgt.f32 v7, v3  }
0x2d1: {  	v3 =	vsel vm0, v7, v3;
	v4 =	vsel vm0, s4, v4;
	v7 =	vld [tilespmem:s11+$0x10]  }
0x2d2: {  	s4 =	sadd.s32 $0x3, s8;
	vm0 =	vgt.f32 v5, v3  }
.Ltmp14:
0x2d3: {  	v3 =	vsel vm0, v5, v3;
	v5 =	vsel vm0, s4, v4;
	v4 =	vld [tilespmem:s11+$0x20];
	(pc) =	sbr.rel @p2 .LBB2_26-.Ltmp14, $4  }
0x2d4: {  	s4 =	sadd.s32 $0x4, s8;
	vm0 =	vgt.f32 v6, v3  }
0x2d5: {  	v6 =	vsel vm0, v6, v3;
	v8 =	vsel vm0, s4, v5;
	v3 =	vld [tilespmem:s11+$0x30]  }
0x2d6: {  	s4 =	sadd.s32 $0x5, s8;
	s11 =	sadd.s32 $0x80, s11;
	vm0 =	vgt.f32 v7, v6  }
0x2d7: {  	s0 =	sadd.s32 $0x8, s0;
	v5 =	vld [tilespmem:s11+$0xFFFFFFC0];
	v7 =	vsel vm0, v7, v6;
	v6 =	vsel vm0, s4, v8  }
0x2d8: {  	vm0 =	vgt.f32 v4, v7  }
0x2d9: {  	v8 =	vld [tilespmem:s11+$0xFFFFFFD0];
	v4 =	vsel vm0, v4, v7  }
0x2da: {  	vm1 =	vgt.f32 v3, v4  }
0x2db: {  	v57 =	vld [tilespmem:s11+$0xFFFFFFE0];
	v3 =	vsel vm1, v3, v4  }
0x2dc: {  	vm2 =	vgt.f32 v5, v3  }
0x2dd: {  	v58 =	vld [tilespmem:s11+$0xFFFFFFF0];
	v3 =	vsel vm2, v5, v3  }
0x2de: {  	vm3 =	vgt.f32 v8, v3  }
0x2df: {  	v59 =	vld [tilespmem:s11+$0x0];
	v3 =	vsel vm3, v8, v3  }
0x2e0: {  	vm4 =	vgt.f32 v57, v3  }
0x2e1: {  	s0 =	sadd.s32 $0x6, s8;
	v60 =	vld [tilespmem:s11+$0x10];
	v3 =	vsel vm4, v57, v3  }
0x2e2: {  	s31 =	sadd.s32 $0x7, s8;
	v6 =	vsel vm0, s0, v6;
	vm11 =	vgt.f32 v58, v3  }
0x2e3: {  	v61 =	vld [tilespmem:s11+$0x20];
	v6 =	vsel vm1, s31, v6;
	v3 =	vsel vm11, v58, v3  }
0x2e4: {  	s4 =	sadd.s32 $0x1, s6;
	v6 =	vsel vm2, s6, v6;
	vm12 =	vgt.f32 v59, v3  }
0x2e5: {  	s8 =	sadd.s32 $0x2, s6;
	v62 =	vld [tilespmem:s11+$0x30];
	v6 =	vsel vm3, s4, v6;
	v3 =	vsel vm12, v59, v3  }
0x2e6: {  	s12 =	sadd.s32 $0x3, s6;
	v6 =	vsel vm4, s8, v6;
	vm13 =	vgt.f32 v60, v3  }
0x2e7: {  	s16 =	sadd.s32 $0x4, s6;
	v6 =	vsel vm11, s12, v6;
	v3 =	vsel vm13, v60, v3  }
0x2e8: {  	s24 =	sadd.s32 $0x5, s6;
	v6 =	vsel vm12, s16, v6;
	vm14 =	vgt.f32 v61, v3  }
0x2e9: {  	s25 =	sadd.s32 $0x6, s6;
	v6 =	vsel vm13, s24, v6;
	v3 =	vsel vm14, v61, v3  }
0x2ea: {  	s30 =	sadd.s32 $0x7, s6;
	v63 =	vsel vm14, s25, v6;
	vm15 =	vgt.f32 v62, v3  }
0x2eb: {  	v3 =	vsel vm15, s30, v63  }
0x2ec: {  	v4 =	vshll.u32 v3, $0x4  }
0x2ed: {  	v4 =	vor.u32 v0, v4  }
0x2ee: {  	v3 =	vadd.s32 v1, v3;
	_ =	sdelay $0x3  }
0x2ef: {  	[tilespmem:v4+s18+$0x0] =	vst.idx.msk $0xffff, v2  }
0x2f0: {  	v3 =	vld.idx.msk [tilespmem:v3+s23+$0x0], $0xffff;
	_ =	sdelay $0x4  }
0x2f1: {  	s31 =	simm.s32 $0x2E00;
	s4 =	simm.s32 $0x5680;
	[tilespmem:$0x2E40] =	vst v3  }
0x2f2: {  	[tilespmem:s4], [sflag:$0x2] =	stream.indirect.gather [hbm4b:s1+s19], $0x80, s31, s19, $0xb8;
	[tilespmem:$0x8E80] =	vst v63  }
.LBB2_28:
0x2f3: {  	_ =	swait.ge [sflag:s26], $0x2800  }
0x2f4: {  	[sflag:s26] =	ssyncset.done $0x0  }
0x2f5: {  	s0 =	simm.s32 @!p1 $0x3;
	[sflag:s26] =	ssyncadd.s32 $0xFFFFD800  }
0x2f6: {  	_ =	swait.ge @!p1 [sflag:s0], $0x800  }
0x2f7: {  	[sflag:s0] =	ssyncset.done @!p1 $0x0  }
0x2f8: {  	s6 =	simm.s32 $0x0;
	[sflag:s0] =	ssyncadd.s32 @!p1 $0xFFFFF800  }
0x2f9: {  	v3 =	vld [tilespmem:s6+$0x2EF0]  }
0x2fa: {  	v4 =	vld [tilespmem:s6+$0x36F0]  }
0x2fb: {  	v5 =	vld [tilespmem:s6+$0x2E80]  }
0x2fc: {  	v6 =	vld [tilespmem:s6+$0x3EF0]  }
0x2fd: {  	v7 =	vld [tilespmem:s6+$0x3680]  }
0x2fe: {  	v8 =	vld [tilespmem:s6+$0x46F0]  }
0x2ff: {  	v9 =	vld [tilespmem:s6+$0x2E90]  }
0x300: {  	v10 =	vld [tilespmem:s6+$0x3690]  }
0x301: {  	v11 =	vld [tilespmem:s6+$0x36A0]  }
0x302: {  	v12 =	vld [tilespmem:s6+$0x36B0]  }
0x303: {  	v13 =	vld [tilespmem:s6+$0x36C0]  }
0x304: {  	v14 =	vld [tilespmem:s6+$0x36D0]  }
0x305: {  	v15 =	vld [tilespmem:s6+$0x2EE0]  }
0x306: {  	v16 =	vld [tilespmem:s6+$0x36E0]  }
0x307: {  	v17 =	vld [tilespmem:s6+$0x3E80]  }
0x308: {  	v18 =	vld [tilespmem:s6+$0x3E90]  }
0x309: {  	v19 =	vld [tilespmem:s6+$0x3EA0]  }
0x30a: {  	v20 =	vld [tilespmem:s6+$0x3EB0]  }
0x30b: {  	v21 =	vld [tilespmem:s6+$0x3EC0]  }
0x30c: {  	v22 =	vld [tilespmem:s6+$0x3ED0]  }
0x30d: {  	v23 =	vld [tilespmem:s6+$0x3EE0];
	v3 =	vadd.f32 v4, v3  }
0x30e: {  	v4 =	vld [tilespmem:s6+$0x4EF0]  }
0x30f: {  	v24 =	vld [tilespmem:s6+$0x4680];
	v3 =	vadd.f32 v6, v3  }
0x310: {  	v25 =	vld [tilespmem:s6+$0x4690]  }
0x311: {  	v26 =	vld [tilespmem:s6+$0x46A0];
	v3 =	vadd.f32 v8, v3  }
0x312: {  	v59 =	vld [tilespmem:s6+$0x4E90]  }
0x313: {  	v6 =	vld [tilespmem:s6+$0x2EA0];
	v3 =	vadd.f32 v4, v3  }
0x314: {  	v5 =	vadd.f32 v7, v5;
	v7 =	vadd.f32 v10, v9;
	v8 =	vld [tilespmem:s6+$0x2EB0]  }
0x315: {  	[tilespmem:s6+$0x7EF0] =	vst v3;
	v3 =	vld [tilespmem:s6+$0x2ED0]  }
0x316: {  	v5 =	vadd.f32 v17, v5;
	v7 =	vadd.f32 v18, v7;
	v4 =	vld [tilespmem:s6+$0x2EC0]  }
0x317: {  	v60 =	vld [tilespmem:s6+$0x4EA0]  }
0x318: {  	v9 =	vld [tilespmem:s6+$0x46B0];
	v61 =	vadd.f32 v24, v5;
	v62 =	vadd.f32 v25, v7  }
0x319: {  	v10 =	vld [tilespmem:s6+$0x46C0];
	v6 =	vadd.f32 v11, v6;
	v8 =	vadd.f32 v12, v8  }
0x31a: {  	v12 =	vadd.f32 v16, v15;
	v3 =	vadd.f32 v14, v3;
	v14 =	vld [tilespmem:s6+$0x4E80]  }
0x31b: {  	v11 =	vld [tilespmem:s6+$0x46D0];
	v6 =	vadd.f32 v19, v6;
	v4 =	vadd.f32 v13, v4  }
0x31c: {  	v13 =	vld [tilespmem:s6+$0x46E0];
	v8 =	vadd.f32 v20, v8;
	v12 =	vadd.f32 v23, v12  }
0x31d: {  	v7 =	vld [tilespmem:s6+$0x4EB0];
	v63 =	vadd.f32 v26, v6;
	v15 =	vadd.f32 v21, v4  }
0x31e: {  	v4 =	vadd.f32 v9, v8;
	v8 =	vld [tilespmem:s6+$0x4EC0];
	v3 =	vadd.f32 v22, v3  }
0x31f: {  	v9 =	vld [tilespmem:s6+$0x4ED0];
	v5 =	vadd.f32 v10, v15;
	v14 =	vadd.f32 v14, v61  }
0x320: {  	s8 =	simm.s32 $0x80;
	v10 =	vadd.f32 v59, v62;
	v6 =	vadd.f32 v11, v3;
	v11 =	vld [tilespmem:s6+$0x4EE0]  }
0x321: {  	s11 =	simm.s32 $0x400;
	v3 =	vadd.f32 v13, v12;
	v13 =	vld [tilespmem:s8+$0x2EF0];
	v12 =	vadd.f32 v60, v63;
	[tilespmem:s6+$0x7E80] =	vst v14  }
.LBB2_29:
0x322: {  	p1 =	sne.s32 s11, $0x1E00;
	v14 =	vld [tilespmem:s8+$0x36F0];
	[tilespmem:s6+$0x7E90] =	vst v10;
	v4 =	vadd.f32 v7, v4  }
0x323: {  	v7 =	vld [tilespmem:s8+$0x2E80];
	[tilespmem:s6+$0x7EA0] =	vst v12;
	v5 =	vadd.f32 v8, v5  }
0x324: {  	v8 =	vld [tilespmem:s8+$0x3EF0];
	[tilespmem:s6+$0x7EB0] =	vst v4;
	v4 =	vadd.f32 v9, v6  }
0x325: {  	v6 =	vld [tilespmem:s8+$0x3680];
	[tilespmem:s6+$0x7EC0] =	vst v5;
	v3 =	vadd.f32 v11, v3  }
0x326: {  	v5 =	vld [tilespmem:s8+$0x46F0];
	[tilespmem:s6+$0x7ED0] =	vst v4  }
0x327: {  	v4 =	vld [tilespmem:s8+$0x2E90];
	v9 =	vadd.f32 v14, v13;
	[tilespmem:s6+$0x7EE0] =	vst v3;
	s6 =	smov.u32 s8  }
0x328: {  	v3 =	vld [tilespmem:s6+$0x4EF0]  }
0x329: {  	v10 =	vld [tilespmem:s6+$0x3690];
	v8 =	vadd.f32 v8, v9  }
0x32a: {  	v6 =	vadd.f32 v6, v7;
	v7 =	vld [tilespmem:s6+$0x2EA0]  }
0x32b: {  	v9 =	vld [tilespmem:s6+$0x36A0];
	v5 =	vadd.f32 v5, v8  }
0x32c: {  	v8 =	vld [tilespmem:s6+$0x2EB0]  }
0x32d: {  	v11 =	vld [tilespmem:s6+$0x36B0];
	v3 =	vadd.f32 v3, v5  }
0x32e: {  	v4 =	vadd.f32 v10, v4;
	v5 =	vld [tilespmem:s6+$0x2EC0]  }
0x32f: {  	v10 =	vld [tilespmem:s6+$0x36C0];
	[tilespmem:s6+$0x7EF0] =	vst v3  }
0x330: {  	v3 =	vadd.f32 v9, v7;
	v7 =	vld [tilespmem:s6+$0x2ED0]  }
0x331: {  	v9 =	vld [tilespmem:s6+$0x36D0]  }
0x332: {  	v8 =	vadd.f32 v11, v8;
	v11 =	vld [tilespmem:s6+$0x2EE0]  }
0x333: {  	v12 =	vld [tilespmem:s6+$0x36E0]  }
0x334: {  	v13 =	vld [tilespmem:s6+$0x3E80];
	v5 =	vadd.f32 v10, v5  }
0x335: {  	v10 =	vld [tilespmem:s6+$0x3E90]  }
0x336: {  	v14 =	vld [tilespmem:s6+$0x3EA0];
	v7 =	vadd.f32 v9, v7  }
0x337: {  	v9 =	vld [tilespmem:s6+$0x3EB0]  }
0x338: {  	v15 =	vld [tilespmem:s6+$0x3EC0];
	v11 =	vadd.f32 v12, v11  }
0x339: {  	v6 =	vadd.f32 v13, v6;
	v12 =	vld [tilespmem:s6+$0x3ED0]  }
0x33a: {  	v4 =	vadd.f32 v10, v4;
	v10 =	vld [tilespmem:s6+$0x3EE0]  }
0x33b: {  	v13 =	vld [tilespmem:s6+$0x4680];
	v3 =	vadd.f32 v14, v3  }
0x33c: {  	v14 =	vld [tilespmem:s6+$0x4690];
	v8 =	vadd.f32 v9, v8  }
0x33d: {  	v9 =	vld [tilespmem:s6+$0x46A0];
	v5 =	vadd.f32 v15, v5  }
0x33e: {  	v15 =	vld [tilespmem:s6+$0x46B0];
	v12 =	vadd.f32 v12, v7  }
0x33f: {  	v7 =	vld [tilespmem:s6+$0x46C0];
	v10 =	vadd.f32 v10, v11  }
0x340: {  	v11 =	vadd.f32 v13, v6;
	v6 =	vld [tilespmem:s6+$0x46D0]  }
0x341: {  	v13 =	vadd.f32 v14, v4;
	v14 =	vld [tilespmem:s6+$0x46E0]  }
0x342: {  	v16 =	vld [tilespmem:s6+$0x4E80];
	v17 =	vadd.f32 v9, v3  }
0x343: {  	v18 =	vld [tilespmem:s6+$0x4E90];
	v4 =	vadd.f32 v15, v8  }
0x344: {  	v15 =	vld [tilespmem:s6+$0x4EA0];
	v5 =	vadd.f32 v7, v5  }
.Ltmp15:
0x345: {  	v7 =	vld [tilespmem:s6+$0x4EB0];
	v6 =	vadd.f32 v6, v12;
	(pc) =	sbr.rel @p1 .LBB2_29-.Ltmp15, $4  }
0x346: {  	v8 =	vld [tilespmem:s6+$0x4EC0];
	v3 =	vadd.f32 v14, v10  }
0x347: {  	v12 =	vadd.f32 v16, v11;
	v9 =	vld [tilespmem:s6+$0x4ED0]  }
0x348: {  	s8 =	sshra.s32 s11, $0x2;
	v10 =	vadd.f32 v18, v13;
	v11 =	vld [tilespmem:s6+$0x4EE0]  }
0x349: {  	s11 =	sadd.s32 $0x200, s11;
	v13 =	vld [tilespmem:s8+$0x2EF0];
	[tilespmem:s6+$0x7E80] =	vst v12;
	v12 =	vadd.f32 v15, v17  }
0x34a: {  	v14 =	vld [tilespmem:s8+$0x36F0]  }
0x34b: {  	v15 =	vld [tilespmem:s8+$0x2E80]  }
0x34c: {  	v16 =	vld [tilespmem:s8+$0x3EF0]  }
0x34d: {  	v17 =	vld [tilespmem:s8+$0x3680]  }
0x34e: {  	v18 =	vld [tilespmem:s8+$0x46F0]  }
0x34f: {  	v19 =	vld [tilespmem:s8+$0x2E90]  }
0x350: {  	v60 =	vld [tilespmem:s8+$0x4EF0]  }
0x351: {  	v20 =	vld [tilespmem:s8+$0x3690]  }
0x352: {  	v61 =	vld [tilespmem:s8+$0x2EA0]  }
0x353: {  	v21 =	vld [tilespmem:s8+$0x36A0]  }
0x354: {  	v62 =	vld [tilespmem:s8+$0x2EB0]  }
0x355: {  	v22 =	vld [tilespmem:s8+$0x36B0]  }
0x356: {  	v63 =	vld [tilespmem:s8+$0x2EC0]  }
0x357: {  	v23 =	vld [tilespmem:s8+$0x36C0]  }
0x358: {  	v36 =	vld [tilespmem:s8+$0x2ED0]  }
0x359: {  	v24 =	vld [tilespmem:s8+$0x36D0]  }
0x35a: {  	v25 =	vld [tilespmem:s8+$0x2EE0]  }
0x35b: {  	v26 =	vld [tilespmem:s8+$0x36E0]  }
0x35c: {  	v27 =	vld [tilespmem:s8+$0x3E80]  }
0x35d: {  	v28 =	vld [tilespmem:s8+$0x3E90]  }
0x35e: {  	v29 =	vld [tilespmem:s8+$0x3EA0]  }
0x35f: {  	v30 =	vld [tilespmem:s8+$0x3EB0]  }
0x360: {  	v31 =	vld [tilespmem:s8+$0x3EC0]  }
0x361: {  	v32 =	vld [tilespmem:s8+$0x3ED0]  }
0x362: {  	v33 =	vld [tilespmem:s8+$0x3EE0]  }
0x363: {  	v34 =	vld [tilespmem:s8+$0x4680];
	v4 =	vadd.f32 v7, v4;
	v5 =	vadd.f32 v8, v5  }
0x364: {  	v35 =	vld [tilespmem:s8+$0x4690];
	v6 =	vadd.f32 v9, v6;
	v3 =	vadd.f32 v11, v3  }
0x365: {  	v37 =	vld [tilespmem:s8+$0x46A0];
	v13 =	vadd.f32 v14, v13;
	v39 =	vadd.f32 v17, v15  }
0x366: {  	v38 =	vld [tilespmem:s8+$0x46B0];
	v40 =	vadd.f32 v20, v19;
	v42 =	vadd.f32 v22, v62  }
0x367: {  	v41 =	vld [tilespmem:s8+$0x46C0];
	v14 =	vadd.f32 v23, v63;
	v45 =	vadd.f32 v26, v25  }
0x368: {  	v43 =	vld [tilespmem:s8+$0x46D0];
	v13 =	vadd.f32 v16, v13;
	v16 =	vadd.f32 v21, v61  }
0x369: {  	v44 =	vld [tilespmem:s8+$0x46E0];
	v9 =	vadd.f32 v27, v39;
	v47 =	vadd.f32 v28, v40  }
0x36a: {  	v46 =	vld [tilespmem:s8+$0x4E80];
	[tilespmem:s6+$0x7E90] =	vst v10;
	v50 =	vadd.f32 v30, v42;
	v14 =	vadd.f32 v31, v14  }
0x36b: {  	v49 =	vld [tilespmem:s8+$0x4E90];
	[tilespmem:s6+$0x7EA0] =	vst v12;
	v54 =	vadd.f32 v33, v45;
	v13 =	vadd.f32 v18, v13  }
0x36c: {  	v53 =	vld [tilespmem:s8+$0x4EB0];
	[tilespmem:s6+$0x7EB0] =	vst v4;
	v48 =	vadd.f32 v29, v16;
	v9 =	vadd.f32 v34, v9  }
0x36d: {  	v55 =	vld [tilespmem:s8+$0x4EC0];
	[tilespmem:s6+$0x7EC0] =	vst v5;
	v10 =	vadd.f32 v35, v47;
	v13 =	vadd.f32 v60, v13  }
0x36e: {  	v51 =	vld [tilespmem:s8+$0x4EA0];
	[tilespmem:s6+$0x7EE0] =	vst v3;
	v3 =	vadd.f32 v38, v50;
	v61 =	vadd.f32 v41, v14  }
0x36f: {  	v57 =	vadd.f32 v46, v9;
	v60 =	vld [tilespmem:s8+$0x4EE0];
	[tilespmem:s8+$0x7EF0] =	vst v13;
	v13 =	vadd.f32 v24, v36  }
0x370: {  	v58 =	vld [tilespmem:s8+$0x4ED0];
	[tilespmem:s6+$0x7ED0] =	vst v6;
	v56 =	vadd.f32 v37, v48;
	v59 =	vadd.f32 v49, v10  }
0x371: {  	v3 =	vadd.f32 v53, v3;
	[tilespmem:s8+$0x7E80] =	vst v57;
	v52 =	vadd.f32 v32, v13  }
0x372: {  	s13 =	sadd.s32 $0x1, s13;
	v5 =	vadd.f32 v44, v54;
	v62 =	vadd.f32 v55, v61;
	[tilespmem:s8+$0x7E90] =	vst v59  }
0x373: {  	p1 =	sne.s32 s13, $0xA;
	v6 =	vadd.f32 v51, v56;
	[tilespmem:s8+$0x7EB0] =	vst v3;
	v4 =	vadd.f32 v43, v52  }
.Ltmp16:
0x374: {  	[tilespmem:s8+$0x7EC0] =	vst v62;
	v63 =	vadd.f32 v60, v5;
	(pc) =	sbr.rel @p1 .LBB2_2-.Ltmp16, $4  }
0x375: {  	[tilespmem:s8+$0x7EA0] =	vst v6;
	v3 =	vadd.f32 v58, v4  }
0x376: {  	s0 =	sshll.u32 s14, $0x8;
	[tilespmem:s8+$0x7EE0] =	vst v63  }
0x377: {  	s0 =	sadd.s32 s3, s0;
	[tilespmem:s8+$0x7ED0] =	vst v3  }
0x378: {  	[hbm4b:s0+s5] =	stream.linear.scatter [tilespmem:s28], [sflag:$0x3], $0x800, $0x38;
	[tilespmem:$0x8E80] =	vst v63  }
.Ltmp17:
0x379: {  	(pc) =	sbr.rel @p0 .LBB2_35-.Ltmp17, $2  }
0x37a: {  	_ =	sdelay $0x2  }
0x37b: {  	s6 =	rddreg [dreg:$0x9]  }
0x37c: {  	_ =	swait.ge [sflag:s29], $0x2800  }
0x37d: {  	[sflag:s29] =	ssyncset.done $0x0  }
0x37e: {  	s0 =	simm.s32 $0x4;
	[sflag:s29] =	ssyncadd.s32 $0xFFFFD800  }
0x37f: {  	_ =	swait.ge [sflag:s0], $0x800  }
0x380: {  	[sflag:s0] =	ssyncset.done $0x0  }
0x381: {  	s6 =	simm.s32 $0x0;
	[sflag:s0] =	ssyncadd.s32 $0xFFFFF800  }
0x382: {  	v3 =	vld [tilespmem:s6+$0x56F0]  }
0x383: {  	v4 =	vld [tilespmem:s6+$0x5EF0]  }
0x384: {  	v5 =	vld [tilespmem:s6+$0x5680]  }
0x385: {  	v6 =	vld [tilespmem:s6+$0x66F0]  }
0x386: {  	v7 =	vld [tilespmem:s6+$0x5E80]  }
0x387: {  	v8 =	vld [tilespmem:s6+$0x6EF0]  }
0x388: {  	v9 =	vld [tilespmem:s6+$0x5690]  }
0x389: {  	v10 =	vld [tilespmem:s6+$0x5E90]  }
0x38a: {  	v11 =	vld [tilespmem:s6+$0x5EA0]  }
0x38b: {  	v12 =	vld [tilespmem:s6+$0x5EB0]  }
0x38c: {  	v13 =	vld [tilespmem:s6+$0x5EC0]  }
0x38d: {  	v14 =	vld [tilespmem:s6+$0x5ED0]  }
0x38e: {  	v15 =	vld [tilespmem:s6+$0x56E0]  }
0x38f: {  	v16 =	vld [tilespmem:s6+$0x5EE0]  }
0x390: {  	v17 =	vld [tilespmem:s6+$0x6680]  }
0x391: {  	v18 =	vld [tilespmem:s6+$0x6690]  }
0x392: {  	v19 =	vld [tilespmem:s6+$0x66A0]  }
0x393: {  	v20 =	vld [tilespmem:s6+$0x66B0]  }
0x394: {  	v21 =	vld [tilespmem:s6+$0x66C0]  }
0x395: {  	v22 =	vld [tilespmem:s6+$0x66D0]  }
0x396: {  	v23 =	vld [tilespmem:s6+$0x66E0];
	v3 =	vadd.f32 v4, v3  }
0x397: {  	v4 =	vld [tilespmem:s6+$0x76F0]  }
0x398: {  	v24 =	vld [tilespmem:s6+$0x6E80];
	v3 =	vadd.f32 v6, v3  }
0x399: {  	v25 =	vld [tilespmem:s6+$0x6E90]  }
0x39a: {  	v26 =	vld [tilespmem:s6+$0x6EA0];
	v3 =	vadd.f32 v8, v3  }
0x39b: {  	v59 =	vld [tilespmem:s6+$0x7690]  }
0x39c: {  	v6 =	vld [tilespmem:s6+$0x56A0];
	v3 =	vadd.f32 v4, v3  }
0x39d: {  	v5 =	vadd.f32 v7, v5;
	v7 =	vadd.f32 v10, v9;
	v8 =	vld [tilespmem:s6+$0x56B0]  }
0x39e: {  	[tilespmem:s6+$0x86F0] =	vst v3;
	v3 =	vld [tilespmem:s6+$0x56D0]  }
0x39f: {  	v5 =	vadd.f32 v17, v5;
	v7 =	vadd.f32 v18, v7;
	v4 =	vld [tilespmem:s6+$0x56C0]  }
0x3a0: {  	v60 =	vld [tilespmem:s6+$0x76A0]  }
0x3a1: {  	v9 =	vld [tilespmem:s6+$0x6EB0];
	v61 =	vadd.f32 v24, v5;
	v62 =	vadd.f32 v25, v7  }
0x3a2: {  	v10 =	vld [tilespmem:s6+$0x6EC0];
	v6 =	vadd.f32 v11, v6;
	v8 =	vadd.f32 v12, v8  }
0x3a3: {  	v12 =	vadd.f32 v16, v15;
	v3 =	vadd.f32 v14, v3;
	v14 =	vld [tilespmem:s6+$0x7680]  }
0x3a4: {  	v11 =	vld [tilespmem:s6+$0x6ED0];
	v6 =	vadd.f32 v19, v6;
	v4 =	vadd.f32 v13, v4  }
0x3a5: {  	v13 =	vld [tilespmem:s6+$0x6EE0];
	v8 =	vadd.f32 v20, v8;
	v12 =	vadd.f32 v23, v12  }
0x3a6: {  	v7 =	vld [tilespmem:s6+$0x76B0];
	v63 =	vadd.f32 v26, v6;
	v15 =	vadd.f32 v21, v4  }
0x3a7: {  	v4 =	vadd.f32 v9, v8;
	v8 =	vld [tilespmem:s6+$0x76C0];
	v3 =	vadd.f32 v22, v3  }
0x3a8: {  	v9 =	vld [tilespmem:s6+$0x76D0];
	v5 =	vadd.f32 v10, v15;
	v14 =	vadd.f32 v14, v61  }
0x3a9: {  	s8 =	simm.s32 $0x80;
	v10 =	vadd.f32 v59, v62;
	v6 =	vadd.f32 v11, v3;
	v11 =	vld [tilespmem:s6+$0x76E0]  }
0x3aa: {  	s11 =	simm.s32 $0x400;
	v3 =	vadd.f32 v13, v12;
	v13 =	vld [tilespmem:s8+$0x56F0];
	v12 =	vadd.f32 v60, v63;
	[tilespmem:s6+$0x8680] =	vst v14  }
.LBB2_33:
0x3ab: {  	p1 =	sne.s32 s11, $0x1E00;
	v14 =	vld [tilespmem:s8+$0x5EF0];
	[tilespmem:s6+$0x8690] =	vst v10;
	v4 =	vadd.f32 v7, v4  }
0x3ac: {  	v7 =	vld [tilespmem:s8+$0x5680];
	[tilespmem:s6+$0x86A0] =	vst v12;
	v5 =	vadd.f32 v8, v5  }
0x3ad: {  	v8 =	vld [tilespmem:s8+$0x66F0];
	[tilespmem:s6+$0x86B0] =	vst v4;
	v4 =	vadd.f32 v9, v6  }
0x3ae: {  	v6 =	vld [tilespmem:s8+$0x5E80];
	[tilespmem:s6+$0x86C0] =	vst v5;
	v3 =	vadd.f32 v11, v3  }
0x3af: {  	v5 =	vld [tilespmem:s8+$0x6EF0];
	[tilespmem:s6+$0x86D0] =	vst v4  }
0x3b0: {  	v4 =	vld [tilespmem:s8+$0x5690];
	v9 =	vadd.f32 v14, v13;
	[tilespmem:s6+$0x86E0] =	vst v3;
	s6 =	smov.u32 s8  }
0x3b1: {  	v3 =	vld [tilespmem:s6+$0x76F0]  }
0x3b2: {  	v10 =	vld [tilespmem:s6+$0x5E90];
	v8 =	vadd.f32 v8, v9  }
0x3b3: {  	v6 =	vadd.f32 v6, v7;
	v7 =	vld [tilespmem:s6+$0x56A0]  }
0x3b4: {  	v9 =	vld [tilespmem:s6+$0x5EA0];
	v5 =	vadd.f32 v5, v8  }
0x3b5: {  	v8 =	vld [tilespmem:s6+$0x56B0]  }
0x3b6: {  	v11 =	vld [tilespmem:s6+$0x5EB0];
	v3 =	vadd.f32 v3, v5  }
0x3b7: {  	v4 =	vadd.f32 v10, v4;
	v5 =	vld [tilespmem:s6+$0x56C0]  }
0x3b8: {  	v10 =	vld [tilespmem:s6+$0x5EC0];
	[tilespmem:s6+$0x86F0] =	vst v3  }
0x3b9: {  	v3 =	vadd.f32 v9, v7;
	v7 =	vld [tilespmem:s6+$0x56D0]  }
0x3ba: {  	v9 =	vld [tilespmem:s6+$0x5ED0]  }
0x3bb: {  	v8 =	vadd.f32 v11, v8;
	v11 =	vld [tilespmem:s6+$0x56E0]  }
0x3bc: {  	v12 =	vld [tilespmem:s6+$0x5EE0]  }
0x3bd: {  	v13 =	vld [tilespmem:s6+$0x6680];
	v5 =	vadd.f32 v10, v5  }
0x3be: {  	v10 =	vld [tilespmem:s6+$0x6690]  }
0x3bf: {  	v14 =	vld [tilespmem:s6+$0x66A0];
	v7 =	vadd.f32 v9, v7  }
0x3c0: {  	v9 =	vld [tilespmem:s6+$0x66B0]  }
0x3c1: {  	v15 =	vld [tilespmem:s6+$0x66C0];
	v11 =	vadd.f32 v12, v11  }
0x3c2: {  	v6 =	vadd.f32 v13, v6;
	v12 =	vld [tilespmem:s6+$0x66D0]  }
0x3c3: {  	v4 =	vadd.f32 v10, v4;
	v10 =	vld [tilespmem:s6+$0x66E0]  }
0x3c4: {  	v13 =	vld [tilespmem:s6+$0x6E80];
	v3 =	vadd.f32 v14, v3  }
0x3c5: {  	v14 =	vld [tilespmem:s6+$0x6E90];
	v8 =	vadd.f32 v9, v8  }
0x3c6: {  	v9 =	vld [tilespmem:s6+$0x6EA0];
	v5 =	vadd.f32 v15, v5  }
0x3c7: {  	v15 =	vld [tilespmem:s6+$0x6EB0];
	v12 =	vadd.f32 v12, v7  }
0x3c8: {  	v7 =	vld [tilespmem:s6+$0x6EC0];
	v10 =	vadd.f32 v10, v11  }
0x3c9: {  	v11 =	vadd.f32 v13, v6;
	v6 =	vld [tilespmem:s6+$0x6ED0]  }
0x3ca: {  	v13 =	vadd.f32 v14, v4;
	v14 =	vld [tilespmem:s6+$0x6EE0]  }
0x3cb: {  	v16 =	vld [tilespmem:s6+$0x7680];
	v17 =	vadd.f32 v9, v3  }
0x3cc: {  	v18 =	vld [tilespmem:s6+$0x7690];
	v4 =	vadd.f32 v15, v8  }
0x3cd: {  	v15 =	vld [tilespmem:s6+$0x76A0];
	v5 =	vadd.f32 v7, v5  }
.Ltmp18:
0x3ce: {  	v7 =	vld [tilespmem:s6+$0x76B0];
	v6 =	vadd.f32 v6, v12;
	(pc) =	sbr.rel @p1 .LBB2_33-.Ltmp18, $4  }
0x3cf: {  	v8 =	vld [tilespmem:s6+$0x76C0];
	v3 =	vadd.f32 v14, v10  }
0x3d0: {  	v12 =	vadd.f32 v16, v11;
	v9 =	vld [tilespmem:s6+$0x76D0]  }
0x3d1: {  	s8 =	sshra.s32 s11, $0x2;
	v10 =	vadd.f32 v18, v13;
	v11 =	vld [tilespmem:s6+$0x76E0]  }
0x3d2: {  	s11 =	sadd.s32 $0x200, s11;
	v13 =	vld [tilespmem:s8+$0x56F0];
	[tilespmem:s6+$0x8680] =	vst v12;
	v12 =	vadd.f32 v15, v17  }
0x3d3: {  	v14 =	vld [tilespmem:s8+$0x5EF0]  }
0x3d4: {  	v15 =	vld [tilespmem:s8+$0x5680]  }
0x3d5: {  	v16 =	vld [tilespmem:s8+$0x66F0]  }
0x3d6: {  	v17 =	vld [tilespmem:s8+$0x5E80]  }
0x3d7: {  	v18 =	vld [tilespmem:s8+$0x6EF0]  }
0x3d8: {  	v19 =	vld [tilespmem:s8+$0x5690]  }
0x3d9: {  	v60 =	vld [tilespmem:s8+$0x76F0]  }
0x3da: {  	v20 =	vld [tilespmem:s8+$0x5E90]  }
0x3db: {  	v61 =	vld [tilespmem:s8+$0x56A0]  }
0x3dc: {  	v21 =	vld [tilespmem:s8+$0x5EA0]  }
0x3dd: {  	v62 =	vld [tilespmem:s8+$0x56B0]  }
0x3de: {  	v22 =	vld [tilespmem:s8+$0x5EB0]  }
0x3df: {  	v63 =	vld [tilespmem:s8+$0x56C0]  }
0x3e0: {  	v23 =	vld [tilespmem:s8+$0x5EC0]  }
0x3e1: {  	v36 =	vld [tilespmem:s8+$0x56D0]  }
0x3e2: {  	v24 =	vld [tilespmem:s8+$0x5ED0]  }
0x3e3: {  	v25 =	vld [tilespmem:s8+$0x56E0]  }
0x3e4: {  	v26 =	vld [tilespmem:s8+$0x5EE0]  }
0x3e5: {  	v27 =	vld [tilespmem:s8+$0x6680]  }
0x3e6: {  	v28 =	vld [tilespmem:s8+$0x6690]  }
0x3e7: {  	v29 =	vld [tilespmem:s8+$0x66A0]  }
0x3e8: {  	v30 =	vld [tilespmem:s8+$0x66B0]  }
0x3e9: {  	v31 =	vld [tilespmem:s8+$0x66C0]  }
0x3ea: {  	v32 =	vld [tilespmem:s8+$0x66D0]  }
0x3eb: {  	v33 =	vld [tilespmem:s8+$0x66E0]  }
0x3ec: {  	v34 =	vld [tilespmem:s8+$0x6E80];
	v4 =	vadd.f32 v7, v4;
	v5 =	vadd.f32 v8, v5  }
0x3ed: {  	v35 =	vld [tilespmem:s8+$0x6E90];
	v6 =	vadd.f32 v9, v6;
	v3 =	vadd.f32 v11, v3  }
0x3ee: {  	v37 =	vld [tilespmem:s8+$0x6EA0];
	v13 =	vadd.f32 v14, v13;
	v39 =	vadd.f32 v17, v15  }
0x3ef: {  	v38 =	vld [tilespmem:s8+$0x6EB0];
	v40 =	vadd.f32 v20, v19;
	v42 =	vadd.f32 v22, v62  }
0x3f0: {  	v41 =	vld [tilespmem:s8+$0x6EC0];
	v14 =	vadd.f32 v23, v63;
	v45 =	vadd.f32 v26, v25  }
0x3f1: {  	v43 =	vld [tilespmem:s8+$0x6ED0];
	v13 =	vadd.f32 v16, v13;
	v16 =	vadd.f32 v21, v61  }
0x3f2: {  	v44 =	vld [tilespmem:s8+$0x6EE0];
	v9 =	vadd.f32 v27, v39;
	v47 =	vadd.f32 v28, v40  }
0x3f3: {  	v46 =	vld [tilespmem:s8+$0x7680];
	[tilespmem:s6+$0x8690] =	vst v10;
	v50 =	vadd.f32 v30, v42;
	v14 =	vadd.f32 v31, v14  }
0x3f4: {  	v49 =	vld [tilespmem:s8+$0x7690];
	[tilespmem:s6+$0x86A0] =	vst v12;
	v54 =	vadd.f32 v33, v45;
	v13 =	vadd.f32 v18, v13  }
0x3f5: {  	v53 =	vld [tilespmem:s8+$0x76B0];
	[tilespmem:s6+$0x86B0] =	vst v4;
	v48 =	vadd.f32 v29, v16;
	v9 =	vadd.f32 v34, v9  }
0x3f6: {  	v55 =	vld [tilespmem:s8+$0x76C0];
	[tilespmem:s6+$0x86C0] =	vst v5;
	v10 =	vadd.f32 v35, v47;
	v13 =	vadd.f32 v60, v13  }
0x3f7: {  	v51 =	vld [tilespmem:s8+$0x76A0];
	[tilespmem:s6+$0x86E0] =	vst v3;
	v3 =	vadd.f32 v38, v50;
	v61 =	vadd.f32 v41, v14  }
0x3f8: {  	v57 =	vadd.f32 v46, v9;
	v60 =	vld [tilespmem:s8+$0x76E0];
	[tilespmem:s8+$0x86F0] =	vst v13;
	v13 =	vadd.f32 v24, v36  }
0x3f9: {  	v58 =	vld [tilespmem:s8+$0x76D0];
	[tilespmem:s6+$0x86D0] =	vst v6;
	v56 =	vadd.f32 v37, v48;
	v59 =	vadd.f32 v49, v10  }
0x3fa: {  	v3 =	vadd.f32 v53, v3;
	[tilespmem:s8+$0x8680] =	vst v57;
	v52 =	vadd.f32 v32, v13  }
0x3fb: {  	v5 =	vadd.f32 v44, v54;
	v62 =	vadd.f32 v55, v61;
	[tilespmem:s8+$0x8690] =	vst v59  }
0x3fc: {  	v6 =	vadd.f32 v51, v56;
	[tilespmem:s8+$0x86B0] =	vst v3;
	v4 =	vadd.f32 v43, v52  }
0x3fd: {  	[tilespmem:s8+$0x86C0] =	vst v62;
	v63 =	vadd.f32 v60, v5  }
0x3fe: {  	[tilespmem:s8+$0x86A0] =	vst v6;
	v3 =	vadd.f32 v58, v4  }
.Ltmp19:
0x3ff: {  	[tilespmem:s8+$0x86E0] =	vst v63;
	(pc) =	sbr.rel .LBB2_35-.Ltmp19, $4  }
0x400: {  	[tilespmem:s8+$0x86D0] =	vst v3  }
0x401: {  	s0 =	rddreg [dreg:$0x7]  }
0x402: {  	s4 =	simm.s32 $0x8680;
	s6 =	rddreg [dreg:$0x9]  }
0x403: {  	[hbm4b:s0+s5] =	stream.linear.scatter [tilespmem:s4], [sflag:$0x4], $0x800, $0x38;
	[tilespmem:$0x8E80] =	vst v63  }
.LBB2_36:
0x404: {  	_ =	sfence.sel $0x180000  }
0x405: {  	[bflag:$0x0] =	sbarrier.arrive $0xFFFF  }
0x406: {  	_ =	strace $0x90000047  }
0x407: {  	s0 =	stileid.u32;
	[bflag:$0x2] =	sbarrier.arrive $0xFFFF  }
0x408: {  	p0 =	sne.s32 s0, $0x0;
	s0 =	rddreg [dreg:$0x4]  }
0x409: {  	s0 =	sadd.s32 @!p0 $0x100000, s0  }
0x40a: {  	[sflag:s0] =	ssyncadd.tile.s32 @!p0 $0x1;
	_ =	shalt  }
.Lfunc_end2:
_tile_overlayer_lowered:
.L_overlay_start_2:
0x40b: {  	(tag) =	ssettag $0x2  }
0x40c: {  	s0 =	rddreg [dreg:$0x0];
	s2 =	stileid.u32  }
0x40d: {  	s1 =	rddreg [dreg:$0x1];
	p0 =	sne.s32 s2, $0x0  }
0x40e: {  	s3 =	rddreg [dreg:$0x2];
	[bflag:$0x3] =	sbarrier.arrive $0xFFFF;
	s2 =	simm.s32 @!p0 $0x1C07  }
0x40f: {  	[timem:s3], [sflag:s2] =	dma.local @!p0 [hbm:s0], s1  }
0x410: {  	s0 =	simm.s32 @!p0 $0x7  }
0x411: {  	_ =	swait.ge @!p0 [sflag:s0], s1  }
0x412: {  	s1 =	ssub.s32 @!p0 $0x0, s1;
	[sflag:s0] =	ssyncset.done @!p0 $0x0  }
0x413: {  	[sflag:s0] =	ssyncadd.s32 @!p0 s1  }
0x414: {  	[bflag:$0x3] =	sbarrier.arrive $0xFFFF  }
0x415: {  	_ =	shalt  }

</sc_bundles>
